<compile_context>
chip_gen: v7x
topology: tpu7x:2x2x1
jax: 0.10.2.dev20260603
libtpu: 0.0.44.dev20260713+nightly
codegen_flags: <defaults>
</compile_context>

<pallas_src>
import functools

import numpy as np
import jax
import jax.numpy as jnp
from jax import lax
from jax.experimental import pallas as pl
from jax.experimental.pallas import tpu as pltpu
from jax.experimental.pallas import tpu_sc as plsc

N_V = 100000
NP = 100352
N_F = 200000
NTILES = 32
FPT = 6256
LAST = N_F - (NTILES - 1) * FPT
CHUNK = 1024
NFULL = 6
REM = FPT - NFULL * CHUNK
REML = LAST - 5 * CHUNK
CPT = NP // 16
RW = 8

_COLS = ((0, (1, 2)), (1, (0, 2)), (2, (1, 0)))


def _sc_scatter(vert_pad, zeros, faces_t):
    mesh = plsc.VectorSubcoreMesh(core_axis_name="c", subcore_axis_name="s")

    @functools.partial(
        pl.kernel,
        mesh=mesh,
        compiler_params=pltpu.CompilerParams(use_tc_tiling_on_sc=False),
        out_type=jax.ShapeDtypeStruct((2, NP, RW), jnp.float32),
        scratch_types=[
            pltpu.VMEM_SHARED((NP, RW), jnp.float32),
            [[pltpu.VMEM((CHUNK,), jnp.int32)] * 3] * 2,
            [[pltpu.VMEM((CHUNK, RW), jnp.float32)] * 3] * 2,
            [pltpu.VMEM((REM,), jnp.int32)] * 3,
            pltpu.VMEM((REM, RW), jnp.float32),
            [pltpu.VMEM((REML,), jnp.int32)] * 3,
            pltpu.VMEM((REML, RW), jnp.float32),
            [pltpu.SemaphoreType.DMA] * 2,
            [pltpu.SemaphoreType.DMA] * 2,
            [pltpu.SemaphoreType.DMA] * 2,
        ],
    )
    def body(vp_hbm, z_hbm, ft_hbm, out_hbm,
             acc_sh, colb, rowsb, colr, rowsr, colrl, rowsrl,
             isem, gsem, ssem):
        cid = lax.axis_index("c")
        sid = lax.axis_index("s")
        wid = sid * 2 + cid
        r0 = sid * CPT
        fbase = wid * FPT

        pltpu.sync_copy(z_hbm.at[pl.ds(r0, CPT)], acc_sh.at[pl.ds(r0, CPT)])
        plsc.subcore_barrier()

        def edge_pipeline(nfull, rem, colr_, rowsr_):
            def start_idx(c):
                b = c % 2
                f0 = fbase + c * CHUNK
                return [pltpu.async_copy(ft_hbm.at[col, pl.ds(f0, CHUNK)],
                                         colb[b][col], isem[b])
                        for col in range(3)]

            idx_h = {0: start_idx(0)}
            gat_h = {}
            sca_h = {}
            for c in range(nfull):
                b = c % 2
                for h in idx_h.pop(c):
                    h.wait()
                gat_h[c] = [pltpu.async_copy(vp_hbm.at[colb[b][cs]],
                                             rowsb[b][cs], gsem[b])
                            for cs, _ in _COLS]
                if c + 1 < nfull:
                    if c >= 1:
                        for h in sca_h.pop(c - 1):
                            h.wait()
                    idx_h[c + 1] = start_idx(c + 1)
                sca_h[c] = []
                for k, (cs, (cd0, cd1)) in enumerate(_COLS):
                    gat_h[c][k].wait()
                    sca_h[c].append(pltpu.async_copy(
                        rowsb[b][cs], acc_sh.at[colb[b][cd0]], ssem[b],
                        add=True))
                    sca_h[c].append(pltpu.async_copy(
                        rowsb[b][cs], acc_sh.at[colb[b][cd1]], ssem[b],
                        add=True))
            for c in (nfull - 2, nfull - 1):
                for h in sca_h.pop(c):
                    h.wait()

            f0 = fbase + nfull * CHUNK
            for col in range(3):
                pltpu.sync_copy(ft_hbm.at[col, pl.ds(f0, rem)], colr_[col])
            for cs, (cd0, cd1) in _COLS:
                pltpu.sync_copy(vp_hbm.at[colr_[cs]], rowsr_)
                pltpu.sync_copy(rowsr_, acc_sh.at[colr_[cd0]], add=True)
                pltpu.sync_copy(rowsr_, acc_sh.at[colr_[cd1]], add=True)

        @pl.when(wid < NTILES - 1)
        def _():
            edge_pipeline(NFULL, REM, colr, rowsr)

        @pl.when(wid == NTILES - 1)
        def _():
            edge_pipeline(5, REML, colrl, rowsrl)

        plsc.subcore_barrier()
        pltpu.sync_copy(acc_sh.at[pl.ds(r0, CPT)],
                        out_hbm.at[cid, pl.ds(r0, CPT)])

    return body(vert_pad, zeros, faces_t)


def _finalize_body(p, v, tdeg, tsum, o):
    x = p[0] + p[1]
    deg = jnp.maximum(
        jnp.dot(x, tdeg[...], preferred_element_type=jnp.float32,
                precision=lax.Precision.HIGHEST), 1.0)
    lap = x / deg - v[...]
    sq = lap * lap
    o[...] = jnp.sqrt(
        jnp.dot(sq, tsum[...], preferred_element_type=jnp.float32,
                precision=lax.Precision.HIGHEST))


def kernel(vert, faces):
    faces_t = faces.T

    nr = NP * RW // 128
    lanes = np.arange(128)
    psel = jnp.asarray(
        ((lanes[None, :] % 8 < 3)
         & (3 * (lanes[None, :] // 8) + lanes[None, :] % 8
            == np.arange(48)[:, None])).astype(np.float32))
    ones_lane = jnp.asarray((lanes % 8 == 3).astype(np.float32))
    vp128 = jnp.dot(vert.reshape(N_V // 16, 48), psel,
                    precision=lax.Precision.HIGHEST) + ones_lane[None, :]
    vp128 = jnp.concatenate(
        [vp128, jnp.zeros((nr - N_V // 16, 128), jnp.float32)], axis=0)
    vert_pad = vp128.reshape(NP, RW)
    zeros = jnp.zeros((NP, RW), jnp.float32)

    part = _sc_scatter(vert_pad, zeros, faces_t)

    tdeg = jnp.asarray(
        (lanes[:, None] == 8 * (lanes[None, :] // 8) + 3).astype(np.float32))
    tsum = jnp.asarray(
        ((lanes[:, None] // 8 == np.arange(16)[None, :])
         & (lanes[:, None] % 8 < 3)).astype(np.float32))
    curve = pl.pallas_call(
        _finalize_body,
        out_shape=jax.ShapeDtypeStruct((nr, 16), jnp.float32),
    )(part.reshape(2, nr, 128), vp128, tdeg, tsum)
    return curve.reshape(NP)[:N_V]

# --- scband reference (transcript-rebuilt; emitter-appended) ---
"""Pipeline reference for scband-uniform-laplacian-smoothness-loss-1382979470101 (READ-ONLY COPY).

The authoritative reference and input builder live on the scoring server;
editing this copy changes nothing except your own understanding.
"""

import jax, jax.numpy as jnp
import numpy as np

N_VERTS = 100000
N_FACES = 200000


def setup_inputs(seed: int = 0) -> dict:
    key = jax.random.key(seed)
    k1, k2 = jax.random.split(key)
    vert = jax.random.normal(k1, (N_VERTS, 3), dtype=jnp.float32)
    faces = jax.random.randint(k2, (N_FACES, 3), 0, N_VERTS, dtype=jnp.int32)
    return {"vert": vert, "faces": faces}


def _uniform_laplacian(vert, faces):
    # Uniform (graph) Laplacian on a triangle mesh:
    #   L x_i = (1/deg_i) * sum_{j in N(i)} x_j - x_i
    i0 = faces[:, 0]
    i1 = faces[:, 1]
    i2 = faces[:, 2]
    # directed edges from each face (both directions of each triangle edge)
    src = jnp.concatenate([i0, i1, i1, i2, i2, i0])
    dst = jnp.concatenate([i1, i0, i2, i1, i0, i2])
    n = vert.shape[0]
    nbr_sum = jnp.zeros((n, vert.shape[1]), dtype=vert.dtype).at[dst].add(vert[src])
    deg = jnp.zeros((n,), dtype=vert.dtype).at[dst].add(jnp.ones_like(dst, dtype=vert.dtype))
    deg = jnp.maximum(deg, 1.0)
    return nbr_sum / deg[:, None] - vert


def reference(vert, faces):
    # vert_ref is None in this configuration, so the loss is the per-vertex
    # curvature magnitude (L2 norm of the uniform Laplacian), as in the
    # original module's else-branch.
    lap = _uniform_laplacian(vert, faces)
    curve = jnp.sqrt(jnp.sum(lap * lap, axis=-1))
    return curve

if __name__ == "__main__":
    import jax
    _d = setup_inputs()
    print(jax.jit(kernel)(*tuple(_d.values())))

</pallas_src>

<mosaic_0001>
#map = affine_map<(d0, d1) -> (0, 0)>
#map1 = affine_map<(d0, d1) -> (0, 0, 0)>
module attributes {stable_mosaic.version = 14 : i64} {
  func.func @body(%arg0: i32, %arg1: i32, %arg2: memref<100352x8xf32, #tpu.memory_space<hbm>>, %arg3: memref<100352x8xf32, #tpu.memory_space<hbm>>, %arg4: memref<3x200000xi32, #tpu.memory_space<hbm>>, %arg5: memref<2x100352x8xf32, #tpu.memory_space<hbm>>, %arg6: memref<100352x8xf32, #tpu.memory_space<vmem_shared>>, %arg7: memref<1024xi32, #tpu.memory_space<vmem>>, %arg8: memref<1024xi32, #tpu.memory_space<vmem>>, %arg9: memref<1024xi32, #tpu.memory_space<vmem>>, %arg10: memref<1024xi32, #tpu.memory_space<vmem>>, %arg11: memref<1024xi32, #tpu.memory_space<vmem>>, %arg12: memref<1024xi32, #tpu.memory_space<vmem>>, %arg13: memref<1024x8xf32, #tpu.memory_space<vmem>>, %arg14: memref<1024x8xf32, #tpu.memory_space<vmem>>, %arg15: memref<1024x8xf32, #tpu.memory_space<vmem>>, %arg16: memref<1024x8xf32, #tpu.memory_space<vmem>>, %arg17: memref<1024x8xf32, #tpu.memory_space<vmem>>, %arg18: memref<1024x8xf32, #tpu.memory_space<vmem>>, %arg19: memref<112xi32, #tpu.memory_space<vmem>>, %arg20: memref<112xi32, #tpu.memory_space<vmem>>, %arg21: memref<112xi32, #tpu.memory_space<vmem>>, %arg22: memref<112x8xf32, #tpu.memory_space<vmem>>, %arg23: memref<944xi32, #tpu.memory_space<vmem>>, %arg24: memref<944xi32, #tpu.memory_space<vmem>>, %arg25: memref<944xi32, #tpu.memory_space<vmem>>, %arg26: memref<944x8xf32, #tpu.memory_space<vmem>>, %arg27: memref<!tpu.dma_semaphore, #tpu.memory_space<semaphore_mem>>, %arg28: memref<!tpu.dma_semaphore, #tpu.memory_space<semaphore_mem>>, %arg29: memref<!tpu.dma_semaphore, #tpu.memory_space<semaphore_mem>>, %arg30: memref<!tpu.dma_semaphore, #tpu.memory_space<semaphore_mem>>, %arg31: memref<!tpu.dma_semaphore, #tpu.memory_space<semaphore_mem>>, %arg32: memref<!tpu.dma_semaphore, #tpu.memory_space<semaphore_mem>>) attributes {dimension_semantics = [#tpu.dimension_semantics<core_parallel>, #tpu.dimension_semantics<subcore_parallel>], iteration_bounds = array<i64: 2, 16>, scalar_prefetch = 0 : i64, scratch_operands = 27 : i64, tpu.core_type = #tpu.core_type<sc_vector_subcore>, window_params = [{transform_indices = #map}, {transform_indices = #map}, {transform_indices = #map}, {transform_indices = #map1}]} {
    %mul3A = arith.constant 2 : i32
    %mul3A_0 = arith.muli %arg1, %mul3A : i32
    %add3A = arith.addi %mul3A_0, %arg0 : i32
    %mul3A_1 = arith.constant 6272 : i32
    %mul3A_2 = arith.muli %arg1, %mul3A_1 : i32
    %mul3A_3 = arith.constant 6256 : i32
    %mul3A_4 = arith.muli %add3A, %mul3A_3 : i32
    "tpu.region"() ({
      %run_scoped3A = tpu.sem_alloc : memref<!tpu.dma_semaphore, #tpu.memory_space<semaphore_mem>>
      %dma_start3A = arith.constant 0 : i32
      %dma_start3A_12 = tpu.memref_slice %arg6[%mul3A_2, %dma_start3A] : memref<100352x8xf32, #tpu.memory_space<vmem_shared>> -> memref<6272x8xf32, #tpu.memory_space<vmem_shared>>
      %dma_start3A_13 = arith.constant 0 : i32
      %dma_start3A_14 = tpu.memref_slice %arg3[%mul3A_2, %dma_start3A_13] : memref<100352x8xf32, #tpu.memory_space<hbm>> -> memref<6272x8xf32, #tpu.memory_space<hbm>>
      tpu.enqueue_dma source(%dma_start3A_14 : memref<6272x8xf32, #tpu.memory_space<hbm>>) target(%dma_start3A_12 : memref<6272x8xf32, #tpu.memory_space<vmem_shared>>) target_semaphore(%run_scoped3A : memref<!tpu.dma_semaphore, #tpu.memory_space<semaphore_mem>>)
      %dma_wait3A = arith.constant 0 : i32
      %dma_wait3A_15 = tpu.memref_slice %arg6[%mul3A_2, %dma_wait3A] : memref<100352x8xf32, #tpu.memory_space<vmem_shared>> -> memref<6272x8xf32, #tpu.memory_space<vmem_shared>>
      %dma_wait3A_16 = arith.constant 0 : i32
      %dma_wait3A_17 = tpu.memref_slice %arg3[%mul3A_2, %dma_wait3A_16] : memref<100352x8xf32, #tpu.memory_space<hbm>> -> memref<6272x8xf32, #tpu.memory_space<hbm>>
      tpu.wait_dma2 semaphore(%run_scoped3A : memref<!tpu.dma_semaphore, #tpu.memory_space<semaphore_mem>>) src(%dma_wait3A_17 : memref<6272x8xf32, #tpu.memory_space<hbm>>) dst(%dma_wait3A_15 : memref<6272x8xf32, #tpu.memory_space<vmem_shared>>)
      tpu.yield
    }) : () -> ()
    %barrier3A = arith.constant 0 : index
    tpu.barrier barrier_id(%barrier3A)
    %lt3A = arith.constant 31 : i32
    %lt3A_5 = arith.cmpi slt, %add3A, %lt3A : i32
    %convert_element_type3A = arith.extui %lt3A_5 : i1 to i32
    %cond3A = arith.constant 0 : i32
    %cond3A_6 = arith.cmpi ne, %convert_element_type3A, %cond3A : i32
    scf.if %cond3A_6 {
      %add3A_12 = arith.constant 0 : i32
      %add3A_13 = arith.addi %mul3A_4, %add3A_12 : i32
      %dma_start3A = arith.constant 0 : i32
      %dma_start3A_14 = tpu.memref_slice %arg4[%dma_start3A, %add3A_13] : memref<3x200000xi32, #tpu.memory_space<hbm>> -> memref<1x1024xi32, #tpu.memory_space<hbm>>
      %dma_start3A_15 = tpu.memref_squeeze %dma_start3A_14 : memref<1x1024xi32, #tpu.memory_space<hbm>> -> memref<1024xi32, #tpu.memory_space<hbm>>
      %dma_start3A_16 = tpu.memref_slice %arg4[%dma_start3A, %add3A_13] : memref<3x200000xi32, #tpu.memory_space<hbm>> -> memref<1x1024xi32, #tpu.memory_space<hbm>>
      %dma_start3A_17 = tpu.memref_squeeze %dma_start3A_16 : memref<1x1024xi32, #tpu.memory_space<hbm>> -> memref<1024xi32, #tpu.memory_space<hbm>>
      tpu.enqueue_dma source(%dma_start3A_17 : memref<1024xi32, #tpu.memory_space<hbm>>) target(%arg7 : memref<1024xi32, #tpu.memory_space<vmem>>) target_semaphore(%arg27 : memref<!tpu.dma_semaphore, #tpu.memory_space<semaphore_mem>>)
      %dma_start3A_18 = arith.constant 1 : i32
      %dma_start3A_19 = tpu.memref_slice %arg4[%dma_start3A_18, %add3A_13] : memref<3x200000xi32, #tpu.memory_space<hbm>> -> memref<1x1024xi32, #tpu.memory_space<hbm>>
      %dma_start3A_20 = tpu.memref_squeeze %dma_start3A_19 : memref<1x1024xi32, #tpu.memory_space<hbm>> -> memref<1024xi32, #tpu.memory_space<hbm>>
      %dma_start3A_21 = tpu.memref_slice %arg4[%dma_start3A_18, %add3A_13] : memref<3x200000xi32, #tpu.memory_space<hbm>> -> memref<1x1024xi32, #tpu.memory_space<hbm>>
      %dma_start3A_22 = tpu.memref_squeeze %dma_start3A_21 : memref<1x1024xi32, #tpu.memory_space<hbm>> -> memref<1024xi32, #tpu.memory_space<hbm>>
      tpu.enqueue_dma source(%dma_start3A_22 : memref<1024xi32, #tpu.memory_space<hbm>>) target(%arg8 : memref<1024xi32, #tpu.memory_space<vmem>>) target_semaphore(%arg27 : memref<!tpu.dma_semaphore, #tpu.memory_space<semaphore_mem>>)
      %dma_start3A_23 = arith.constant 2 : i32
      %dma_start3A_24 = tpu.memref_slice %arg4[%dma_start3A_23, %add3A_13] : memref<3x200000xi32, #tpu.memory_space<hbm>> -> memref<1x1024xi32, #tpu.memory_space<hbm>>
      %dma_start3A_25 = tpu.memref_squeeze %dma_start3A_24 : memref<1x1024xi32, #tpu.memory_space<hbm>> -> memref<1024xi32, #tpu.memory_space<hbm>>
      %dma_start3A_26 = tpu.memref_slice %arg4[%dma_start3A_23, %add3A_13] : memref<3x200000xi32, #tpu.memory_space<hbm>> -> memref<1x1024xi32, #tpu.memory_space<hbm>>
      %dma_start3A_27 = tpu.memref_squeeze %dma_start3A_26 : memref<1x1024xi32, #tpu.memory_space<hbm>> -> memref<1024xi32, #tpu.memory_space<hbm>>
      tpu.enqueue_dma source(%dma_start3A_27 : memref<1024xi32, #tpu.memory_space<hbm>>) target(%arg9 : memref<1024xi32, #tpu.memory_space<vmem>>) target_semaphore(%arg27 : memref<!tpu.dma_semaphore, #tpu.memory_space<semaphore_mem>>)
      %dma_wait3A = arith.constant 0 : i32
      %dma_wait3A_28 = tpu.memref_slice %arg4[%dma_wait3A, %add3A_13] : memref<3x200000xi32, #tpu.memory_space<hbm>> -> memref<1x1024xi32, #tpu.memory_space<hbm>>
      %dma_wait3A_29 = tpu.memref_squeeze %dma_wait3A_28 : memref<1x1024xi32, #tpu.memory_space<hbm>> -> memref<1024xi32, #tpu.memory_space<hbm>>
      %dma_wait3A_30 = tpu.memref_slice %arg4[%dma_wait3A, %add3A_13] : memref<3x200000xi32, #tpu.memory_space<hbm>> -> memref<1x1024xi32, #tpu.memory_space<hbm>>
      %dma_wait3A_31 = tpu.memref_squeeze %dma_wait3A_30 : memref<1x1024xi32, #tpu.memory_space<hbm>> -> memref<1024xi32, #tpu.memory_space<hbm>>
      tpu.wait_dma2 semaphore(%arg27 : memref<!tpu.dma_semaphore, #tpu.memory_space<semaphore_mem>>) src(%dma_wait3A_31 : memref<1024xi32, #tpu.memory_space<hbm>>) dst(%arg7 : memref<1024xi32, #tpu.memory_space<vmem>>)
      %dma_wait3A_32 = arith.constant 1 : i32
      %dma_wait3A_33 = tpu.memref_slice %arg4[%dma_wait3A_32, %add3A_13] : memref<3x200000xi32, #tpu.memory_space<hbm>> -> memref<1x1024xi32, #tpu.memory_space<hbm>>
      %dma_wait3A_34 = tpu.memref_squeeze %dma_wait3A_33 : memref<1x1024xi32, #tpu.memory_space<hbm>> -> memref<1024xi32, #tpu.memory_space<hbm>>
      %dma_wait3A_35 = tpu.memref_slice %arg4[%dma_wait3A_32, %add3A_13] : memref<3x200000xi32, #tpu.memory_space<hbm>> -> memref<1x1024xi32, #tpu.memory_space<hbm>>
      %dma_wait3A_36 = tpu.memref_squeeze %dma_wait3A_35 : memref<1x1024xi32, #tpu.memory_space<hbm>> -> memref<1024xi32, #tpu.memory_space<hbm>>
      tpu.wait_dma2 semaphore(%arg27 : memref<!tpu.dma_semaphore, #tpu.memory_space<semaphore_mem>>) src(%dma_wait3A_36 : memref<1024xi32, #tpu.memory_space<hbm>>) dst(%arg8 : memref<1024xi32, #tpu.memory_space<vmem>>)
      %dma_wait3A_37 = arith.constant 2 : i32
      %dma_wait3A_38 = tpu.memref_slice %arg4[%dma_wait3A_37, %add3A_13] : memref<3x200000xi32, #tpu.memory_space<hbm>> -> memref<1x1024xi32, #tpu.memory_space<hbm>>
      %dma_wait3A_39 = tpu.memref_squeeze %dma_wait3A_38 : memref<1x1024xi32, #tpu.memory_space<hbm>> -> memref<1024xi32, #tpu.memory_space<hbm>>
      %dma_wait3A_40 = tpu.memref_slice %arg4[%dma_wait3A_37, %add3A_13] : memref<3x200000xi32, #tpu.memory_space<hbm>> -> memref<1x1024xi32, #tpu.memory_space<hbm>>
      %dma_wait3A_41 = tpu.memref_squeeze %dma_wait3A_40 : memref<1x1024xi32, #tpu.memory_space<hbm>> -> memref<1024xi32, #tpu.memory_space<hbm>>
      tpu.wait_dma2 semaphore(%arg27 : memref<!tpu.dma_semaphore, #tpu.memory_space<semaphore_mem>>) src(%dma_wait3A_41 : memref<1024xi32, #tpu.memory_space<hbm>>) dst(%arg9 : memref<1024xi32, #tpu.memory_space<vmem>>)
      %dma_start3A_42 = arith.constant 0 : i32
      %dma_start3A_43 = arith.constant 0 : i32
      %dma_start3A_44 = tpu.memref_slice %arg2[%dma_start3A_42, %dma_start3A_43] : memref<100352x8xf32, #tpu.memory_space<hbm>> -> memref<100352x8xf32, #tpu.memory_space<hbm>>
      tpu.enqueue_indirect_dma source(%dma_start3A_44 : memref<100352x8xf32, #tpu.memory_space<hbm>>) target(%arg13 : memref<1024x8xf32, #tpu.memory_space<vmem>>) offsets(%arg7 : memref<1024xi32, #tpu.memory_space<vmem>>) semaphore(%arg29 : memref<!tpu.dma_semaphore, #tpu.memory_space<semaphore_mem>>)
      %dma_start3A_45 = arith.constant 0 : i32
      %dma_start3A_46 = arith.constant 0 : i32
      %dma_start3A_47 = tpu.memref_slice %arg2[%dma_start3A_45, %dma_start3A_46] : memref<100352x8xf32, #tpu.memory_space<hbm>> -> memref<100352x8xf32, #tpu.memory_space<hbm>>
      tpu.enqueue_indirect_dma source(%dma_start3A_47 : memref<100352x8xf32, #tpu.memory_space<hbm>>) target(%arg14 : memref<1024x8xf32, #tpu.memory_space<vmem>>) offsets(%arg8 : memref<1024xi32, #tpu.memory_space<vmem>>) semaphore(%arg29 : memref<!tpu.dma_semaphore, #tpu.memory_space<semaphore_mem>>)
      %dma_start3A_48 = arith.constant 0 : i32
      %dma_start3A_49 = arith.constant 0 : i32
      %dma_start3A_50 = tpu.memref_slice %arg2[%dma_start3A_48, %dma_start3A_49] : memref<100352x8xf32, #tpu.memory_space<hbm>> -> memref<100352x8xf32, #tpu.memory_space<hbm>>
      tpu.enqueue_indirect_dma source(%dma_start3A_50 : memref<100352x8xf32, #tpu.memory_space<hbm>>) target(%arg15 : memref<1024x8xf32, #tpu.memory_space<vmem>>) offsets(%arg9 : memref<1024xi32, #tpu.memory_space<vmem>>) semaphore(%arg29 : memref<!tpu.dma_semaphore, #tpu.memory_space<semaphore_mem>>)
      %add3A_51 = arith.constant 1024 : i32
      %add3A_52 = arith.addi %mul3A_4, %add3A_51 : i32
      %dma_start3A_53 = arith.constant 0 : i32
      %dma_start3A_54 = tpu.memref_slice %arg4[%dma_start3A_53, %add3A_52] : memref<3x200000xi32, #tpu.memory_space<hbm>> -> memref<1x1024xi32, #tpu.memory_space<hbm>>
      %dma_start3A_55 = tpu.memref_squeeze %dma_start3A_54 : memref<1x1024xi32, #tpu.memory_space<hbm>> -> memref<1024xi32, #tpu.memory_space<hbm>>
      %dma_start3A_56 = tpu.memref_slice %arg4[%dma_start3A_53, %add3A_52] : memref<3x200000xi32, #tpu.memory_space<hbm>> -> memref<1x1024xi32, #tpu.memory_space<hbm>>
      %dma_start3A_57 = tpu.memref_squeeze %dma_start3A_56 : memref<1x1024xi32, #tpu.memory_space<hbm>> -> memref<1024xi32, #tpu.memory_space<hbm>>
      tpu.enqueue_dma source(%dma_start3A_57 : memref<1024xi32, #tpu.memory_space<hbm>>) target(%arg10 : memref<1024xi32, #tpu.memory_space<vmem>>) target_semaphore(%arg28 : memref<!tpu.dma_semaphore, #tpu.memory_space<semaphore_mem>>)
      %dma_start3A_58 = arith.constant 1 : i32
      %dma_start3A_59 = tpu.memref_slice %arg4[%dma_start3A_58, %add3A_52] : memref<3x200000xi32, #tpu.memory_space<hbm>> -> memref<1x1024xi32, #tpu.memory_space<hbm>>
      %dma_start3A_60 = tpu.memref_squeeze %dma_start3A_59 : memref<1x1024xi32, #tpu.memory_space<hbm>> -> memref<1024xi32, #tpu.memory_space<hbm>>
      %dma_start3A_61 = tpu.memref_slice %arg4[%dma_start3A_58, %add3A_52] : memref<3x200000xi32, #tpu.memory_space<hbm>> -> memref<1x1024xi32, #tpu.memory_space<hbm>>
      %dma_start3A_62 = tpu.memref_squeeze %dma_start3A_61 : memref<1x1024xi32, #tpu.memory_space<hbm>> -> memref<1024xi32, #tpu.memory_space<hbm>>
      tpu.enqueue_dma source(%dma_start3A_62 : memref<1024xi32, #tpu.memory_space<hbm>>) target(%arg11 : memref<1024xi32, #tpu.memory_space<vmem>>) target_semaphore(%arg28 : memref<!tpu.dma_semaphore, #tpu.memory_space<semaphore_mem>>)
      %dma_start3A_63 = arith.constant 2 : i32
      %dma_start3A_64 = tpu.memref_slice %arg4[%dma_start3A_63, %add3A_52] : memref<3x200000xi32, #tpu.memory_space<hbm>> -> memref<1x1024xi32, #tpu.memory_space<hbm>>
      %dma_start3A_65 = tpu.memref_squeeze %dma_start3A_64 : memref<1x1024xi32, #tpu.memory_space<hbm>> -> memref<1024xi32, #tpu.memory_space<hbm>>
      %dma_start3A_66 = tpu.memref_slice %arg4[%dma_start3A_63, %add3A_52] : memref<3x200000xi32, #tpu.memory_space<hbm>> -> memref<1x1024xi32, #tpu.memory_space<hbm>>
      %dma_start3A_67 = tpu.memref_squeeze %dma_start3A_66 : memref<1x1024xi32, #tpu.memory_space<hbm>> -> memref<1024xi32, #tpu.memory_space<hbm>>
      tpu.enqueue_dma source(%dma_start3A_67 : memref<1024xi32, #tpu.memory_space<hbm>>) target(%arg12 : memref<1024xi32, #tpu.memory_space<vmem>>) target_semaphore(%arg28 : memref<!tpu.dma_semaphore, #tpu.memory_space<semaphore_mem>>)
      %dma_wait3A_68 = arith.constant 0 : i32
      %dma_wait3A_69 = arith.constant 0 : i32
      %dma_wait3A_70 = tpu.memref_slice %arg2[%dma_wait3A_68, %dma_wait3A_69] : memref<100352x8xf32, #tpu.memory_space<hbm>> -> memref<100352x8xf32, #tpu.memory_space<hbm>>
      tpu.wait_indirect_dma semaphore(%arg29 : memref<!tpu.dma_semaphore, #tpu.memory_space<semaphore_mem>>) src(%dma_wait3A_70 : memref<100352x8xf32, #tpu.memory_space<hbm>>) dst(%arg13 : memref<1024x8xf32, #tpu.memory_space<vmem>>)
      %dma_start3A_71 = arith.constant 0 : i32
      %dma_start3A_72 = arith.constant 0 : i32
      %dma_start3A_73 = tpu.memref_slice %arg6[%dma_start3A_71, %dma_start3A_72] : memref<100352x8xf32, #tpu.memory_space<vmem_shared>> -> memref<100352x8xf32, #tpu.memory_space<vmem_shared>>
      tpu.enqueue_indirect_dma source(%arg13 : memref<1024x8xf32, #tpu.memory_space<vmem>>) target(%dma_start3A_73 : memref<100352x8xf32, #tpu.memory_space<vmem_shared>>) offsets(%arg8 : memref<1024xi32, #tpu.memory_space<vmem>>) semaphore(%arg31 : memref<!tpu.dma_semaphore, #tpu.memory_space<semaphore_mem>>) {add = true}
      %dma_start3A_74 = arith.constant 0 : i32
      %dma_start3A_75 = arith.constant 0 : i32
      %dma_start3A_76 = tpu.memref_slice %arg6[%dma_start3A_74, %dma_start3A_75] : memref<100352x8xf32, #tpu.memory_space<vmem_shared>> -> memref<100352x8xf32, #tpu.memory_space<vmem_shared>>
      tpu.enqueue_indirect_dma source(%arg13 : memref<1024x8xf32, #tpu.memory_space<vmem>>) target(%dma_start3A_76 : memref<100352x8xf32, #tpu.memory_space<vmem_shared>>) offsets(%arg9 : memref<1024xi32, #tpu.memory_space<vmem>>) semaphore(%arg31 : memref<!tpu.dma_semaphore, #tpu.memory_space<semaphore_mem>>) {add = true}
      %dma_wait3A_77 = arith.constant 0 : i32
      %dma_wait3A_78 = arith.constant 0 : i32
      %dma_wait3A_79 = tpu.memref_slice %arg2[%dma_wait3A_77, %dma_wait3A_78] : memref<100352x8xf32, #tpu.memory_space<hbm>> -> memref<100352x8xf32, #tpu.memory_space<hbm>>
      tpu.wait_indirect_dma semaphore(%arg29 : memref<!tpu.dma_semaphore, #tpu.memory_space<semaphore_mem>>) src(%dma_wait3A_79 : memref<100352x8xf32, #tpu.memory_space<hbm>>) dst(%arg14 : memref<1024x8xf32, #tpu.memory_space<vmem>>)
      %dma_start3A_80 = arith.constant 0 : i32
      %dma_start3A_81 = arith.constant 0 : i32
      %dma_start3A_82 = tpu.memref_slice %arg6[%dma_start3A_80, %dma_start3A_81] : memref<100352x8xf32, #tpu.memory_space<vmem_shared>> -> memref<100352x8xf32, #tpu.memory_space<vmem_shared>>
      tpu.enqueue_indirect_dma source(%arg14 : memref<1024x8xf32, #tpu.memory_space<vmem>>) target(%dma_start3A_82 : memref<100352x8xf32, #tpu.memory_space<vmem_shared>>) offsets(%arg7 : memref<1024xi32, #tpu.memory_space<vmem>>) semaphore(%arg31 : memref<!tpu.dma_semaphore, #tpu.memory_space<semaphore_mem>>) {add = true}
      %dma_start3A_83 = arith.constant 0 : i32
      %dma_start3A_84 = arith.constant 0 : i32
      %dma_start3A_85 = tpu.memref_slice %arg6[%dma_start3A_83, %dma_start3A_84] : memref<100352x8xf32, #tpu.memory_space<vmem_shared>> -> memref<100352x8xf32, #tpu.memory_space<vmem_shared>>
      tpu.enqueue_indirect_dma source(%arg14 : memref<1024x8xf32, #tpu.memory_space<vmem>>) target(%dma_start3A_85 : memref<100352x8xf32, #tpu.memory_space<vmem_shared>>) offsets(%arg9 : memref<1024xi32, #tpu.memory_space<vmem>>) semaphore(%arg31 : memref<!tpu.dma_semaphore, #tpu.memory_space<semaphore_mem>>) {add = true}
      %dma_wait3A_86 = arith.constant 0 : i32
      %dma_wait3A_87 = arith.constant 0 : i32
      %dma_wait3A_88 = tpu.memref_slice %arg2[%dma_wait3A_86, %dma_wait3A_87] : memref<100352x8xf32, #tpu.memory_space<hbm>> -> memref<100352x8xf32, #tpu.memory_space<hbm>>
      tpu.wait_indirect_dma semaphore(%arg29 : memref<!tpu.dma_semaphore, #tpu.memory_space<semaphore_mem>>) src(%dma_wait3A_88 : memref<100352x8xf32, #tpu.memory_space<hbm>>) dst(%arg15 : memref<1024x8xf32, #tpu.memory_space<vmem>>)
      %dma_start3A_89 = arith.constant 0 : i32
      %dma_start3A_90 = arith.constant 0 : i32
      %dma_start3A_91 = tpu.memref_slice %arg6[%dma_start3A_89, %dma_start3A_90] : memref<100352x8xf32, #tpu.memory_space<vmem_shared>> -> memref<100352x8xf32, #tpu.memory_space<vmem_shared>>
      tpu.enqueue_indirect_dma source(%arg15 : memref<1024x8xf32, #tpu.memory_space<vmem>>) target(%dma_start3A_91 : memref<100352x8xf32, #tpu.memory_space<vmem_shared>>) offsets(%arg8 : memref<1024xi32, #tpu.memory_space<vmem>>) semaphore(%arg31 : memref<!tpu.dma_semaphore, #tpu.memory_space<semaphore_mem>>) {add = true}
      %dma_start3A_92 = arith.constant 0 : i32
      %dma_start3A_93 = arith.constant 0 : i32
      %dma_start3A_94 = tpu.memref_slice %arg6[%dma_start3A_92, %dma_start3A_93] : memref<100352x8xf32, #tpu.memory_space<vmem_shared>> -> memref<100352x8xf32, #tpu.memory_space<vmem_shared>>
      tpu.enqueue_indirect_dma source(%arg15 : memref<1024x8xf32, #tpu.memory_space<vmem>>) target(%dma_start3A_94 : memref<100352x8xf32, #tpu.memory_space<vmem_shared>>) offsets(%arg7 : memref<1024xi32, #tpu.memory_space<vmem>>) semaphore(%arg31 : memref<!tpu.dma_semaphore, #tpu.memory_space<semaphore_mem>>) {add = true}
      %dma_wait3A_95 = arith.constant 0 : i32
      %dma_wait3A_96 = tpu.memref_slice %arg4[%dma_wait3A_95, %add3A_52] : memref<3x200000xi32, #tpu.memory_space<hbm>> -> memref<1x1024xi32, #tpu.memory_space<hbm>>
      %dma_wait3A_97 = tpu.memref_squeeze %dma_wait3A_96 : memref<1x1024xi32, #tpu.memory_space<hbm>> -> memref<1024xi32, #tpu.memory_space<hbm>>
      %dma_wait3A_98 = tpu.memref_slice %arg4[%dma_wait3A_95, %add3A_52] : memref<3x200000xi32, #tpu.memory_space<hbm>> -> memref<1x1024xi32, #tpu.memory_space<hbm>>
      %dma_wait3A_99 = tpu.memref_squeeze %dma_wait3A_98 : memref<1x1024xi32, #tpu.memory_space<hbm>> -> memref<1024xi32, #tpu.memory_space<hbm>>
      tpu.wait_dma2 semaphore(%arg28 : memref<!tpu.dma_semaphore, #tpu.memory_space<semaphore_mem>>) src(%dma_wait3A_99 : memref<1024xi32, #tpu.memory_space<hbm>>) dst(%arg10 : memref<1024xi32, #tpu.memory_space<vmem>>)
      %dma_wait3A_100 = arith.constant 1 : i32
      %dma_wait3A_101 = tpu.memref_slice %arg4[%dma_wait3A_100, %add3A_52] : memref<3x200000xi32, #tpu.memory_space<hbm>> -> memref<1x1024xi32, #tpu.memory_space<hbm>>
      %dma_wait3A_102 = tpu.memref_squeeze %dma_wait3A_101 : memref<1x1024xi32, #tpu.memory_space<hbm>> -> memref<1024xi32, #tpu.memory_space<hbm>>
      %dma_wait3A_103 = tpu.memref_slice %arg4[%dma_wait3A_100, %add3A_52] : memref<3x200000xi32, #tpu.memory_space<hbm>> -> memref<1x1024xi32, #tpu.memory_space<hbm>>
      %dma_wait3A_104 = tpu.memref_squeeze %dma_wait3A_103 : memref<1x1024xi32, #tpu.memory_space<hbm>> -> memref<1024xi32, #tpu.memory_space<hbm>>
      tpu.wait_dma2 semaphore(%arg28 : memref<!tpu.dma_semaphore, #tpu.memory_space<semaphore_mem>>) src(%dma_wait3A_104 : memref<1024xi32, #tpu.memory_space<hbm>>) dst(%arg11 : memref<1024xi32, #tpu.memory_space<vmem>>)
      %dma_wait3A_105 = arith.constant 2 : i32
      %dma_wait3A_106 = tpu.memref_slice %arg4[%dma_wait3A_105, %add3A_52] : memref<3x200000xi32, #tpu.memory_space<hbm>> -> memref<1x1024xi32, #tpu.memory_space<hbm>>
      %dma_wait3A_107 = tpu.memref_squeeze %dma_wait3A_106 : memref<1x1024xi32, #tpu.memory_space<hbm>> -> memref<1024xi32, #tpu.memory_space<hbm>>
      %dma_wait3A_108 = tpu.memref_slice %arg4[%dma_wait3A_105, %add3A_52] : memref<3x200000xi32, #tpu.memory_space<hbm>> -> memref<1x1024xi32, #tpu.memory_space<hbm>>
      %dma_wait3A_109 = tpu.memref_squeeze %dma_wait3A_108 : memref<1x1024xi32, #tpu.memory_space<hbm>> -> memref<1024xi32, #tpu.memory_space<hbm>>
      tpu.wait_dma2 semaphore(%arg28 : memref<!tpu.dma_semaphore, #tpu.memory_space<semaphore_mem>>) src(%dma_wait3A_109 : memref<1024xi32, #tpu.memory_space<hbm>>) dst(%arg12 : memref<1024xi32, #tpu.memory_space<vmem>>)
      %dma_start3A_110 = arith.constant 0 : i32
      %dma_start3A_111 = arith.constant 0 : i32
      %dma_start3A_112 = tpu.memref_slice %arg2[%dma_start3A_110, %dma_start3A_111] : memref<100352x8xf32, #tpu.memory_space<hbm>> -> memref<100352x8xf32, #tpu.memory_space<hbm>>
      tpu.enqueue_indirect_dma source(%dma_start3A_112 : memref<100352x8xf32, #tpu.memory_space<hbm>>) target(%arg16 : memref<1024x8xf32, #tpu.memory_space<vmem>>) offsets(%arg10 : memref<1024xi32, #tpu.memory_space<vmem>>) semaphore(%arg30 : memref<!tpu.dma_semaphore, #tpu.memory_space<semaphore_mem>>)
      %dma_start3A_113 = arith.constant 0 : i32
      %dma_start3A_114 = arith.constant 0 : i32
      %dma_start3A_115 = tpu.memref_slice %arg2[%dma_start3A_113, %dma_start3A_114] : memref<100352x8xf32, #tpu.memory_space<hbm>> -> memref<100352x8xf32, #tpu.memory_space<hbm>>
      tpu.enqueue_indirect_dma source(%dma_start3A_115 : memref<100352x8xf32, #tpu.memory_space<hbm>>) target(%arg17 : memref<1024x8xf32, #tpu.memory_space<vmem>>) offsets(%arg11 : memref<1024xi32, #tpu.memory_space<vmem>>) semaphore(%arg30 : memref<!tpu.dma_semaphore, #tpu.memory_space<semaphore_mem>>)
      %dma_start3A_116 = arith.constant 0 : i32
      %dma_start3A_117 = arith.constant 0 : i32
      %dma_start3A_118 = tpu.memref_slice %arg2[%dma_start3A_116, %dma_start3A_117] : memref<100352x8xf32, #tpu.memory_space<hbm>> -> memref<100352x8xf32, #tpu.memory_space<hbm>>
      tpu.enqueue_indirect_dma source(%dma_start3A_118 : memref<100352x8xf32, #tpu.memory_space<hbm>>) target(%arg18 : memref<1024x8xf32, #tpu.memory_space<vmem>>) offsets(%arg12 : memref<1024xi32, #tpu.memory_space<vmem>>) semaphore(%arg30 : memref<!tpu.dma_semaphore, #tpu.memory_space<semaphore_mem>>)
      %dma_wait3A_119 = arith.constant 0 : i32
      %dma_wait3A_120 = arith.constant 0 : i32
      %dma_wait3A_121 = tpu.memref_slice %arg6[%dma_wait3A_119, %dma_wait3A_120] : memref<100352x8xf32, #tpu.memory_space<vmem_shared>> -> memref<100352x8xf32, #tpu.memory_space<vmem_shared>>
      tpu.wait_indirect_dma semaphore(%arg31 : memref<!tpu.dma_semaphore, #tpu.memory_space<semaphore_mem>>) src(%arg13 : memref<1024x8xf32, #tpu.memory_space<vmem>>) dst(%dma_wait3A_121 : memref<100352x8xf32, #tpu.memory_space<vmem_shared>>)
      %dma_wait3A_122 = arith.constant 0 : i32
      %dma_wait3A_123 = arith.constant 0 : i32
      %dma_wait3A_124 = tpu.memref_slice %arg6[%dma_wait3A_122, %dma_wait3A_123] : memref<100352x8xf32, #tpu.memory_space<vmem_shared>> -> memref<100352x8xf32, #tpu.memory_space<vmem_shared>>
      tpu.wait_indirect_dma semaphore(%arg31 : memref<!tpu.dma_semaphore, #tpu.memory_space<semaphore_mem>>) src(%arg13 : memref<1024x8xf32, #tpu.memory_space<vmem>>) dst(%dma_wait3A_124 : memref<100352x8xf32, #tpu.memory_space<vmem_shared>>)
      %dma_wait3A_125 = arith.constant 0 : i32
      %dma_wait3A_126 = arith.constant 0 : i32
      %dma_wait3A_127 = tpu.memref_slice %arg6[%dma_wait3A_125, %dma_wait3A_126] : memref<100352x8xf32, #tpu.memory_space<vmem_shared>> -> memref<100352x8xf32, #tpu.memory_space<vmem_shared>>
      tpu.wait_indirect_dma semaphore(%arg31 : memref<!tpu.dma_semaphore, #tpu.memory_space<semaphore_mem>>) src(%arg14 : memref<1024x8xf32, #tpu.memory_space<vmem>>) dst(%dma_wait3A_127 : memref<100352x8xf32, #tpu.memory_space<vmem_shared>>)
      %dma_wait3A_128 = arith.constant 0 : i32
      %dma_wait3A_129 = arith.constant 0 : i32
      %dma_wait3A_130 = tpu.memref_slice %arg6[%dma_wait3A_128, %dma_wait3A_129] : memref<100352x8xf32, #tpu.memory_space<vmem_shared>> -> memref<100352x8xf32, #tpu.memory_space<vmem_shared>>
      tpu.wait_indirect_dma semaphore(%arg31 : memref<!tpu.dma_semaphore, #tpu.memory_space<semaphore_mem>>) src(%arg14 : memref<1024x8xf32, #tpu.memory_space<vmem>>) dst(%dma_wait3A_130 : memref<100352x8xf32, #tpu.memory_space<vmem_shared>>)
      %dma_wait3A_131 = arith.constant 0 : i32
      %dma_wait3A_132 = arith.constant 0 : i32
      %dma_wait3A_133 = tpu.memref_slice %arg6[%dma_wait3A_131, %dma_wait3A_132] : memref<100352x8xf32, #tpu.memory_space<vmem_shared>> -> memref<100352x8xf32, #tpu.memory_space<vmem_shared>>
      tpu.wait_indirect_dma semaphore(%arg31 : memref<!tpu.dma_semaphore, #tpu.memory_space<semaphore_mem>>) src(%arg15 : memref<1024x8xf32, #tpu.memory_space<vmem>>) dst(%dma_wait3A_133 : memref<100352x8xf32, #tpu.memory_space<vmem_shared>>)
      %dma_wait3A_134 = arith.constant 0 : i32
      %dma_wait3A_135 = arith.constant 0 : i32
      %dma_wait3A_136 = tpu.memref_slice %arg6[%dma_wait3A_134, %dma_wait3A_135] : memref<100352x8xf32, #tpu.memory_space<vmem_shared>> -> memref<100352x8xf32, #tpu.memory_space<vmem_shared>>
      tpu.wait_indirect_dma semaphore(%arg31 : memref<!tpu.dma_semaphore, #tpu.memory_space<semaphore_mem>>) src(%arg15 : memref<1024x8xf32, #tpu.memory_space<vmem>>) dst(%dma_wait3A_136 : memref<100352x8xf32, #tpu.memory_space<vmem_shared>>)
      %add3A_137 = arith.constant 2048 : i32
      %add3A_138 = arith.addi %mul3A_4, %add3A_137 : i32
      %dma_start3A_139 = arith.constant 0 : i32
      %dma_start3A_140 = tpu.memref_slice %arg4[%dma_start3A_139, %add3A_138] : memref<3x200000xi32, #tpu.memory_space<hbm>> -> memref<1x1024xi32, #tpu.memory_space<hbm>>
      %dma_start3A_141 = tpu.memref_squeeze %dma_start3A_140 : memref<1x1024xi32, #tpu.memory_space<hbm>> -> memref<1024xi32, #tpu.memory_space<hbm>>
      %dma_start3A_142 = tpu.memref_slice %arg4[%dma_start3A_139, %add3A_138] : memref<3x200000xi32, #tpu.memory_space<hbm>> -> memref<1x1024xi32, #tpu.memory_space<hbm>>
      %dma_start3A_143 = tpu.memref_squeeze %dma_start3A_142 : memref<1x1024xi32, #tpu.memory_space<hbm>> -> memref<1024xi32, #tpu.memory_space<hbm>>
      tpu.enqueue_dma source(%dma_start3A_143 : memref<1024xi32, #tpu.memory_space<hbm>>) target(%arg7 : memref<1024xi32, #tpu.memory_space<vmem>>) target_semaphore(%arg27 : memref<!tpu.dma_semaphore, #tpu.memory_space<semaphore_mem>>)
      %dma_start3A_144 = arith.constant 1 : i32
      %dma_start3A_145 = tpu.memref_slice %arg4[%dma_start3A_144, %add3A_138] : memref<3x200000xi32, #tpu.memory_space<hbm>> -> memref<1x1024xi32, #tpu.memory_space<hbm>>
      %dma_start3A_146 = tpu.memref_squeeze %dma_start3A_145 : memref<1x1024xi32, #tpu.memory_space<hbm>> -> memref<1024xi32, #tpu.memory_space<hbm>>
      %dma_start3A_147 = tpu.memref_slice %arg4[%dma_start3A_144, %add3A_138] : memref<3x200000xi32, #tpu.memory_space<hbm>> -> memref<1x1024xi32, #tpu.memory_space<hbm>>
      %dma_start3A_148 = tpu.memref_squeeze %dma_start3A_147 : memref<1x1024xi32, #tpu.memory_space<hbm>> -> memref<1024xi32, #tpu.memory_space<hbm>>
      tpu.enqueue_dma source(%dma_start3A_148 : memref<1024xi32, #tpu.memory_space<hbm>>) target(%arg8 : memref<1024xi32, #tpu.memory_space<vmem>>) target_semaphore(%arg27 : memref<!tpu.dma_semaphore, #tpu.memory_space<semaphore_mem>>)
      %dma_start3A_149 = arith.constant 2 : i32
      %dma_start3A_150 = tpu.memref_slice %arg4[%dma_start3A_149, %add3A_138] : memref<3x200000xi32, #tpu.memory_space<hbm>> -> memref<1x1024xi32, #tpu.memory_space<hbm>>
      %dma_start3A_151 = tpu.memref_squeeze %dma_start3A_150 : memref<1x1024xi32, #tpu.memory_space<hbm>> -> memref<1024xi32, #tpu.memory_space<hbm>>
      %dma_start3A_152 = tpu.memref_slice %arg4[%dma_start3A_149, %add3A_138] : memref<3x200000xi32, #tpu.memory_space<hbm>> -> memref<1x1024xi32, #tpu.memory_space<hbm>>
      %dma_start3A_153 = tpu.memref_squeeze %dma_start3A_152 : memref<1x1024xi32, #tpu.memory_space<hbm>> -> memref<1024xi32, #tpu.memory_space<hbm>>
      tpu.enqueue_dma source(%dma_start3A_153 : memref<1024xi32, #tpu.memory_space<hbm>>) target(%arg9 : memref<1024xi32, #tpu.memory_space<vmem>>) target_semaphore(%arg27 : memref<!tpu.dma_semaphore, #tpu.memory_space<semaphore_mem>>)
      %dma_wait3A_154 = arith.constant 0 : i32
      %dma_wait3A_155 = arith.constant 0 : i32
      %dma_wait3A_156 = tpu.memref_slice %arg2[%dma_wait3A_154, %dma_wait3A_155] : memref<100352x8xf32, #tpu.memory_space<hbm>> -> memref<100352x8xf32, #tpu.memory_space<hbm>>
      tpu.wait_indirect_dma semaphore(%arg30 : memref<!tpu.dma_semaphore, #tpu.memory_space<semaphore_mem>>) src(%dma_wait3A_156 : memref<100352x8xf32, #tpu.memory_space<hbm>>) dst(%arg16 : memref<1024x8xf32, #tpu.memory_space<vmem>>)
      %dma_start3A_157 = arith.constant 0 : i32
      %dma_start3A_158 = arith.constant 0 : i32
      %dma_start3A_159 = tpu.memref_slice %arg6[%dma_start3A_157, %dma_start3A_158] : memref<100352x8xf32, #tpu.memory_space<vmem_shared>> -> memref<100352x8xf32, #tpu.memory_space<vmem_shared>>
      tpu.enqueue_indirect_dma source(%arg16 : memref<1024x8xf32, #tpu.memory_space<vmem>>) target(%dma_start3A_159 : memref<100352x8xf32, #tpu.memory_space<vmem_shared>>) offsets(%arg11 : memref<1024xi32, #tpu.memory_space<vmem>>) semaphore(%arg32 : memref<!tpu.dma_semaphore, #tpu.memory_space<semaphore_mem>>) {add = true}
      %dma_start3A_160 = arith.constant 0 : i32
      %dma_start3A_161 = arith.constant 0 : i32
      %dma_start3A_162 = tpu.memref_slice %arg6[%dma_start3A_160, %dma_start3A_161] : memref<100352x8xf32, #tpu.memory_space<vmem_shared>> -> memref<100352x8xf32, #tpu.memory_space<vmem_shared>>
      tpu.enqueue_indirect_dma source(%arg16 : memref<1024x8xf32, #tpu.memory_space<vmem>>) target(%dma_start3A_162 : memref<100352x8xf32, #tpu.memory_space<vmem_shared>>) offsets(%arg12 : memref<1024xi32, #tpu.memory_space<vmem>>) semaphore(%arg32 : memref<!tpu.dma_semaphore, #tpu.memory_space<semaphore_mem>>) {add = true}
      %dma_wait3A_163 = arith.constant 0 : i32
      %dma_wait3A_164 = arith.constant 0 : i32
      %dma_wait3A_165 = tpu.memref_slice %arg2[%dma_wait3A_163, %dma_wait3A_164] : memref<100352x8xf32, #tpu.memory_space<hbm>> -> memref<100352x8xf32, #tpu.memory_space<hbm>>
      tpu.wait_indirect_dma semaphore(%arg30 : memref<!tpu.dma_semaphore, #tpu.memory_space<semaphore_mem>>) src(%dma_wait3A_165 : memref<100352x8xf32, #tpu.memory_space<hbm>>) dst(%arg17 : memref<1024x8xf32, #tpu.memory_space<vmem>>)
      %dma_start3A_166 = arith.constant 0 : i32
      %dma_start3A_167 = arith.constant 0 : i32
      %dma_start3A_168 = tpu.memref_slice %arg6[%dma_start3A_166, %dma_start3A_167] : memref<100352x8xf32, #tpu.memory_space<vmem_shared>> -> memref<100352x8xf32, #tpu.memory_space<vmem_shared>>
      tpu.enqueue_indirect_dma source(%arg17 : memref<1024x8xf32, #tpu.memory_space<vmem>>) target(%dma_start3A_168 : memref<100352x8xf32, #tpu.memory_space<vmem_shared>>) offsets(%arg10 : memref<1024xi32, #tpu.memory_space<vmem>>) semaphore(%arg32 : memref<!tpu.dma_semaphore, #tpu.memory_space<semaphore_mem>>) {add = true}
      %dma_start3A_169 = arith.constant 0 : i32
      %dma_start3A_170 = arith.constant 0 : i32
      %dma_start3A_171 = tpu.memref_slice %arg6[%dma_start3A_169, %dma_start3A_170] : memref<100352x8xf32, #tpu.memory_space<vmem_shared>> -> memref<100352x8xf32, #tpu.memory_space<vmem_shared>>
      tpu.enqueue_indirect_dma source(%arg17 : memref<1024x8xf32, #tpu.memory_space<vmem>>) target(%dma_start3A_171 : memref<100352x8xf32, #tpu.memory_space<vmem_shared>>) offsets(%arg12 : memref<1024xi32, #tpu.memory_space<vmem>>) semaphore(%arg32 : memref<!tpu.dma_semaphore, #tpu.memory_space<semaphore_mem>>) {add = true}
      %dma_wait3A_172 = arith.constant 0 : i32
      %dma_wait3A_173 = arith.constant 0 : i32
      %dma_wait3A_174 = tpu.memref_slice %arg2[%dma_wait3A_172, %dma_wait3A_173] : memref<100352x8xf32, #tpu.memory_space<hbm>> -> memref<100352x8xf32, #tpu.memory_space<hbm>>
      tpu.wait_indirect_dma semaphore(%arg30 : memref<!tpu.dma_semaphore, #tpu.memory_space<semaphore_mem>>) src(%dma_wait3A_174 : memref<100352x8xf32, #tpu.memory_space<hbm>>) dst(%arg18 : memref<1024x8xf32, #tpu.memory_space<vmem>>)
      %dma_start3A_175 = arith.constant 0 : i32
      %dma_start3A_176 = arith.constant 0 : i32
      %dma_start3A_177 = tpu.memref_slice %arg6[%dma_start3A_175, %dma_start3A_176] : memref<100352x8xf32, #tpu.memory_space<vmem_shared>> -> memref<100352x8xf32, #tpu.memory_space<vmem_shared>>
      tpu.enqueue_indirect_dma source(%arg18 : memref<1024x8xf32, #tpu.memory_space<vmem>>) target(%dma_start3A_177 : memref<100352x8xf32, #tpu.memory_space<vmem_shared>>) offsets(%arg11 : memref<1024xi32, #tpu.memory_space<vmem>>) semaphore(%arg32 : memref<!tpu.dma_semaphore, #tpu.memory_space<semaphore_mem>>) {add = true}
      %dma_start3A_178 = arith.constant 0 : i32
      %dma_start3A_179 = arith.constant 0 : i32
      %dma_start3A_180 = tpu.memref_slice %arg6[%dma_start3A_178, %dma_start3A_179] : memref<100352x8xf32, #tpu.memory_space<vmem_shared>> -> memref<100352x8xf32, #tpu.memory_space<vmem_shared>>
      tpu.enqueue_indirect_dma source(%arg18 : memref<1024x8xf32, #tpu.memory_space<vmem>>) target(%dma_start3A_180 : memref<100352x8xf32, #tpu.memory_space<vmem_shared>>) offsets(%arg10 : memref<1024xi32, #tpu.memory_space<vmem>>) semaphore(%arg32 : memref<!tpu.dma_semaphore, #tpu.memory_space<semaphore_mem>>) {add = true}
      %dma_wait3A_181 = arith.constant 0 : i32
      %dma_wait3A_182 = tpu.memref_slice %arg4[%dma_wait3A_181, %add3A_138] : memref<3x200000xi32, #tpu.memory_space<hbm>> -> memref<1x1024xi32, #tpu.memory_space<hbm>>
      %dma_wait3A_183 = tpu.memref_squeeze %dma_wait3A_182 : memref<1x1024xi32, #tpu.memory_space<hbm>> -> memref<1024xi32, #tpu.memory_space<hbm>>
      %dma_wait3A_184 = tpu.memref_slice %arg4[%dma_wait3A_181, %add3A_138] : memref<3x200000xi32, #tpu.memory_space<hbm>> -> memref<1x1024xi32, #tpu.memory_space<hbm>>
      %dma_wait3A_185 = tpu.memref_squeeze %dma_wait3A_184 : memref<1x1024xi32, #tpu.memory_space<hbm>> -> memref<1024xi32, #tpu.memory_space<hbm>>
      tpu.wait_dma2 semaphore(%arg27 : memref<!tpu.dma_semaphore, #tpu.memory_space<semaphore_mem>>) src(%dma_wait3A_185 : memref<1024xi32, #tpu.memory_space<hbm>>) dst(%arg7 : memref<1024xi32, #tpu.memory_space<vmem>>)
      %dma_wait3A_186 = arith.constant 1 : i32
      %dma_wait3A_187 = tpu.memref_slice %arg4[%dma_wait3A_186, %add3A_138] : memref<3x200000xi32, #tpu.memory_space<hbm>> -> memref<1x1024xi32, #tpu.memory_space<hbm>>
      %dma_wait3A_188 = tpu.memref_squeeze %dma_wait3A_187 : memref<1x1024xi32, #tpu.memory_space<hbm>> -> memref<1024xi32, #tpu.memory_space<hbm>>
      %dma_wait3A_189 = tpu.memref_slice %arg4[%dma_wait3A_186, %add3A_138] : memref<3x200000xi32, #tpu.memory_space<hbm>> -> memref<1x1024xi32, #tpu.memory_space<hbm>>
      %dma_wait3A_190 = tpu.memref_squeeze %dma_wait3A_189 : memref<1x1024xi32, #tpu.memory_space<hbm>> -> memref<1024xi32, #tpu.memory_space<hbm>>
      tpu.wait_dma2 semaphore(%arg27 : memref<!tpu.dma_semaphore, #tpu.memory_space<semaphore_mem>>) src(%dma_wait3A_190 : memref<1024xi32, #tpu.memory_space<hbm>>) dst(%arg8 : memref<1024xi32, #tpu.memory_space<vmem>>)
      %dma_wait3A_191 = arith.constant 2 : i32
      %dma_wait3A_192 = tpu.memref_slice %arg4[%dma_wait3A_191, %add3A_138] : memref<3x200000xi32, #tpu.memory_space<hbm>> -> memref<1x1024xi32, #tpu.memory_space<hbm>>
      %dma_wait3A_193 = tpu.memref_squeeze %dma_wait3A_192 : memref<1x1024xi32, #tpu.memory_space<hbm>> -> memref<1024xi32, #tpu.memory_space<hbm>>
      %dma_wait3A_194 = tpu.memref_slice %arg4[%dma_wait3A_191, %add3A_138] : memref<3x200000xi32, #tpu.memory_space<hbm>> -> memref<1x1024xi32, #tpu.memory_space<hbm>>
      %dma_wait3A_195 = tpu.memref_squeeze %dma_wait3A_194 : memref<1x1024xi32, #tpu.memory_space<hbm>> -> memref<1024xi32, #tpu.memory_space<hbm>>
      tpu.wait_dma2 semaphore(%arg27 : memref<!tpu.dma_semaphore, #tpu.memory_space<semaphore_mem>>) src(%dma_wait3A_195 : memref<1024xi32, #tpu.memory_space<hbm>>) dst(%arg9 : memref<1024xi32, #tpu.memory_space<vmem>>)
      %dma_start3A_196 = arith.constant 0 : i32
      %dma_start3A_197 = arith.constant 0 : i32
      %dma_start3A_198 = tpu.memref_slice %arg2[%dma_start3A_196, %dma_start3A_197] : memref<100352x8xf32, #tpu.memory_space<hbm>> -> memref<100352x8xf32, #tpu.memory_space<hbm>>
      tpu.enqueue_indirect_dma source(%dma_start3A_198 : memref<100352x8xf32, #tpu.memory_space<hbm>>) target(%arg13 : memref<1024x8xf32, #tpu.memory_space<vmem>>) offsets(%arg7 : memref<1024xi32, #tpu.memory_space<vmem>>) semaphore(%arg29 : memref<!tpu.dma_semaphore, #tpu.memory_space<semaphore_mem>>)
      %dma_start3A_199 = arith.constant 0 : i32
      %dma_start3A_200 = arith.constant 0 : i32
      %dma_start3A_201 = tpu.memref_slice %arg2[%dma_start3A_199, %dma_start3A_200] : memref<100352x8xf32, #tpu.memory_space<hbm>> -> memref<100352x8xf32, #tpu.memory_space<hbm>>
      tpu.enqueue_indirect_dma source(%dma_start3A_201 : memref<100352x8xf32, #tpu.memory_space<hbm>>) target(%arg14 : memref<1024x8xf32, #tpu.memory_space<vmem>>) offsets(%arg8 : memref<1024xi32, #tpu.memory_space<vmem>>) semaphore(%arg29 : memref<!tpu.dma_semaphore, #tpu.memory_space<semaphore_mem>>)
      %dma_start3A_202 = arith.constant 0 : i32
      %dma_start3A_203 = arith.constant 0 : i32
      %dma_start3A_204 = tpu.memref_slice %arg2[%dma_start3A_202, %dma_start3A_203] : memref<100352x8xf32, #tpu.memory_space<hbm>> -> memref<100352x8xf32, #tpu.memory_space<hbm>>
      tpu.enqueue_indirect_dma source(%dma_start3A_204 : memref<100352x8xf32, #tpu.memory_space<hbm>>) target(%arg15 : memref<1024x8xf32, #tpu.memory_space<vmem>>) offsets(%arg9 : memref<1024xi32, #tpu.memory_space<vmem>>) semaphore(%arg29 : memref<!tpu.dma_semaphore, #tpu.memory_space<semaphore_mem>>)
      %dma_wait3A_205 = arith.constant 0 : i32
      %dma_wait3A_206 = arith.constant 0 : i32
      %dma_wait3A_207 = tpu.memref_slice %arg6[%dma_wait3A_205, %dma_wait3A_206] : memref<100352x8xf32, #tpu.memory_space<vmem_shared>> -> memref<100352x8xf32, #tpu.memory_space<vmem_shared>>
      tpu.wait_indirect_dma semaphore(%arg32 : memref<!tpu.dma_semaphore, #tpu.memory_space<semaphore_mem>>) src(%arg16 : memref<1024x8xf32, #tpu.memory_space<vmem>>) dst(%dma_wait3A_207 : memref<100352x8xf32, #tpu.memory_space<vmem_shared>>)
      %dma_wait3A_208 = arith.constant 0 : i32
      %dma_wait3A_209 = arith.constant 0 : i32
      %dma_wait3A_210 = tpu.memref_slice %arg6[%dma_wait3A_208, %dma_wait3A_209] : memref<100352x8xf32, #tpu.memory_space<vmem_shared>> -> memref<100352x8xf32, #tpu.memory_space<vmem_shared>>
      tpu.wait_indirect_dma semaphore(%arg32 : memref<!tpu.dma_semaphore, #tpu.memory_space<semaphore_mem>>) src(%arg16 : memref<1024x8xf32, #tpu.memory_space<vmem>>) dst(%dma_wait3A_210 : memref<100352x8xf32, #tpu.memory_space<vmem_shared>>)
      %dma_wait3A_211 = arith.constant 0 : i32
      %dma_wait3A_212 = arith.constant 0 : i32
      %dma_wait3A_213 = tpu.memref_slice %arg6[%dma_wait3A_211, %dma_wait3A_212] : memref<100352x8xf32, #tpu.memory_space<vmem_shared>> -> memref<100352x8xf32, #tpu.memory_space<vmem_shared>>
      tpu.wait_indirect_dma semaphore(%arg32 : memref<!tpu.dma_semaphore, #tpu.memory_space<semaphore_mem>>) src(%arg17 : memref<1024x8xf32, #tpu.memory_space<vmem>>) dst(%dma_wait3A_213 : memref<100352x8xf32, #tpu.memory_space<vmem_shared>>)
      %dma_wait3A_214 = arith.constant 0 : i32
      %dma_wait3A_215 = arith.constant 0 : i32
      %dma_wait3A_216 = tpu.memref_slice %arg6[%dma_wait3A_214, %dma_wait3A_215] : memref<100352x8xf32, #tpu.memory_space<vmem_shared>> -> memref<100352x8xf32, #tpu.memory_space<vmem_shared>>
      tpu.wait_indirect_dma semaphore(%arg32 : memref<!tpu.dma_semaphore, #tpu.memory_space<semaphore_mem>>) src(%arg17 : memref<1024x8xf32, #tpu.memory_space<vmem>>) dst(%dma_wait3A_216 : memref<100352x8xf32, #tpu.memory_space<vmem_shared>>)
      %dma_wait3A_217 = arith.constant 0 : i32
      %dma_wait3A_218 = arith.constant 0 : i32
      %dma_wait3A_219 = tpu.memref_slice %arg6[%dma_wait3A_217, %dma_wait3A_218] : memref<100352x8xf32, #tpu.memory_space<vmem_shared>> -> memref<100352x8xf32, #tpu.memory_space<vmem_shared>>
      tpu.wait_indirect_dma semaphore(%arg32 : memref<!tpu.dma_semaphore, #tpu.memory_space<semaphore_mem>>) src(%arg18 : memref<1024x8xf32, #tpu.memory_space<vmem>>) dst(%dma_wait3A_219 : memref<100352x8xf32, #tpu.memory_space<vmem_shared>>)
      %dma_wait3A_220 = arith.constant 0 : i32
      %dma_wait3A_221 = arith.constant 0 : i32
      %dma_wait3A_222 = tpu.memref_slice %arg6[%dma_wait3A_220, %dma_wait3A_221] : memref<100352x8xf32, #tpu.memory_space<vmem_shared>> -> memref<100352x8xf32, #tpu.memory_space<vmem_shared>>
      tpu.wait_indirect_dma semaphore(%arg32 : memref<!tpu.dma_semaphore, #tpu.memory_space<semaphore_mem>>) src(%arg18 : memref<1024x8xf32, #tpu.memory_space<vmem>>) dst(%dma_wait3A_222 : memref<100352x8xf32, #tpu.memory_space<vmem_shared>>)
      %add3A_223 = arith.constant 3072 : i32
      %add3A_224 = arith.addi %mul3A_4, %add3A_223 : i32
      %dma_start3A_225 = arith.constant 0 : i32
      %dma_start3A_226 = tpu.memref_slice %arg4[%dma_start3A_225, %add3A_224] : memref<3x200000xi32, #tpu.memory_space<hbm>> -> memref<1x1024xi32, #tpu.memory_space<hbm>>
      %dma_start3A_227 = tpu.memref_squeeze %dma_start3A_226 : memref<1x1024xi32, #tpu.memory_space<hbm>> -> memref<1024xi32, #tpu.memory_space<hbm>>
      %dma_start3A_228 = tpu.memref_slice %arg4[%dma_start3A_225, %add3A_224] : memref<3x200000xi32, #tpu.memory_space<hbm>> -> memref<1x1024xi32, #tpu.memory_space<hbm>>
      %dma_start3A_229 = tpu.memref_squeeze %dma_start3A_228 : memref<1x1024xi32, #tpu.memory_space<hbm>> -> memref<1024xi32, #tpu.memory_space<hbm>>
      tpu.enqueue_dma source(%dma_start3A_229 : memref<1024xi32, #tpu.memory_space<hbm>>) target(%arg10 : memref<1024xi32, #tpu.memory_space<vmem>>) target_semaphore(%arg28 : memref<!tpu.dma_semaphore, #tpu.memory_space<semaphore_mem>>)
      %dma_start3A_230 = arith.constant 1 : i32
      %dma_start3A_231 = tpu.memref_slice %arg4[%dma_start3A_230, %add3A_224] : memref<3x200000xi32, #tpu.memory_space<hbm>> -> memref<1x1024xi32, #tpu.memory_space<hbm>>
      %dma_start3A_232 = tpu.memref_squeeze %dma_start3A_231 : memref<1x1024xi32, #tpu.memory_space<hbm>> -> memref<1024xi32, #tpu.memory_space<hbm>>
      %dma_start3A_233 = tpu.memref_slice %arg4[%dma_start3A_230, %add3A_224] : memref<3x200000xi32, #tpu.memory_space<hbm>> -> memref<1x1024xi32, #tpu.memory_space<hbm>>
      %dma_start3A_234 = tpu.memref_squeeze %dma_start3A_233 : memref<1x1024xi32, #tpu.memory_space<hbm>> -> memref<1024xi32, #tpu.memory_space<hbm>>
      tpu.enqueue_dma source(%dma_start3A_234 : memref<1024xi32, #tpu.memory_space<hbm>>) target(%arg11 : memref<1024xi32, #tpu.memory_space<vmem>>) target_semaphore(%arg28 : memref<!tpu.dma_semaphore, #tpu.memory_space<semaphore_mem>>)
      %dma_start3A_235 = arith.constant 2 : i32
      %dma_start3A_236 = tpu.memref_slice %arg4[%dma_start3A_235, %add3A_224] : memref<3x200000xi32, #tpu.memory_space<hbm>> -> memref<1x1024xi32, #tpu.memory_space<hbm>>
      %dma_start3A_237 = tpu.memref_squeeze %dma_start3A_236 : memref<1x1024xi32, #tpu.memory_space<hbm>> -> memref<1024xi32, #tpu.memory_space<hbm>>
      %dma_start3A_238 = tpu.memref_slice %arg4[%dma_start3A_235, %add3A_224] : memref<3x200000xi32, #tpu.memory_space<hbm>> -> memref<1x1024xi32, #tpu.memory_space<hbm>>
      %dma_start3A_239 = tpu.memref_squeeze %dma_start3A_238 : memref<1x1024xi32, #tpu.memory_space<hbm>> -> memref<1024xi32, #tpu.memory_space<hbm>>
      tpu.enqueue_dma source(%dma_start3A_239 : memref<1024xi32, #tpu.memory_space<hbm>>) target(%arg12 : memref<1024xi32, #tpu.memory_space<vmem>>) target_semaphore(%arg28 : memref<!tpu.dma_semaphore, #tpu.memory_space<semaphore_mem>>)
      %dma_wait3A_240 = arith.constant 0 : i32
      %dma_wait3A_241 = arith.constant 0 : i32
      %dma_wait3A_242 = tpu.memref_slice %arg2[%dma_wait3A_240, %dma_wait3A_241] : memref<100352x8xf32, #tpu.memory_space<hbm>> -> memref<100352x8xf32, #tpu.memory_space<hbm>>
      tpu.wait_indirect_dma semaphore(%arg29 : memref<!tpu.dma_semaphore, #tpu.memory_space<semaphore_mem>>) src(%dma_wait3A_242 : memref<100352x8xf32, #tpu.memory_space<hbm>>) dst(%arg13 : memref<1024x8xf32, #tpu.memory_space<vmem>>)
      %dma_start3A_243 = arith.constant 0 : i32
      %dma_start3A_244 = arith.constant 0 : i32
      %dma_start3A_245 = tpu.memref_slice %arg6[%dma_start3A_243, %dma_start3A_244] : memref<100352x8xf32, #tpu.memory_space<vmem_shared>> -> memref<100352x8xf32, #tpu.memory_space<vmem_shared>>
      tpu.enqueue_indirect_dma source(%arg13 : memref<1024x8xf32, #tpu.memory_space<vmem>>) target(%dma_start3A_245 : memref<100352x8xf32, #tpu.memory_space<vmem_shared>>) offsets(%arg8 : memref<1024xi32, #tpu.memory_space<vmem>>) semaphore(%arg31 : memref<!tpu.dma_semaphore, #tpu.memory_space<semaphore_mem>>) {add = true}
      %dma_start3A_246 = arith.constant 0 : i32
      %dma_start3A_247 = arith.constant 0 : i32
      %dma_start3A_248 = tpu.memref_slice %arg6[%dma_start3A_246, %dma_start3A_247] : memref<100352x8xf32, #tpu.memory_space<vmem_shared>> -> memref<100352x8xf32, #tpu.memory_space<vmem_shared>>
      tpu.enqueue_indirect_dma source(%arg13 : memref<1024x8xf32, #tpu.memory_space<vmem>>) target(%dma_start3A_248 : memref<100352x8xf32, #tpu.memory_space<vmem_shared>>) offsets(%arg9 : memref<1024xi32, #tpu.memory_space<vmem>>) semaphore(%arg31 : memref<!tpu.dma_semaphore, #tpu.memory_space<semaphore_mem>>) {add = true}
      %dma_wait3A_249 = arith.constant 0 : i32
      %dma_wait3A_250 = arith.constant 0 : i32
      %dma_wait3A_251 = tpu.memref_slice %arg2[%dma_wait3A_249, %dma_wait3A_250] : memref<100352x8xf32, #tpu.memory_space<hbm>> -> memref<100352x8xf32, #tpu.memory_space<hbm>>
      tpu.wait_indirect_dma semaphore(%arg29 : memref<!tpu.dma_semaphore, #tpu.memory_space<semaphore_mem>>) src(%dma_wait3A_251 : memref<100352x8xf32, #tpu.memory_space<hbm>>) dst(%arg14 : memref<1024x8xf32, #tpu.memory_space<vmem>>)
      %dma_start3A_252 = arith.constant 0 : i32
      %dma_start3A_253 = arith.constant 0 : i32
      %dma_start3A_254 = tpu.memref_slice %arg6[%dma_start3A_252, %dma_start3A_253] : memref<100352x8xf32, #tpu.memory_space<vmem_shared>> -> memref<100352x8xf32, #tpu.memory_space<vmem_shared>>
      tpu.enqueue_indirect_dma source(%arg14 : memref<1024x8xf32, #tpu.memory_space<vmem>>) target(%dma_start3A_254 : memref<100352x8xf32, #tpu.memory_space<vmem_shared>>) offsets(%arg7 : memref<1024xi32, #tpu.memory_space<vmem>>) semaphore(%arg31 : memref<!tpu.dma_semaphore, #tpu.memory_space<semaphore_mem>>) {add = true}
      %dma_start3A_255 = arith.constant 0 : i32
      %dma_start3A_256 = arith.constant 0 : i32
      %dma_start3A_257 = tpu.memref_slice %arg6[%dma_start3A_255, %dma_start3A_256] : memref<100352x8xf32, #tpu.memory_space<vmem_shared>> -> memref<100352x8xf32, #tpu.memory_space<vmem_shared>>
      tpu.enqueue_indirect_dma source(%arg14 : memref<1024x8xf32, #tpu.memory_space<vmem>>) target(%dma_start3A_257 : memref<100352x8xf32, #tpu.memory_space<vmem_shared>>) offsets(%arg9 : memref<1024xi32, #tpu.memory_space<vmem>>) semaphore(%arg31 : memref<!tpu.dma_semaphore, #tpu.memory_space<semaphore_mem>>) {add = true}
      %dma_wait3A_258 = arith.constant 0 : i32
      %dma_wait3A_259 = arith.constant 0 : i32
      %dma_wait3A_260 = tpu.memref_slice %arg2[%dma_wait3A_258, %dma_wait3A_259] : memref<100352x8xf32, #tpu.memory_space<hbm>> -> memref<100352x8xf32, #tpu.memory_space<hbm>>
      tpu.wait_indirect_dma semaphore(%arg29 : memref<!tpu.dma_semaphore, #tpu.memory_space<semaphore_mem>>) src(%dma_wait3A_260 : memref<100352x8xf32, #tpu.memory_space<hbm>>) dst(%arg15 : memref<1024x8xf32, #tpu.memory_space<vmem>>)
      %dma_start3A_261 = arith.constant 0 : i32
      %dma_start3A_262 = arith.constant 0 : i32
      %dma_start3A_263 = tpu.memref_slice %arg6[%dma_start3A_261, %dma_start3A_262] : memref<100352x8xf32, #tpu.memory_space<vmem_shared>> -> memref<100352x8xf32, #tpu.memory_space<vmem_shared>>
      tpu.enqueue_indirect_dma source(%arg15 : memref<1024x8xf32, #tpu.memory_space<vmem>>) target(%dma_start3A_263 : memref<100352x8xf32, #tpu.memory_space<vmem_shared>>) offsets(%arg8 : memref<1024xi32, #tpu.memory_space<vmem>>) semaphore(%arg31 : memref<!tpu.dma_semaphore, #tpu.memory_space<semaphore_mem>>) {add = true}
      %dma_start3A_264 = arith.constant 0 : i32
      %dma_start3A_265 = arith.constant 0 : i32
      %dma_start3A_266 = tpu.memref_slice %arg6[%dma_start3A_264, %dma_start3A_265] : memref<100352x8xf32, #tpu.memory_space<vmem_shared>> -> memref<100352x8xf32, #tpu.memory_space<vmem_shared>>
      tpu.enqueue_indirect_dma source(%arg15 : memref<1024x8xf32, #tpu.memory_space<vmem>>) target(%dma_start3A_266 : memref<100352x8xf32, #tpu.memory_space<vmem_shared>>) offsets(%arg7 : memref<1024xi32, #tpu.memory_space<vmem>>) semaphore(%arg31 : memref<!tpu.dma_semaphore, #tpu.memory_space<semaphore_mem>>) {add = true}
      %dma_wait3A_267 = arith.constant 0 : i32
      %dma_wait3A_268 = tpu.memref_slice %arg4[%dma_wait3A_267, %add3A_224] : memref<3x200000xi32, #tpu.memory_space<hbm>> -> memref<1x1024xi32, #tpu.memory_space<hbm>>
      %dma_wait3A_269 = tpu.memref_squeeze %dma_wait3A_268 : memref<1x1024xi32, #tpu.memory_space<hbm>> -> memref<1024xi32, #tpu.memory_space<hbm>>
      %dma_wait3A_270 = tpu.memref_slice %arg4[%dma_wait3A_267, %add3A_224] : memref<3x200000xi32, #tpu.memory_space<hbm>> -> memref<1x1024xi32, #tpu.memory_space<hbm>>
      %dma_wait3A_271 = tpu.memref_squeeze %dma_wait3A_270 : memref<1x1024xi32, #tpu.memory_space<hbm>> -> memref<1024xi32, #tpu.memory_space<hbm>>
      tpu.wait_dma2 semaphore(%arg28 : memref<!tpu.dma_semaphore, #tpu.memory_space<semaphore_mem>>) src(%dma_wait3A_271 : memref<1024xi32, #tpu.memory_space<hbm>>) dst(%arg10 : memref<1024xi32, #tpu.memory_space<vmem>>)
      %dma_wait3A_272 = arith.constant 1 : i32
      %dma_wait3A_273 = tpu.memref_slice %arg4[%dma_wait3A_272, %add3A_224] : memref<3x200000xi32, #tpu.memory_space<hbm>> -> memref<1x1024xi32, #tpu.memory_space<hbm>>
      %dma_wait3A_274 = tpu.memref_squeeze %dma_wait3A_273 : memref<1x1024xi32, #tpu.memory_space<hbm>> -> memref<1024xi32, #tpu.memory_space<hbm>>
      %dma_wait3A_275 = tpu.memref_slice %arg4[%dma_wait3A_272, %add3A_224] : memref<3x200000xi32, #tpu.memory_space<hbm>> -> memref<1x1024xi32, #tpu.memory_space<hbm>>
      %dma_wait3A_276 = tpu.memref_squeeze %dma_wait3A_275 : memref<1x1024xi32, #tpu.memory_space<hbm>> -> memref<1024xi32, #tpu.memory_space<hbm>>
      tpu.wait_dma2 semaphore(%arg28 : memref<!tpu.dma_semaphore, #tpu.memory_space<semaphore_mem>>) src(%dma_wait3A_276 : memref<1024xi32, #tpu.memory_space<hbm>>) dst(%arg11 : memref<1024xi32, #tpu.memory_space<vmem>>)
      %dma_wait3A_277 = arith.constant 2 : i32
      %dma_wait3A_278 = tpu.memref_slice %arg4[%dma_wait3A_277, %add3A_224] : memref<3x200000xi32, #tpu.memory_space<hbm>> -> memref<1x1024xi32, #tpu.memory_space<hbm>>
      %dma_wait3A_279 = tpu.memref_squeeze %dma_wait3A_278 : memref<1x1024xi32, #tpu.memory_space<hbm>> -> memref<1024xi32, #tpu.memory_space<hbm>>
      %dma_wait3A_280 = tpu.memref_slice %arg4[%dma_wait3A_277, %add3A_224] : memref<3x200000xi32, #tpu.memory_space<hbm>> -> memref<1x1024xi32, #tpu.memory_space<hbm>>
      %dma_wait3A_281 = tpu.memref_squeeze %dma_wait3A_280 : memref<1x1024xi32, #tpu.memory_space<hbm>> -> memref<1024xi32, #tpu.memory_space<hbm>>
      tpu.wait_dma2 semaphore(%arg28 : memref<!tpu.dma_semaphore, #tpu.memory_space<semaphore_mem>>) src(%dma_wait3A_281 : memref<1024xi32, #tpu.memory_space<hbm>>) dst(%arg12 : memref<1024xi32, #tpu.memory_space<vmem>>)
      %dma_start3A_282 = arith.constant 0 : i32
      %dma_start3A_283 = arith.constant 0 : i32
      %dma_start3A_284 = tpu.memref_slice %arg2[%dma_start3A_282, %dma_start3A_283] : memref<100352x8xf32, #tpu.memory_space<hbm>> -> memref<100352x8xf32, #tpu.memory_space<hbm>>
      tpu.enqueue_indirect_dma source(%dma_start3A_284 : memref<100352x8xf32, #tpu.memory_space<hbm>>) target(%arg16 : memref<1024x8xf32, #tpu.memory_space<vmem>>) offsets(%arg10 : memref<1024xi32, #tpu.memory_space<vmem>>) semaphore(%arg30 : memref<!tpu.dma_semaphore, #tpu.memory_space<semaphore_mem>>)
      %dma_start3A_285 = arith.constant 0 : i32
      %dma_start3A_286 = arith.constant 0 : i32
      %dma_start3A_287 = tpu.memref_slice %arg2[%dma_start3A_285, %dma_start3A_286] : memref<100352x8xf32, #tpu.memory_space<hbm>> -> memref<100352x8xf32, #tpu.memory_space<hbm>>
      tpu.enqueue_indirect_dma source(%dma_start3A_287 : memref<100352x8xf32, #tpu.memory_space<hbm>>) target(%arg17 : memref<1024x8xf32, #tpu.memory_space<vmem>>) offsets(%arg11 : memref<1024xi32, #tpu.memory_space<vmem>>) semaphore(%arg30 : memref<!tpu.dma_semaphore, #tpu.memory_space<semaphore_mem>>)
      %dma_start3A_288 = arith.constant 0 : i32
      %dma_start3A_289 = arith.constant 0 : i32
      %dma_start3A_290 = tpu.memref_slice %arg2[%dma_start3A_288, %dma_start3A_289] : memref<100352x8xf32, #tpu.memory_space<hbm>> -> memref<100352x8xf32, #tpu.memory_space<hbm>>
      tpu.enqueue_indirect_dma source(%dma_start3A_290 : memref<100352x8xf32, #tpu.memory_space<hbm>>) target(%arg18 : memref<1024x8xf32, #tpu.memory_space<vmem>>) offsets(%arg12 : memref<1024xi32, #tpu.memory_space<vmem>>) semaphore(%arg30 : memref<!tpu.dma_semaphore, #tpu.memory_space<semaphore_mem>>)
      %dma_wait3A_291 = arith.constant 0 : i32
      %dma_wait3A_292 = arith.constant 0 : i32
      %dma_wait3A_293 = tpu.memref_slice %arg6[%dma_wait3A_291, %dma_wait3A_292] : memref<100352x8xf32, #tpu.memory_space<vmem_shared>> -> memref<100352x8xf32, #tpu.memory_space<vmem_shared>>
      tpu.wait_indirect_dma semaphore(%arg31 : memref<!tpu.dma_semaphore, #tpu.memory_space<semaphore_mem>>) src(%arg13 : memref<1024x8xf32, #tpu.memory_space<vmem>>) dst(%dma_wait3A_293 : memref<100352x8xf32, #tpu.memory_space<vmem_shared>>)
      %dma_wait3A_294 = arith.constant 0 : i32
      %dma_wait3A_295 = arith.constant 0 : i32
      %dma_wait3A_296 = tpu.memref_slice %arg6[%dma_wait3A_294, %dma_wait3A_295] : memref<100352x8xf32, #tpu.memory_space<vmem_shared>> -> memref<100352x8xf32, #tpu.memory_space<vmem_shared>>
      tpu.wait_indirect_dma semaphore(%arg31 : memref<!tpu.dma_semaphore, #tpu.memory_space<semaphore_mem>>) src(%arg13 : memref<1024x8xf32, #tpu.memory_space<vmem>>) dst(%dma_wait3A_296 : memref<100352x8xf32, #tpu.memory_space<vmem_shared>>)
      %dma_wait3A_297 = arith.constant 0 : i32
      %dma_wait3A_298 = arith.constant 0 : i32
      %dma_wait3A_299 = tpu.memref_slice %arg6[%dma_wait3A_297, %dma_wait3A_298] : memref<100352x8xf32, #tpu.memory_space<vmem_shared>> -> memref<100352x8xf32, #tpu.memory_space<vmem_shared>>
      tpu.wait_indirect_dma semaphore(%arg31 : memref<!tpu.dma_semaphore, #tpu.memory_space<semaphore_mem>>) src(%arg14 : memref<1024x8xf32, #tpu.memory_space<vmem>>) dst(%dma_wait3A_299 : memref<100352x8xf32, #tpu.memory_space<vmem_shared>>)
      %dma_wait3A_300 = arith.constant 0 : i32
      %dma_wait3A_301 = arith.constant 0 : i32
      %dma_wait3A_302 = tpu.memref_slice %arg6[%dma_wait3A_300, %dma_wait3A_301] : memref<100352x8xf32, #tpu.memory_space<vmem_shared>> -> memref<100352x8xf32, #tpu.memory_space<vmem_shared>>
      tpu.wait_indirect_dma semaphore(%arg31 : memref<!tpu.dma_semaphore, #tpu.memory_space<semaphore_mem>>) src(%arg14 : memref<1024x8xf32, #tpu.memory_space<vmem>>) dst(%dma_wait3A_302 : memref<100352x8xf32, #tpu.memory_space<vmem_shared>>)
      %dma_wait3A_303 = arith.constant 0 : i32
      %dma_wait3A_304 = arith.constant 0 : i32
      %dma_wait3A_305 = tpu.memref_slice %arg6[%dma_wait3A_303, %dma_wait3A_304] : memref<100352x8xf32, #tpu.memory_space<vmem_shared>> -> memref<100352x8xf32, #tpu.memory_space<vmem_shared>>
      tpu.wait_indirect_dma semaphore(%arg31 : memref<!tpu.dma_semaphore, #tpu.memory_space<semaphore_mem>>) src(%arg15 : memref<1024x8xf32, #tpu.memory_space<vmem>>) dst(%dma_wait3A_305 : memref<100352x8xf32, #tpu.memory_space<vmem_shared>>)
      %dma_wait3A_306 = arith.constant 0 : i32
      %dma_wait3A_307 = arith.constant 0 : i32
      %dma_wait3A_308 = tpu.memref_slice %arg6[%dma_wait3A_306, %dma_wait3A_307] : memref<100352x8xf32, #tpu.memory_space<vmem_shared>> -> memref<100352x8xf32, #tpu.memory_space<vmem_shared>>
      tpu.wait_indirect_dma semaphore(%arg31 : memref<!tpu.dma_semaphore, #tpu.memory_space<semaphore_mem>>) src(%arg15 : memref<1024x8xf32, #tpu.memory_space<vmem>>) dst(%dma_wait3A_308 : memref<100352x8xf32, #tpu.memory_space<vmem_shared>>)
      %add3A_309 = arith.constant 4096 : i32
      %add3A_310 = arith.addi %mul3A_4, %add3A_309 : i32
      %dma_start3A_311 = arith.constant 0 : i32
      %dma_start3A_312 = tpu.memref_slice %arg4[%dma_start3A_311, %add3A_310] : memref<3x200000xi32, #tpu.memory_space<hbm>> -> memref<1x1024xi32, #tpu.memory_space<hbm>>
      %dma_start3A_313 = tpu.memref_squeeze %dma_start3A_312 : memref<1x1024xi32, #tpu.memory_space<hbm>> -> memref<1024xi32, #tpu.memory_space<hbm>>
      %dma_start3A_314 = tpu.memref_slice %arg4[%dma_start3A_311, %add3A_310] : memref<3x200000xi32, #tpu.memory_space<hbm>> -> memref<1x1024xi32, #tpu.memory_space<hbm>>
      %dma_start3A_315 = tpu.memref_squeeze %dma_start3A_314 : memref<1x1024xi32, #tpu.memory_space<hbm>> -> memref<1024xi32, #tpu.memory_space<hbm>>
      tpu.enqueue_dma source(%dma_start3A_315 : memref<1024xi32, #tpu.memory_space<hbm>>) target(%arg7 : memref<1024xi32, #tpu.memory_space<vmem>>) target_semaphore(%arg27 : memref<!tpu.dma_semaphore, #tpu.memory_space<semaphore_mem>>)
      %dma_start3A_316 = arith.constant 1 : i32
      %dma_start3A_317 = tpu.memref_slice %arg4[%dma_start3A_316, %add3A_310] : memref<3x200000xi32, #tpu.memory_space<hbm>> -> memref<1x1024xi32, #tpu.memory_space<hbm>>
      %dma_start3A_318 = tpu.memref_squeeze %dma_start3A_317 : memref<1x1024xi32, #tpu.memory_space<hbm>> -> memref<1024xi32, #tpu.memory_space<hbm>>
      %dma_start3A_319 = tpu.memref_slice %arg4[%dma_start3A_316, %add3A_310] : memref<3x200000xi32, #tpu.memory_space<hbm>> -> memref<1x1024xi32, #tpu.memory_space<hbm>>
      %dma_start3A_320 = tpu.memref_squeeze %dma_start3A_319 : memref<1x1024xi32, #tpu.memory_space<hbm>> -> memref<1024xi32, #tpu.memory_space<hbm>>
      tpu.enqueue_dma source(%dma_start3A_320 : memref<1024xi32, #tpu.memory_space<hbm>>) target(%arg8 : memref<1024xi32, #tpu.memory_space<vmem>>) target_semaphore(%arg27 : memref<!tpu.dma_semaphore, #tpu.memory_space<semaphore_mem>>)
      %dma_start3A_321 = arith.constant 2 : i32
      %dma_start3A_322 = tpu.memref_slice %arg4[%dma_start3A_321, %add3A_310] : memref<3x200000xi32, #tpu.memory_space<hbm>> -> memref<1x1024xi32, #tpu.memory_space<hbm>>
      %dma_start3A_323 = tpu.memref_squeeze %dma_start3A_322 : memref<1x1024xi32, #tpu.memory_space<hbm>> -> memref<1024xi32, #tpu.memory_space<hbm>>
      %dma_start3A_324 = tpu.memref_slice %arg4[%dma_start3A_321, %add3A_310] : memref<3x200000xi32, #tpu.memory_space<hbm>> -> memref<1x1024xi32, #tpu.memory_space<hbm>>
      %dma_start3A_325 = tpu.memref_squeeze %dma_start3A_324 : memref<1x1024xi32, #tpu.memory_space<hbm>> -> memref<1024xi32, #tpu.memory_space<hbm>>
      tpu.enqueue_dma source(%dma_start3A_325 : memref<1024xi32, #tpu.memory_space<hbm>>) target(%arg9 : memref<1024xi32, #tpu.memory_space<vmem>>) target_semaphore(%arg27 : memref<!tpu.dma_semaphore, #tpu.memory_space<semaphore_mem>>)
      %dma_wait3A_326 = arith.constant 0 : i32
      %dma_wait3A_327 = arith.constant 0 : i32
      %dma_wait3A_328 = tpu.memref_slice %arg2[%dma_wait3A_326, %dma_wait3A_327] : memref<100352x8xf32, #tpu.memory_space<hbm>> -> memref<100352x8xf32, #tpu.memory_space<hbm>>
      tpu.wait_indirect_dma semaphore(%arg30 : memref<!tpu.dma_semaphore, #tpu.memory_space<semaphore_mem>>) src(%dma_wait3A_328 : memref<100352x8xf32, #tpu.memory_space<hbm>>) dst(%arg16 : memref<1024x8xf32, #tpu.memory_space<vmem>>)
      %dma_start3A_329 = arith.constant 0 : i32
      %dma_start3A_330 = arith.constant 0 : i32
      %dma_start3A_331 = tpu.memref_slice %arg6[%dma_start3A_329, %dma_start3A_330] : memref<100352x8xf32, #tpu.memory_space<vmem_shared>> -> memref<100352x8xf32, #tpu.memory_space<vmem_shared>>
      tpu.enqueue_indirect_dma source(%arg16 : memref<1024x8xf32, #tpu.memory_space<vmem>>) target(%dma_start3A_331 : memref<100352x8xf32, #tpu.memory_space<vmem_shared>>) offsets(%arg11 : memref<1024xi32, #tpu.memory_space<vmem>>) semaphore(%arg32 : memref<!tpu.dma_semaphore, #tpu.memory_space<semaphore_mem>>) {add = true}
      %dma_start3A_332 = arith.constant 0 : i32
      %dma_start3A_333 = arith.constant 0 : i32
      %dma_start3A_334 = tpu.memref_slice %arg6[%dma_start3A_332, %dma_start3A_333] : memref<100352x8xf32, #tpu.memory_space<vmem_shared>> -> memref<100352x8xf32, #tpu.memory_space<vmem_shared>>
      tpu.enqueue_indirect_dma source(%arg16 : memref<1024x8xf32, #tpu.memory_space<vmem>>) target(%dma_start3A_334 : memref<100352x8xf32, #tpu.memory_space<vmem_shared>>) offsets(%arg12 : memref<1024xi32, #tpu.memory_space<vmem>>) semaphore(%arg32 : memref<!tpu.dma_semaphore, #tpu.memory_space<semaphore_mem>>) {add = true}
      %dma_wait3A_335 = arith.constant 0 : i32
      %dma_wait3A_336 = arith.constant 0 : i32
      %dma_wait3A_337 = tpu.memref_slice %arg2[%dma_wait3A_335, %dma_wait3A_336] : memref<100352x8xf32, #tpu.memory_space<hbm>> -> memref<100352x8xf32, #tpu.memory_space<hbm>>
      tpu.wait_indirect_dma semaphore(%arg30 : memref<!tpu.dma_semaphore, #tpu.memory_space<semaphore_mem>>) src(%dma_wait3A_337 : memref<100352x8xf32, #tpu.memory_space<hbm>>) dst(%arg17 : memref<1024x8xf32, #tpu.memory_space<vmem>>)
      %dma_start3A_338 = arith.constant 0 : i32
      %dma_start3A_339 = arith.constant 0 : i32
      %dma_start3A_340 = tpu.memref_slice %arg6[%dma_start3A_338, %dma_start3A_339] : memref<100352x8xf32, #tpu.memory_space<vmem_shared>> -> memref<100352x8xf32, #tpu.memory_space<vmem_shared>>
      tpu.enqueue_indirect_dma source(%arg17 : memref<1024x8xf32, #tpu.memory_space<vmem>>) target(%dma_start3A_340 : memref<100352x8xf32, #tpu.memory_space<vmem_shared>>) offsets(%arg10 : memref<1024xi32, #tpu.memory_space<vmem>>) semaphore(%arg32 : memref<!tpu.dma_semaphore, #tpu.memory_space<semaphore_mem>>) {add = true}
      %dma_start3A_341 = arith.constant 0 : i32
      %dma_start3A_342 = arith.constant 0 : i32
      %dma_start3A_343 = tpu.memref_slice %arg6[%dma_start3A_341, %dma_start3A_342] : memref<100352x8xf32, #tpu.memory_space<vmem_shared>> -> memref<100352x8xf32, #tpu.memory_space<vmem_shared>>
      tpu.enqueue_indirect_dma source(%arg17 : memref<1024x8xf32, #tpu.memory_space<vmem>>) target(%dma_start3A_343 : memref<100352x8xf32, #tpu.memory_space<vmem_shared>>) offsets(%arg12 : memref<1024xi32, #tpu.memory_space<vmem>>) semaphore(%arg32 : memref<!tpu.dma_semaphore, #tpu.memory_space<semaphore_mem>>) {add = true}
      %dma_wait3A_344 = arith.constant 0 : i32
      %dma_wait3A_345 = arith.constant 0 : i32
      %dma_wait3A_346 = tpu.memref_slice %arg2[%dma_wait3A_344, %dma_wait3A_345] : memref<100352x8xf32, #tpu.memory_space<hbm>> -> memref<100352x8xf32, #tpu.memory_space<hbm>>
      tpu.wait_indirect_dma semaphore(%arg30 : memref<!tpu.dma_semaphore, #tpu.memory_space<semaphore_mem>>) src(%dma_wait3A_346 : memref<100352x8xf32, #tpu.memory_space<hbm>>) dst(%arg18 : memref<1024x8xf32, #tpu.memory_space<vmem>>)
      %dma_start3A_347 = arith.constant 0 : i32
      %dma_start3A_348 = arith.constant 0 : i32
      %dma_start3A_349 = tpu.memref_slice %arg6[%dma_start3A_347, %dma_start3A_348] : memref<100352x8xf32, #tpu.memory_space<vmem_shared>> -> memref<100352x8xf32, #tpu.memory_space<vmem_shared>>
      tpu.enqueue_indirect_dma source(%arg18 : memref<1024x8xf32, #tpu.memory_space<vmem>>) target(%dma_start3A_349 : memref<100352x8xf32, #tpu.memory_space<vmem_shared>>) offsets(%arg11 : memref<1024xi32, #tpu.memory_space<vmem>>) semaphore(%arg32 : memref<!tpu.dma_semaphore, #tpu.memory_space<semaphore_mem>>) {add = true}
      %dma_start3A_350 = arith.constant 0 : i32
      %dma_start3A_351 = arith.constant 0 : i32
      %dma_start3A_352 = tpu.memref_slice %arg6[%dma_start3A_350, %dma_start3A_351] : memref<100352x8xf32, #tpu.memory_space<vmem_shared>> -> memref<100352x8xf32, #tpu.memory_space<vmem_shared>>
      tpu.enqueue_indirect_dma source(%arg18 : memref<1024x8xf32, #tpu.memory_space<vmem>>) target(%dma_start3A_352 : memref<100352x8xf32, #tpu.memory_space<vmem_shared>>) offsets(%arg10 : memref<1024xi32, #tpu.memory_space<vmem>>) semaphore(%arg32 : memref<!tpu.dma_semaphore, #tpu.memory_space<semaphore_mem>>) {add = true}
      %dma_wait3A_353 = arith.constant 0 : i32
      %dma_wait3A_354 = tpu.memref_slice %arg4[%dma_wait3A_353, %add3A_310] : memref<3x200000xi32, #tpu.memory_space<hbm>> -> memref<1x1024xi32, #tpu.memory_space<hbm>>
      %dma_wait3A_355 = tpu.memref_squeeze %dma_wait3A_354 : memref<1x1024xi32, #tpu.memory_space<hbm>> -> memref<1024xi32, #tpu.memory_space<hbm>>
      %dma_wait3A_356 = tpu.memref_slice %arg4[%dma_wait3A_353, %add3A_310] : memref<3x200000xi32, #tpu.memory_space<hbm>> -> memref<1x1024xi32, #tpu.memory_space<hbm>>
      %dma_wait3A_357 = tpu.memref_squeeze %dma_wait3A_356 : memref<1x1024xi32, #tpu.memory_space<hbm>> -> memref<1024xi32, #tpu.memory_space<hbm>>
      tpu.wait_dma2 semaphore(%arg27 : memref<!tpu.dma_semaphore, #tpu.memory_space<semaphore_mem>>) src(%dma_wait3A_357 : memref<1024xi32, #tpu.memory_space<hbm>>) dst(%arg7 : memref<1024xi32, #tpu.memory_space<vmem>>)
      %dma_wait3A_358 = arith.constant 1 : i32
      %dma_wait3A_359 = tpu.memref_slice %arg4[%dma_wait3A_358, %add3A_310] : memref<3x200000xi32, #tpu.memory_space<hbm>> -> memref<1x1024xi32, #tpu.memory_space<hbm>>
      %dma_wait3A_360 = tpu.memref_squeeze %dma_wait3A_359 : memref<1x1024xi32, #tpu.memory_space<hbm>> -> memref<1024xi32, #tpu.memory_space<hbm>>
      %dma_wait3A_361 = tpu.memref_slice %arg4[%dma_wait3A_358, %add3A_310] : memref<3x200000xi32, #tpu.memory_space<hbm>> -> memref<1x1024xi32, #tpu.memory_space<hbm>>
      %dma_wait3A_362 = tpu.memref_squeeze %dma_wait3A_361 : memref<1x1024xi32, #tpu.memory_space<hbm>> -> memref<1024xi32, #tpu.memory_space<hbm>>
      tpu.wait_dma2 semaphore(%arg27 : memref<!tpu.dma_semaphore, #tpu.memory_space<semaphore_mem>>) src(%dma_wait3A_362 : memref<1024xi32, #tpu.memory_space<hbm>>) dst(%arg8 : memref<1024xi32, #tpu.memory_space<vmem>>)
      %dma_wait3A_363 = arith.constant 2 : i32
      %dma_wait3A_364 = tpu.memref_slice %arg4[%dma_wait3A_363, %add3A_310] : memref<3x200000xi32, #tpu.memory_space<hbm>> -> memref<1x1024xi32, #tpu.memory_space<hbm>>
      %dma_wait3A_365 = tpu.memref_squeeze %dma_wait3A_364 : memref<1x1024xi32, #tpu.memory_space<hbm>> -> memref<1024xi32, #tpu.memory_space<hbm>>
      %dma_wait3A_366 = tpu.memref_slice %arg4[%dma_wait3A_363, %add3A_310] : memref<3x200000xi32, #tpu.memory_space<hbm>> -> memref<1x1024xi32, #tpu.memory_space<hbm>>
      %dma_wait3A_367 = tpu.memref_squeeze %dma_wait3A_366 : memref<1x1024xi32, #tpu.memory_space<hbm>> -> memref<1024xi32, #tpu.memory_space<hbm>>
      tpu.wait_dma2 semaphore(%arg27 : memref<!tpu.dma_semaphore, #tpu.memory_space<semaphore_mem>>) src(%dma_wait3A_367 : memref<1024xi32, #tpu.memory_space<hbm>>) dst(%arg9 : memref<1024xi32, #tpu.memory_space<vmem>>)
      %dma_start3A_368 = arith.constant 0 : i32
      %dma_start3A_369 = arith.constant 0 : i32
      %dma_start3A_370 = tpu.memref_slice %arg2[%dma_start3A_368, %dma_start3A_369] : memref<100352x8xf32, #tpu.memory_space<hbm>> -> memref<100352x8xf32, #tpu.memory_space<hbm>>
      tpu.enqueue_indirect_dma source(%dma_start3A_370 : memref<100352x8xf32, #tpu.memory_space<hbm>>) target(%arg13 : memref<1024x8xf32, #tpu.memory_space<vmem>>) offsets(%arg7 : memref<1024xi32, #tpu.memory_space<vmem>>) semaphore(%arg29 : memref<!tpu.dma_semaphore, #tpu.memory_space<semaphore_mem>>)
      %dma_start3A_371 = arith.constant 0 : i32
      %dma_start3A_372 = arith.constant 0 : i32
      %dma_start3A_373 = tpu.memref_slice %arg2[%dma_start3A_371, %dma_start3A_372] : memref<100352x8xf32, #tpu.memory_space<hbm>> -> memref<100352x8xf32, #tpu.memory_space<hbm>>
      tpu.enqueue_indirect_dma source(%dma_start3A_373 : memref<100352x8xf32, #tpu.memory_space<hbm>>) target(%arg14 : memref<1024x8xf32, #tpu.memory_space<vmem>>) offsets(%arg8 : memref<1024xi32, #tpu.memory_space<vmem>>) semaphore(%arg29 : memref<!tpu.dma_semaphore, #tpu.memory_space<semaphore_mem>>)
      %dma_start3A_374 = arith.constant 0 : i32
      %dma_start3A_375 = arith.constant 0 : i32
      %dma_start3A_376 = tpu.memref_slice %arg2[%dma_start3A_374, %dma_start3A_375] : memref<100352x8xf32, #tpu.memory_space<hbm>> -> memref<100352x8xf32, #tpu.memory_space<hbm>>
      tpu.enqueue_indirect_dma source(%dma_start3A_376 : memref<100352x8xf32, #tpu.memory_space<hbm>>) target(%arg15 : memref<1024x8xf32, #tpu.memory_space<vmem>>) offsets(%arg9 : memref<1024xi32, #tpu.memory_space<vmem>>) semaphore(%arg29 : memref<!tpu.dma_semaphore, #tpu.memory_space<semaphore_mem>>)
      %dma_wait3A_377 = arith.constant 0 : i32
      %dma_wait3A_378 = arith.constant 0 : i32
      %dma_wait3A_379 = tpu.memref_slice %arg6[%dma_wait3A_377, %dma_wait3A_378] : memref<100352x8xf32, #tpu.memory_space<vmem_shared>> -> memref<100352x8xf32, #tpu.memory_space<vmem_shared>>
      tpu.wait_indirect_dma semaphore(%arg32 : memref<!tpu.dma_semaphore, #tpu.memory_space<semaphore_mem>>) src(%arg16 : memref<1024x8xf32, #tpu.memory_space<vmem>>) dst(%dma_wait3A_379 : memref<100352x8xf32, #tpu.memory_space<vmem_shared>>)
      %dma_wait3A_380 = arith.constant 0 : i32
      %dma_wait3A_381 = arith.constant 0 : i32
      %dma_wait3A_382 = tpu.memref_slice %arg6[%dma_wait3A_380, %dma_wait3A_381] : memref<100352x8xf32, #tpu.memory_space<vmem_shared>> -> memref<100352x8xf32, #tpu.memory_space<vmem_shared>>
      tpu.wait_indirect_dma semaphore(%arg32 : memref<!tpu.dma_semaphore, #tpu.memory_space<semaphore_mem>>) src(%arg16 : memref<1024x8xf32, #tpu.memory_space<vmem>>) dst(%dma_wait3A_382 : memref<100352x8xf32, #tpu.memory_space<vmem_shared>>)
      %dma_wait3A_383 = arith.constant 0 : i32
      %dma_wait3A_384 = arith.constant 0 : i32
      %dma_wait3A_385 = tpu.memref_slice %arg6[%dma_wait3A_383, %dma_wait3A_384] : memref<100352x8xf32, #tpu.memory_space<vmem_shared>> -> memref<100352x8xf32, #tpu.memory_space<vmem_shared>>
      tpu.wait_indirect_dma semaphore(%arg32 : memref<!tpu.dma_semaphore, #tpu.memory_space<semaphore_mem>>) src(%arg17 : memref<1024x8xf32, #tpu.memory_space<vmem>>) dst(%dma_wait3A_385 : memref<100352x8xf32, #tpu.memory_space<vmem_shared>>)
      %dma_wait3A_386 = arith.constant 0 : i32
      %dma_wait3A_387 = arith.constant 0 : i32
      %dma_wait3A_388 = tpu.memref_slice %arg6[%dma_wait3A_386, %dma_wait3A_387] : memref<100352x8xf32, #tpu.memory_space<vmem_shared>> -> memref<100352x8xf32, #tpu.memory_space<vmem_shared>>
      tpu.wait_indirect_dma semaphore(%arg32 : memref<!tpu.dma_semaphore, #tpu.memory_space<semaphore_mem>>) src(%arg17 : memref<1024x8xf32, #tpu.memory_space<vmem>>) dst(%dma_wait3A_388 : memref<100352x8xf32, #tpu.memory_space<vmem_shared>>)
      %dma_wait3A_389 = arith.constant 0 : i32
      %dma_wait3A_390 = arith.constant 0 : i32
      %dma_wait3A_391 = tpu.memref_slice %arg6[%dma_wait3A_389, %dma_wait3A_390] : memref<100352x8xf32, #tpu.memory_space<vmem_shared>> -> memref<100352x8xf32, #tpu.memory_space<vmem_shared>>
      tpu.wait_indirect_dma semaphore(%arg32 : memref<!tpu.dma_semaphore, #tpu.memory_space<semaphore_mem>>) src(%arg18 : memref<1024x8xf32, #tpu.memory_space<vmem>>) dst(%dma_wait3A_391 : memref<100352x8xf32, #tpu.memory_space<vmem_shared>>)
      %dma_wait3A_392 = arith.constant 0 : i32
      %dma_wait3A_393 = arith.constant 0 : i32
      %dma_wait3A_394 = tpu.memref_slice %arg6[%dma_wait3A_392, %dma_wait3A_393] : memref<100352x8xf32, #tpu.memory_space<vmem_shared>> -> memref<100352x8xf32, #tpu.memory_space<vmem_shared>>
      tpu.wait_indirect_dma semaphore(%arg32 : memref<!tpu.dma_semaphore, #tpu.memory_space<semaphore_mem>>) src(%arg18 : memref<1024x8xf32, #tpu.memory_space<vmem>>) dst(%dma_wait3A_394 : memref<100352x8xf32, #tpu.memory_space<vmem_shared>>)
      %add3A_395 = arith.constant 5120 : i32
      %add3A_396 = arith.addi %mul3A_4, %add3A_395 : i32
      %dma_start3A_397 = arith.constant 0 : i32
      %dma_start3A_398 = tpu.memref_slice %arg4[%dma_start3A_397, %add3A_396] : memref<3x200000xi32, #tpu.memory_space<hbm>> -> memref<1x1024xi32, #tpu.memory_space<hbm>>
      %dma_start3A_399 = tpu.memref_squeeze %dma_start3A_398 : memref<1x1024xi32, #tpu.memory_space<hbm>> -> memref<1024xi32, #tpu.memory_space<hbm>>
      %dma_start3A_400 = tpu.memref_slice %arg4[%dma_start3A_397, %add3A_396] : memref<3x200000xi32, #tpu.memory_space<hbm>> -> memref<1x1024xi32, #tpu.memory_space<hbm>>
      %dma_start3A_401 = tpu.memref_squeeze %dma_start3A_400 : memref<1x1024xi32, #tpu.memory_space<hbm>> -> memref<1024xi32, #tpu.memory_space<hbm>>
      tpu.enqueue_dma source(%dma_start3A_401 : memref<1024xi32, #tpu.memory_space<hbm>>) target(%arg10 : memref<1024xi32, #tpu.memory_space<vmem>>) target_semaphore(%arg28 : memref<!tpu.dma_semaphore, #tpu.memory_space<semaphore_mem>>)
      %dma_start3A_402 = arith.constant 1 : i32
      %dma_start3A_403 = tpu.memref_slice %arg4[%dma_start3A_402, %add3A_396] : memref<3x200000xi32, #tpu.memory_space<hbm>> -> memref<1x1024xi32, #tpu.memory_space<hbm>>
      %dma_start3A_404 = tpu.memref_squeeze %dma_start3A_403 : memref<1x1024xi32, #tpu.memory_space<hbm>> -> memref<1024xi32, #tpu.memory_space<hbm>>
      %dma_start3A_405 = tpu.memref_slice %arg4[%dma_start3A_402, %add3A_396] : memref<3x200000xi32, #tpu.memory_space<hbm>> -> memref<1x1024xi32, #tpu.memory_space<hbm>>
      %dma_start3A_406 = tpu.memref_squeeze %dma_start3A_405 : memref<1x1024xi32, #tpu.memory_space<hbm>> -> memref<1024xi32, #tpu.memory_space<hbm>>
      tpu.enqueue_dma source(%dma_start3A_406 : memref<1024xi32, #tpu.memory_space<hbm>>) target(%arg11 : memref<1024xi32, #tpu.memory_space<vmem>>) target_semaphore(%arg28 : memref<!tpu.dma_semaphore, #tpu.memory_space<semaphore_mem>>)
      %dma_start3A_407 = arith.constant 2 : i32
      %dma_start3A_408 = tpu.memref_slice %arg4[%dma_start3A_407, %add3A_396] : memref<3x200000xi32, #tpu.memory_space<hbm>> -> memref<1x1024xi32, #tpu.memory_space<hbm>>
      %dma_start3A_409 = tpu.memref_squeeze %dma_start3A_408 : memref<1x1024xi32, #tpu.memory_space<hbm>> -> memref<1024xi32, #tpu.memory_space<hbm>>
      %dma_start3A_410 = tpu.memref_slice %arg4[%dma_start3A_407, %add3A_396] : memref<3x200000xi32, #tpu.memory_space<hbm>> -> memref<1x1024xi32, #tpu.memory_space<hbm>>
      %dma_start3A_411 = tpu.memref_squeeze %dma_start3A_410 : memref<1x1024xi32, #tpu.memory_space<hbm>> -> memref<1024xi32, #tpu.memory_space<hbm>>
      tpu.enqueue_dma source(%dma_start3A_411 : memref<1024xi32, #tpu.memory_space<hbm>>) target(%arg12 : memref<1024xi32, #tpu.memory_space<vmem>>) target_semaphore(%arg28 : memref<!tpu.dma_semaphore, #tpu.memory_space<semaphore_mem>>)
      %dma_wait3A_412 = arith.constant 0 : i32
      %dma_wait3A_413 = arith.constant 0 : i32
      %dma_wait3A_414 = tpu.memref_slice %arg2[%dma_wait3A_412, %dma_wait3A_413] : memref<100352x8xf32, #tpu.memory_space<hbm>> -> memref<100352x8xf32, #tpu.memory_space<hbm>>
      tpu.wait_indirect_dma semaphore(%arg29 : memref<!tpu.dma_semaphore, #tpu.memory_space<semaphore_mem>>) src(%dma_wait3A_414 : memref<100352x8xf32, #tpu.memory_space<hbm>>) dst(%arg13 : memref<1024x8xf32, #tpu.memory_space<vmem>>)
      %dma_start3A_415 = arith.constant 0 : i32
      %dma_start3A_416 = arith.constant 0 : i32
      %dma_start3A_417 = tpu.memref_slice %arg6[%dma_start3A_415, %dma_start3A_416] : memref<100352x8xf32, #tpu.memory_space<vmem_shared>> -> memref<100352x8xf32, #tpu.memory_space<vmem_shared>>
      tpu.enqueue_indirect_dma source(%arg13 : memref<1024x8xf32, #tpu.memory_space<vmem>>) target(%dma_start3A_417 : memref<100352x8xf32, #tpu.memory_space<vmem_shared>>) offsets(%arg8 : memref<1024xi32, #tpu.memory_space<vmem>>) semaphore(%arg31 : memref<!tpu.dma_semaphore, #tpu.memory_space<semaphore_mem>>) {add = true}
      %dma_start3A_418 = arith.constant 0 : i32
      %dma_start3A_419 = arith.constant 0 : i32
      %dma_start3A_420 = tpu.memref_slice %arg6[%dma_start3A_418, %dma_start3A_419] : memref<100352x8xf32, #tpu.memory_space<vmem_shared>> -> memref<100352x8xf32, #tpu.memory_space<vmem_shared>>
      tpu.enqueue_indirect_dma source(%arg13 : memref<1024x8xf32, #tpu.memory_space<vmem>>) target(%dma_start3A_420 : memref<100352x8xf32, #tpu.memory_space<vmem_shared>>) offsets(%arg9 : memref<1024xi32, #tpu.memory_space<vmem>>) semaphore(%arg31 : memref<!tpu.dma_semaphore, #tpu.memory_space<semaphore_mem>>) {add = true}
      %dma_wait3A_421 = arith.constant 0 : i32
      %dma_wait3A_422 = arith.constant 0 : i32
      %dma_wait3A_423 = tpu.memref_slice %arg2[%dma_wait3A_421, %dma_wait3A_422] : memref<100352x8xf32, #tpu.memory_space<hbm>> -> memref<100352x8xf32, #tpu.memory_space<hbm>>
      tpu.wait_indirect_dma semaphore(%arg29 : memref<!tpu.dma_semaphore, #tpu.memory_space<semaphore_mem>>) src(%dma_wait3A_423 : memref<100352x8xf32, #tpu.memory_space<hbm>>) dst(%arg14 : memref<1024x8xf32, #tpu.memory_space<vmem>>)
      %dma_start3A_424 = arith.constant 0 : i32
      %dma_start3A_425 = arith.constant 0 : i32
      %dma_start3A_426 = tpu.memref_slice %arg6[%dma_start3A_424, %dma_start3A_425] : memref<100352x8xf32, #tpu.memory_space<vmem_shared>> -> memref<100352x8xf32, #tpu.memory_space<vmem_shared>>
      tpu.enqueue_indirect_dma source(%arg14 : memref<1024x8xf32, #tpu.memory_space<vmem>>) target(%dma_start3A_426 : memref<100352x8xf32, #tpu.memory_space<vmem_shared>>) offsets(%arg7 : memref<1024xi32, #tpu.memory_space<vmem>>) semaphore(%arg31 : memref<!tpu.dma_semaphore, #tpu.memory_space<semaphore_mem>>) {add = true}
      %dma_start3A_427 = arith.constant 0 : i32
      %dma_start3A_428 = arith.constant 0 : i32
      %dma_start3A_429 = tpu.memref_slice %arg6[%dma_start3A_427, %dma_start3A_428] : memref<100352x8xf32, #tpu.memory_space<vmem_shared>> -> memref<100352x8xf32, #tpu.memory_space<vmem_shared>>
      tpu.enqueue_indirect_dma source(%arg14 : memref<1024x8xf32, #tpu.memory_space<vmem>>) target(%dma_start3A_429 : memref<100352x8xf32, #tpu.memory_space<vmem_shared>>) offsets(%arg9 : memref<1024xi32, #tpu.memory_space<vmem>>) semaphore(%arg31 : memref<!tpu.dma_semaphore, #tpu.memory_space<semaphore_mem>>) {add = true}
      %dma_wait3A_430 = arith.constant 0 : i32
      %dma_wait3A_431 = arith.constant 0 : i32
      %dma_wait3A_432 = tpu.memref_slice %arg2[%dma_wait3A_430, %dma_wait3A_431] : memref<100352x8xf32, #tpu.memory_space<hbm>> -> memref<100352x8xf32, #tpu.memory_space<hbm>>
      tpu.wait_indirect_dma semaphore(%arg29 : memref<!tpu.dma_semaphore, #tpu.memory_space<semaphore_mem>>) src(%dma_wait3A_432 : memref<100352x8xf32, #tpu.memory_space<hbm>>) dst(%arg15 : memref<1024x8xf32, #tpu.memory_space<vmem>>)
      %dma_start3A_433 = arith.constant 0 : i32
      %dma_start3A_434 = arith.constant 0 : i32
      %dma_start3A_435 = tpu.memref_slice %arg6[%dma_start3A_433, %dma_start3A_434] : memref<100352x8xf32, #tpu.memory_space<vmem_shared>> -> memref<100352x8xf32, #tpu.memory_space<vmem_shared>>
      tpu.enqueue_indirect_dma source(%arg15 : memref<1024x8xf32, #tpu.memory_space<vmem>>) target(%dma_start3A_435 : memref<100352x8xf32, #tpu.memory_space<vmem_shared>>) offsets(%arg8 : memref<1024xi32, #tpu.memory_space<vmem>>) semaphore(%arg31 : memref<!tpu.dma_semaphore, #tpu.memory_space<semaphore_mem>>) {add = true}
      %dma_start3A_436 = arith.constant 0 : i32
      %dma_start3A_437 = arith.constant 0 : i32
      %dma_start3A_438 = tpu.memref_slice %arg6[%dma_start3A_436, %dma_start3A_437] : memref<100352x8xf32, #tpu.memory_space<vmem_shared>> -> memref<100352x8xf32, #tpu.memory_space<vmem_shared>>
      tpu.enqueue_indirect_dma source(%arg15 : memref<1024x8xf32, #tpu.memory_space<vmem>>) target(%dma_start3A_438 : memref<100352x8xf32, #tpu.memory_space<vmem_shared>>) offsets(%arg7 : memref<1024xi32, #tpu.memory_space<vmem>>) semaphore(%arg31 : memref<!tpu.dma_semaphore, #tpu.memory_space<semaphore_mem>>) {add = true}
      %dma_wait3A_439 = arith.constant 0 : i32
      %dma_wait3A_440 = tpu.memref_slice %arg4[%dma_wait3A_439, %add3A_396] : memref<3x200000xi32, #tpu.memory_space<hbm>> -> memref<1x1024xi32, #tpu.memory_space<hbm>>
      %dma_wait3A_441 = tpu.memref_squeeze %dma_wait3A_440 : memref<1x1024xi32, #tpu.memory_space<hbm>> -> memref<1024xi32, #tpu.memory_space<hbm>>
      %dma_wait3A_442 = tpu.memref_slice %arg4[%dma_wait3A_439, %add3A_396] : memref<3x200000xi32, #tpu.memory_space<hbm>> -> memref<1x1024xi32, #tpu.memory_space<hbm>>
      %dma_wait3A_443 = tpu.memref_squeeze %dma_wait3A_442 : memref<1x1024xi32, #tpu.memory_space<hbm>> -> memref<1024xi32, #tpu.memory_space<hbm>>
      tpu.wait_dma2 semaphore(%arg28 : memref<!tpu.dma_semaphore, #tpu.memory_space<semaphore_mem>>) src(%dma_wait3A_443 : memref<1024xi32, #tpu.memory_space<hbm>>) dst(%arg10 : memref<1024xi32, #tpu.memory_space<vmem>>)
      %dma_wait3A_444 = arith.constant 1 : i32
      %dma_wait3A_445 = tpu.memref_slice %arg4[%dma_wait3A_444, %add3A_396] : memref<3x200000xi32, #tpu.memory_space<hbm>> -> memref<1x1024xi32, #tpu.memory_space<hbm>>
      %dma_wait3A_446 = tpu.memref_squeeze %dma_wait3A_445 : memref<1x1024xi32, #tpu.memory_space<hbm>> -> memref<1024xi32, #tpu.memory_space<hbm>>
      %dma_wait3A_447 = tpu.memref_slice %arg4[%dma_wait3A_444, %add3A_396] : memref<3x200000xi32, #tpu.memory_space<hbm>> -> memref<1x1024xi32, #tpu.memory_space<hbm>>
      %dma_wait3A_448 = tpu.memref_squeeze %dma_wait3A_447 : memref<1x1024xi32, #tpu.memory_space<hbm>> -> memref<1024xi32, #tpu.memory_space<hbm>>
      tpu.wait_dma2 semaphore(%arg28 : memref<!tpu.dma_semaphore, #tpu.memory_space<semaphore_mem>>) src(%dma_wait3A_448 : memref<1024xi32, #tpu.memory_space<hbm>>) dst(%arg11 : memref<1024xi32, #tpu.memory_space<vmem>>)
      %dma_wait3A_449 = arith.constant 2 : i32
      %dma_wait3A_450 = tpu.memref_slice %arg4[%dma_wait3A_449, %add3A_396] : memref<3x200000xi32, #tpu.memory_space<hbm>> -> memref<1x1024xi32, #tpu.memory_space<hbm>>
      %dma_wait3A_451 = tpu.memref_squeeze %dma_wait3A_450 : memref<1x1024xi32, #tpu.memory_space<hbm>> -> memref<1024xi32, #tpu.memory_space<hbm>>
      %dma_wait3A_452 = tpu.memref_slice %arg4[%dma_wait3A_449, %add3A_396] : memref<3x200000xi32, #tpu.memory_space<hbm>> -> memref<1x1024xi32, #tpu.memory_space<hbm>>
      %dma_wait3A_453 = tpu.memref_squeeze %dma_wait3A_452 : memref<1x1024xi32, #tpu.memory_space<hbm>> -> memref<1024xi32, #tpu.memory_space<hbm>>
      tpu.wait_dma2 semaphore(%arg28 : memref<!tpu.dma_semaphore, #tpu.memory_space<semaphore_mem>>) src(%dma_wait3A_453 : memref<1024xi32, #tpu.memory_space<hbm>>) dst(%arg12 : memref<1024xi32, #tpu.memory_space<vmem>>)
      %dma_start3A_454 = arith.constant 0 : i32
      %dma_start3A_455 = arith.constant 0 : i32
      %dma_start3A_456 = tpu.memref_slice %arg2[%dma_start3A_454, %dma_start3A_455] : memref<100352x8xf32, #tpu.memory_space<hbm>> -> memref<100352x8xf32, #tpu.memory_space<hbm>>
      tpu.enqueue_indirect_dma source(%dma_start3A_456 : memref<100352x8xf32, #tpu.memory_space<hbm>>) target(%arg16 : memref<1024x8xf32, #tpu.memory_space<vmem>>) offsets(%arg10 : memref<1024xi32, #tpu.memory_space<vmem>>) semaphore(%arg30 : memref<!tpu.dma_semaphore, #tpu.memory_space<semaphore_mem>>)
      %dma_start3A_457 = arith.constant 0 : i32
      %dma_start3A_458 = arith.constant 0 : i32
      %dma_start3A_459 = tpu.memref_slice %arg2[%dma_start3A_457, %dma_start3A_458] : memref<100352x8xf32, #tpu.memory_space<hbm>> -> memref<100352x8xf32, #tpu.memory_space<hbm>>
      tpu.enqueue_indirect_dma source(%dma_start3A_459 : memref<100352x8xf32, #tpu.memory_space<hbm>>) target(%arg17 : memref<1024x8xf32, #tpu.memory_space<vmem>>) offsets(%arg11 : memref<1024xi32, #tpu.memory_space<vmem>>) semaphore(%arg30 : memref<!tpu.dma_semaphore, #tpu.memory_space<semaphore_mem>>)
      %dma_start3A_460 = arith.constant 0 : i32
      %dma_start3A_461 = arith.constant 0 : i32
      %dma_start3A_462 = tpu.memref_slice %arg2[%dma_start3A_460, %dma_start3A_461] : memref<100352x8xf32, #tpu.memory_space<hbm>> -> memref<100352x8xf32, #tpu.memory_space<hbm>>
      tpu.enqueue_indirect_dma source(%dma_start3A_462 : memref<100352x8xf32, #tpu.memory_space<hbm>>) target(%arg18 : memref<1024x8xf32, #tpu.memory_space<vmem>>) offsets(%arg12 : memref<1024xi32, #tpu.memory_space<vmem>>) semaphore(%arg30 : memref<!tpu.dma_semaphore, #tpu.memory_space<semaphore_mem>>)
      %dma_wait3A_463 = arith.constant 0 : i32
      %dma_wait3A_464 = arith.constant 0 : i32
      %dma_wait3A_465 = tpu.memref_slice %arg2[%dma_wait3A_463, %dma_wait3A_464] : memref<100352x8xf32, #tpu.memory_space<hbm>> -> memref<100352x8xf32, #tpu.memory_space<hbm>>
      tpu.wait_indirect_dma semaphore(%arg30 : memref<!tpu.dma_semaphore, #tpu.memory_space<semaphore_mem>>) src(%dma_wait3A_465 : memref<100352x8xf32, #tpu.memory_space<hbm>>) dst(%arg16 : memref<1024x8xf32, #tpu.memory_space<vmem>>)
      %dma_start3A_466 = arith.constant 0 : i32
      %dma_start3A_467 = arith.constant 0 : i32
      %dma_start3A_468 = tpu.memref_slice %arg6[%dma_start3A_466, %dma_start3A_467] : memref<100352x8xf32, #tpu.memory_space<vmem_shared>> -> memref<100352x8xf32, #tpu.memory_space<vmem_shared>>
      tpu.enqueue_indirect_dma source(%arg16 : memref<1024x8xf32, #tpu.memory_space<vmem>>) target(%dma_start3A_468 : memref<100352x8xf32, #tpu.memory_space<vmem_shared>>) offsets(%arg11 : memref<1024xi32, #tpu.memory_space<vmem>>) semaphore(%arg32 : memref<!tpu.dma_semaphore, #tpu.memory_space<semaphore_mem>>) {add = true}
      %dma_start3A_469 = arith.constant 0 : i32
      %dma_start3A_470 = arith.constant 0 : i32
      %dma_start3A_471 = tpu.memref_slice %arg6[%dma_start3A_469, %dma_start3A_470] : memref<100352x8xf32, #tpu.memory_space<vmem_shared>> -> memref<100352x8xf32, #tpu.memory_space<vmem_shared>>
      tpu.enqueue_indirect_dma source(%arg16 : memref<1024x8xf32, #tpu.memory_space<vmem>>) target(%dma_start3A_471 : memref<100352x8xf32, #tpu.memory_space<vmem_shared>>) offsets(%arg12 : memref<1024xi32, #tpu.memory_space<vmem>>) semaphore(%arg32 : memref<!tpu.dma_semaphore, #tpu.memory_space<semaphore_mem>>) {add = true}
      %dma_wait3A_472 = arith.constant 0 : i32
      %dma_wait3A_473 = arith.constant 0 : i32
      %dma_wait3A_474 = tpu.memref_slice %arg2[%dma_wait3A_472, %dma_wait3A_473] : memref<100352x8xf32, #tpu.memory_space<hbm>> -> memref<100352x8xf32, #tpu.memory_space<hbm>>
      tpu.wait_indirect_dma semaphore(%arg30 : memref<!tpu.dma_semaphore, #tpu.memory_space<semaphore_mem>>) src(%dma_wait3A_474 : memref<100352x8xf32, #tpu.memory_space<hbm>>) dst(%arg17 : memref<1024x8xf32, #tpu.memory_space<vmem>>)
      %dma_start3A_475 = arith.constant 0 : i32
      %dma_start3A_476 = arith.constant 0 : i32
      %dma_start3A_477 = tpu.memref_slice %arg6[%dma_start3A_475, %dma_start3A_476] : memref<100352x8xf32, #tpu.memory_space<vmem_shared>> -> memref<100352x8xf32, #tpu.memory_space<vmem_shared>>
      tpu.enqueue_indirect_dma source(%arg17 : memref<1024x8xf32, #tpu.memory_space<vmem>>) target(%dma_start3A_477 : memref<100352x8xf32, #tpu.memory_space<vmem_shared>>) offsets(%arg10 : memref<1024xi32, #tpu.memory_space<vmem>>) semaphore(%arg32 : memref<!tpu.dma_semaphore, #tpu.memory_space<semaphore_mem>>) {add = true}
      %dma_start3A_478 = arith.constant 0 : i32
      %dma_start3A_479 = arith.constant 0 : i32
      %dma_start3A_480 = tpu.memref_slice %arg6[%dma_start3A_478, %dma_start3A_479] : memref<100352x8xf32, #tpu.memory_space<vmem_shared>> -> memref<100352x8xf32, #tpu.memory_space<vmem_shared>>
      tpu.enqueue_indirect_dma source(%arg17 : memref<1024x8xf32, #tpu.memory_space<vmem>>) target(%dma_start3A_480 : memref<100352x8xf32, #tpu.memory_space<vmem_shared>>) offsets(%arg12 : memref<1024xi32, #tpu.memory_space<vmem>>) semaphore(%arg32 : memref<!tpu.dma_semaphore, #tpu.memory_space<semaphore_mem>>) {add = true}
      %dma_wait3A_481 = arith.constant 0 : i32
      %dma_wait3A_482 = arith.constant 0 : i32
      %dma_wait3A_483 = tpu.memref_slice %arg2[%dma_wait3A_481, %dma_wait3A_482] : memref<100352x8xf32, #tpu.memory_space<hbm>> -> memref<100352x8xf32, #tpu.memory_space<hbm>>
      tpu.wait_indirect_dma semaphore(%arg30 : memref<!tpu.dma_semaphore, #tpu.memory_space<semaphore_mem>>) src(%dma_wait3A_483 : memref<100352x8xf32, #tpu.memory_space<hbm>>) dst(%arg18 : memref<1024x8xf32, #tpu.memory_space<vmem>>)
      %dma_start3A_484 = arith.constant 0 : i32
      %dma_start3A_485 = arith.constant 0 : i32
      %dma_start3A_486 = tpu.memref_slice %arg6[%dma_start3A_484, %dma_start3A_485] : memref<100352x8xf32, #tpu.memory_space<vmem_shared>> -> memref<100352x8xf32, #tpu.memory_space<vmem_shared>>
      tpu.enqueue_indirect_dma source(%arg18 : memref<1024x8xf32, #tpu.memory_space<vmem>>) target(%dma_start3A_486 : memref<100352x8xf32, #tpu.memory_space<vmem_shared>>) offsets(%arg11 : memref<1024xi32, #tpu.memory_space<vmem>>) semaphore(%arg32 : memref<!tpu.dma_semaphore, #tpu.memory_space<semaphore_mem>>) {add = true}
      %dma_start3A_487 = arith.constant 0 : i32
      %dma_start3A_488 = arith.constant 0 : i32
      %dma_start3A_489 = tpu.memref_slice %arg6[%dma_start3A_487, %dma_start3A_488] : memref<100352x8xf32, #tpu.memory_space<vmem_shared>> -> memref<100352x8xf32, #tpu.memory_space<vmem_shared>>
      tpu.enqueue_indirect_dma source(%arg18 : memref<1024x8xf32, #tpu.memory_space<vmem>>) target(%dma_start3A_489 : memref<100352x8xf32, #tpu.memory_space<vmem_shared>>) offsets(%arg10 : memref<1024xi32, #tpu.memory_space<vmem>>) semaphore(%arg32 : memref<!tpu.dma_semaphore, #tpu.memory_space<semaphore_mem>>) {add = true}
      %dma_wait3A_490 = arith.constant 0 : i32
      %dma_wait3A_491 = arith.constant 0 : i32
      %dma_wait3A_492 = tpu.memref_slice %arg6[%dma_wait3A_490, %dma_wait3A_491] : memref<100352x8xf32, #tpu.memory_space<vmem_shared>> -> memref<100352x8xf32, #tpu.memory_space<vmem_shared>>
      tpu.wait_indirect_dma semaphore(%arg31 : memref<!tpu.dma_semaphore, #tpu.memory_space<semaphore_mem>>) src(%arg13 : memref<1024x8xf32, #tpu.memory_space<vmem>>) dst(%dma_wait3A_492 : memref<100352x8xf32, #tpu.memory_space<vmem_shared>>)
      %dma_wait3A_493 = arith.constant 0 : i32
      %dma_wait3A_494 = arith.constant 0 : i32
      %dma_wait3A_495 = tpu.memref_slice %arg6[%dma_wait3A_493, %dma_wait3A_494] : memref<100352x8xf32, #tpu.memory_space<vmem_shared>> -> memref<100352x8xf32, #tpu.memory_space<vmem_shared>>
      tpu.wait_indirect_dma semaphore(%arg31 : memref<!tpu.dma_semaphore, #tpu.memory_space<semaphore_mem>>) src(%arg13 : memref<1024x8xf32, #tpu.memory_space<vmem>>) dst(%dma_wait3A_495 : memref<100352x8xf32, #tpu.memory_space<vmem_shared>>)
      %dma_wait3A_496 = arith.constant 0 : i32
      %dma_wait3A_497 = arith.constant 0 : i32
      %dma_wait3A_498 = tpu.memref_slice %arg6[%dma_wait3A_496, %dma_wait3A_497] : memref<100352x8xf32, #tpu.memory_space<vmem_shared>> -> memref<100352x8xf32, #tpu.memory_space<vmem_shared>>
      tpu.wait_indirect_dma semaphore(%arg31 : memref<!tpu.dma_semaphore, #tpu.memory_space<semaphore_mem>>) src(%arg14 : memref<1024x8xf32, #tpu.memory_space<vmem>>) dst(%dma_wait3A_498 : memref<100352x8xf32, #tpu.memory_space<vmem_shared>>)
      %dma_wait3A_499 = arith.constant 0 : i32
      %dma_wait3A_500 = arith.constant 0 : i32
      %dma_wait3A_501 = tpu.memref_slice %arg6[%dma_wait3A_499, %dma_wait3A_500] : memref<100352x8xf32, #tpu.memory_space<vmem_shared>> -> memref<100352x8xf32, #tpu.memory_space<vmem_shared>>
      tpu.wait_indirect_dma semaphore(%arg31 : memref<!tpu.dma_semaphore, #tpu.memory_space<semaphore_mem>>) src(%arg14 : memref<1024x8xf32, #tpu.memory_space<vmem>>) dst(%dma_wait3A_501 : memref<100352x8xf32, #tpu.memory_space<vmem_shared>>)
      %dma_wait3A_502 = arith.constant 0 : i32
      %dma_wait3A_503 = arith.constant 0 : i32
      %dma_wait3A_504 = tpu.memref_slice %arg6[%dma_wait3A_502, %dma_wait3A_503] : memref<100352x8xf32, #tpu.memory_space<vmem_shared>> -> memref<100352x8xf32, #tpu.memory_space<vmem_shared>>
      tpu.wait_indirect_dma semaphore(%arg31 : memref<!tpu.dma_semaphore, #tpu.memory_space<semaphore_mem>>) src(%arg15 : memref<1024x8xf32, #tpu.memory_space<vmem>>) dst(%dma_wait3A_504 : memref<100352x8xf32, #tpu.memory_space<vmem_shared>>)
      %dma_wait3A_505 = arith.constant 0 : i32
      %dma_wait3A_506 = arith.constant 0 : i32
      %dma_wait3A_507 = tpu.memref_slice %arg6[%dma_wait3A_505, %dma_wait3A_506] : memref<100352x8xf32, #tpu.memory_space<vmem_shared>> -> memref<100352x8xf32, #tpu.memory_space<vmem_shared>>
      tpu.wait_indirect_dma semaphore(%arg31 : memref<!tpu.dma_semaphore, #tpu.memory_space<semaphore_mem>>) src(%arg15 : memref<1024x8xf32, #tpu.memory_space<vmem>>) dst(%dma_wait3A_507 : memref<100352x8xf32, #tpu.memory_space<vmem_shared>>)
      %dma_wait3A_508 = arith.constant 0 : i32
      %dma_wait3A_509 = arith.constant 0 : i32
      %dma_wait3A_510 = tpu.memref_slice %arg6[%dma_wait3A_508, %dma_wait3A_509] : memref<100352x8xf32, #tpu.memory_space<vmem_shared>> -> memref<100352x8xf32, #tpu.memory_space<vmem_shared>>
      tpu.wait_indirect_dma semaphore(%arg32 : memref<!tpu.dma_semaphore, #tpu.memory_space<semaphore_mem>>) src(%arg16 : memref<1024x8xf32, #tpu.memory_space<vmem>>) dst(%dma_wait3A_510 : memref<100352x8xf32, #tpu.memory_space<vmem_shared>>)
      %dma_wait3A_511 = arith.constant 0 : i32
      %dma_wait3A_512 = arith.constant 0 : i32
      %dma_wait3A_513 = tpu.memref_slice %arg6[%dma_wait3A_511, %dma_wait3A_512] : memref<100352x8xf32, #tpu.memory_space<vmem_shared>> -> memref<100352x8xf32, #tpu.memory_space<vmem_shared>>
      tpu.wait_indirect_dma semaphore(%arg32 : memref<!tpu.dma_semaphore, #tpu.memory_space<semaphore_mem>>) src(%arg16 : memref<1024x8xf32, #tpu.memory_space<vmem>>) dst(%dma_wait3A_513 : memref<100352x8xf32, #tpu.memory_space<vmem_shared>>)
      %dma_wait3A_514 = arith.constant 0 : i32
      %dma_wait3A_515 = arith.constant 0 : i32
      %dma_wait3A_516 = tpu.memref_slice %arg6[%dma_wait3A_514, %dma_wait3A_515] : memref<100352x8xf32, #tpu.memory_space<vmem_shared>> -> memref<100352x8xf32, #tpu.memory_space<vmem_shared>>
      tpu.wait_indirect_dma semaphore(%arg32 : memref<!tpu.dma_semaphore, #tpu.memory_space<semaphore_mem>>) src(%arg17 : memref<1024x8xf32, #tpu.memory_space<vmem>>) dst(%dma_wait3A_516 : memref<100352x8xf32, #tpu.memory_space<vmem_shared>>)
      %dma_wait3A_517 = arith.constant 0 : i32
      %dma_wait3A_518 = arith.constant 0 : i32
      %dma_wait3A_519 = tpu.memref_slice %arg6[%dma_wait3A_517, %dma_wait3A_518] : memref<100352x8xf32, #tpu.memory_space<vmem_shared>> -> memref<100352x8xf32, #tpu.memory_space<vmem_shared>>
      tpu.wait_indirect_dma semaphore(%arg32 : memref<!tpu.dma_semaphore, #tpu.memory_space<semaphore_mem>>) src(%arg17 : memref<1024x8xf32, #tpu.memory_space<vmem>>) dst(%dma_wait3A_519 : memref<100352x8xf32, #tpu.memory_space<vmem_shared>>)
      %dma_wait3A_520 = arith.constant 0 : i32
      %dma_wait3A_521 = arith.constant 0 : i32
      %dma_wait3A_522 = tpu.memref_slice %arg6[%dma_wait3A_520, %dma_wait3A_521] : memref<100352x8xf32, #tpu.memory_space<vmem_shared>> -> memref<100352x8xf32, #tpu.memory_space<vmem_shared>>
      tpu.wait_indirect_dma semaphore(%arg32 : memref<!tpu.dma_semaphore, #tpu.memory_space<semaphore_mem>>) src(%arg18 : memref<1024x8xf32, #tpu.memory_space<vmem>>) dst(%dma_wait3A_522 : memref<100352x8xf32, #tpu.memory_space<vmem_shared>>)
      %dma_wait3A_523 = arith.constant 0 : i32
      %dma_wait3A_524 = arith.constant 0 : i32
      %dma_wait3A_525 = tpu.memref_slice %arg6[%dma_wait3A_523, %dma_wait3A_524] : memref<100352x8xf32, #tpu.memory_space<vmem_shared>> -> memref<100352x8xf32, #tpu.memory_space<vmem_shared>>
      tpu.wait_indirect_dma semaphore(%arg32 : memref<!tpu.dma_semaphore, #tpu.memory_space<semaphore_mem>>) src(%arg18 : memref<1024x8xf32, #tpu.memory_space<vmem>>) dst(%dma_wait3A_525 : memref<100352x8xf32, #tpu.memory_space<vmem_shared>>)
      %add3A_526 = arith.constant 6144 : i32
      %add3A_527 = arith.addi %mul3A_4, %add3A_526 : i32
      %run_scoped3A = arith.constant 0 : i32
      "tpu.region"() ({
        %run_scoped3A_530 = tpu.sem_alloc : memref<!tpu.dma_semaphore, #tpu.memory_space<semaphore_mem>>
        %dma_start3A_531 = tpu.memref_slice %arg4[%run_scoped3A, %add3A_527] : memref<3x200000xi32, #tpu.memory_space<hbm>> -> memref<1x112xi32, #tpu.memory_space<hbm>>
        %dma_start3A_532 = tpu.memref_squeeze %dma_start3A_531 : memref<1x112xi32, #tpu.memory_space<hbm>> -> memref<112xi32, #tpu.memory_space<hbm>>
        %dma_start3A_533 = tpu.memref_slice %arg4[%run_scoped3A, %add3A_527] : memref<3x200000xi32, #tpu.memory_space<hbm>> -> memref<1x112xi32, #tpu.memory_space<hbm>>
        %dma_start3A_534 = tpu.memref_squeeze %dma_start3A_533 : memref<1x112xi32, #tpu.memory_space<hbm>> -> memref<112xi32, #tpu.memory_space<hbm>>
        tpu.enqueue_dma source(%dma_start3A_534 : memref<112xi32, #tpu.memory_space<hbm>>) target(%arg19 : memref<112xi32, #tpu.memory_space<vmem>>) target_semaphore(%run_scoped3A_530 : memref<!tpu.dma_semaphore, #tpu.memory_space<semaphore_mem>>)
        %dma_wait3A_535 = tpu.memref_slice %arg4[%run_scoped3A, %add3A_527] : memref<3x200000xi32, #tpu.memory_space<hbm>> -> memref<1x112xi32, #tpu.memory_space<hbm>>
        %dma_wait3A_536 = tpu.memref_squeeze %dma_wait3A_535 : memref<1x112xi32, #tpu.memory_space<hbm>> -> memref<112xi32, #tpu.memory_space<hbm>>
        %dma_wait3A_537 = tpu.memref_slice %arg4[%run_scoped3A, %add3A_527] : memref<3x200000xi32, #tpu.memory_space<hbm>> -> memref<1x112xi32, #tpu.memory_space<hbm>>
        %dma_wait3A_538 = tpu.memref_squeeze %dma_wait3A_537 : memref<1x112xi32, #tpu.memory_space<hbm>> -> memref<112xi32, #tpu.memory_space<hbm>>
        tpu.wait_dma2 semaphore(%run_scoped3A_530 : memref<!tpu.dma_semaphore, #tpu.memory_space<semaphore_mem>>) src(%dma_wait3A_538 : memref<112xi32, #tpu.memory_space<hbm>>) dst(%arg19 : memref<112xi32, #tpu.memory_space<vmem>>)
        tpu.yield
      }) : () -> ()
      %run_scoped3A_528 = arith.constant 1 : i32
      "tpu.region"() ({
        %run_scoped3A_530 = tpu.sem_alloc : memref<!tpu.dma_semaphore, #tpu.memory_space<semaphore_mem>>
        %dma_start3A_531 = tpu.memref_slice %arg4[%run_scoped3A_528, %add3A_527] : memref<3x200000xi32, #tpu.memory_space<hbm>> -> memref<1x112xi32, #tpu.memory_space<hbm>>
        %dma_start3A_532 = tpu.memref_squeeze %dma_start3A_531 : memref<1x112xi32, #tpu.memory_space<hbm>> -> memref<112xi32, #tpu.memory_space<hbm>>
        %dma_start3A_533 = tpu.memref_slice %arg4[%run_scoped3A_528, %add3A_527] : memref<3x200000xi32, #tpu.memory_space<hbm>> -> memref<1x112xi32, #tpu.memory_space<hbm>>
        %dma_start3A_534 = tpu.memref_squeeze %dma_start3A_533 : memref<1x112xi32, #tpu.memory_space<hbm>> -> memref<112xi32, #tpu.memory_space<hbm>>
        tpu.enqueue_dma source(%dma_start3A_534 : memref<112xi32, #tpu.memory_space<hbm>>) target(%arg20 : memref<112xi32, #tpu.memory_space<vmem>>) target_semaphore(%run_scoped3A_530 : memref<!tpu.dma_semaphore, #tpu.memory_space<semaphore_mem>>)
        %dma_wait3A_535 = tpu.memref_slice %arg4[%run_scoped3A_528, %add3A_527] : memref<3x200000xi32, #tpu.memory_space<hbm>> -> memref<1x112xi32, #tpu.memory_space<hbm>>
        %dma_wait3A_536 = tpu.memref_squeeze %dma_wait3A_535 : memref<1x112xi32, #tpu.memory_space<hbm>> -> memref<112xi32, #tpu.memory_space<hbm>>
        %dma_wait3A_537 = tpu.memref_slice %arg4[%run_scoped3A_528, %add3A_527] : memref<3x200000xi32, #tpu.memory_space<hbm>> -> memref<1x112xi32, #tpu.memory_space<hbm>>
        %dma_wait3A_538 = tpu.memref_squeeze %dma_wait3A_537 : memref<1x112xi32, #tpu.memory_space<hbm>> -> memref<112xi32, #tpu.memory_space<hbm>>
        tpu.wait_dma2 semaphore(%run_scoped3A_530 : memref<!tpu.dma_semaphore, #tpu.memory_space<semaphore_mem>>) src(%dma_wait3A_538 : memref<112xi32, #tpu.memory_space<hbm>>) dst(%arg20 : memref<112xi32, #tpu.memory_space<vmem>>)
        tpu.yield
      }) : () -> ()
      %run_scoped3A_529 = arith.constant 2 : i32
      "tpu.region"() ({
        %run_scoped3A_530 = tpu.sem_alloc : memref<!tpu.dma_semaphore, #tpu.memory_space<semaphore_mem>>
        %dma_start3A_531 = tpu.memref_slice %arg4[%run_scoped3A_529, %add3A_527] : memref<3x200000xi32, #tpu.memory_space<hbm>> -> memref<1x112xi32, #tpu.memory_space<hbm>>
        %dma_start3A_532 = tpu.memref_squeeze %dma_start3A_531 : memref<1x112xi32, #tpu.memory_space<hbm>> -> memref<112xi32, #tpu.memory_space<hbm>>
        %dma_start3A_533 = tpu.memref_slice %arg4[%run_scoped3A_529, %add3A_527] : memref<3x200000xi32, #tpu.memory_space<hbm>> -> memref<1x112xi32, #tpu.memory_space<hbm>>
        %dma_start3A_534 = tpu.memref_squeeze %dma_start3A_533 : memref<1x112xi32, #tpu.memory_space<hbm>> -> memref<112xi32, #tpu.memory_space<hbm>>
        tpu.enqueue_dma source(%dma_start3A_534 : memref<112xi32, #tpu.memory_space<hbm>>) target(%arg21 : memref<112xi32, #tpu.memory_space<vmem>>) target_semaphore(%run_scoped3A_530 : memref<!tpu.dma_semaphore, #tpu.memory_space<semaphore_mem>>)
        %dma_wait3A_535 = tpu.memref_slice %arg4[%run_scoped3A_529, %add3A_527] : memref<3x200000xi32, #tpu.memory_space<hbm>> -> memref<1x112xi32, #tpu.memory_space<hbm>>
        %dma_wait3A_536 = tpu.memref_squeeze %dma_wait3A_535 : memref<1x112xi32, #tpu.memory_space<hbm>> -> memref<112xi32, #tpu.memory_space<hbm>>
        %dma_wait3A_537 = tpu.memref_slice %arg4[%run_scoped3A_529, %add3A_527] : memref<3x200000xi32, #tpu.memory_space<hbm>> -> memref<1x112xi32, #tpu.memory_space<hbm>>
        %dma_wait3A_538 = tpu.memref_squeeze %dma_wait3A_537 : memref<1x112xi32, #tpu.memory_space<hbm>> -> memref<112xi32, #tpu.memory_space<hbm>>
        tpu.wait_dma2 semaphore(%run_scoped3A_530 : memref<!tpu.dma_semaphore, #tpu.memory_space<semaphore_mem>>) src(%dma_wait3A_538 : memref<112xi32, #tpu.memory_space<hbm>>) dst(%arg21 : memref<112xi32, #tpu.memory_space<vmem>>)
        tpu.yield
      }) : () -> ()
      "tpu.region"() ({
        %run_scoped3A_530 = tpu.sem_alloc : memref<!tpu.dma_semaphore, #tpu.memory_space<semaphore_mem>>
        %dma_start3A_531 = arith.constant 0 : i32
        %dma_start3A_532 = arith.constant 0 : i32
        %dma_start3A_533 = tpu.memref_slice %arg2[%dma_start3A_531, %dma_start3A_532] : memref<100352x8xf32, #tpu.memory_space<hbm>> -> memref<100352x8xf32, #tpu.memory_space<hbm>>
        tpu.enqueue_indirect_dma source(%dma_start3A_533 : memref<100352x8xf32, #tpu.memory_space<hbm>>) target(%arg22 : memref<112x8xf32, #tpu.memory_space<vmem>>) offsets(%arg19 : memref<112xi32, #tpu.memory_space<vmem>>) semaphore(%run_scoped3A_530 : memref<!tpu.dma_semaphore, #tpu.memory_space<semaphore_mem>>)
        %dma_wait3A_534 = arith.constant 0 : i32
        %dma_wait3A_535 = arith.constant 0 : i32
        %dma_wait3A_536 = tpu.memref_slice %arg2[%dma_wait3A_534, %dma_wait3A_535] : memref<100352x8xf32, #tpu.memory_space<hbm>> -> memref<100352x8xf32, #tpu.memory_space<hbm>>
        tpu.wait_indirect_dma semaphore(%run_scoped3A_530 : memref<!tpu.dma_semaphore, #tpu.memory_space<semaphore_mem>>) src(%dma_wait3A_536 : memref<100352x8xf32, #tpu.memory_space<hbm>>) dst(%arg22 : memref<112x8xf32, #tpu.memory_space<vmem>>)
        tpu.yield
      }) : () -> ()
      "tpu.region"() ({
        %run_scoped3A_530 = tpu.sem_alloc : memref<!tpu.dma_semaphore, #tpu.memory_space<semaphore_mem>>
        %dma_start3A_531 = arith.constant 0 : i32
        %dma_start3A_532 = arith.constant 0 : i32
        %dma_start3A_533 = tpu.memref_slice %arg6[%dma_start3A_531, %dma_start3A_532] : memref<100352x8xf32, #tpu.memory_space<vmem_shared>> -> memref<100352x8xf32, #tpu.memory_space<vmem_shared>>
        tpu.enqueue_indirect_dma source(%arg22 : memref<112x8xf32, #tpu.memory_space<vmem>>) target(%dma_start3A_533 : memref<100352x8xf32, #tpu.memory_space<vmem_shared>>) offsets(%arg20 : memref<112xi32, #tpu.memory_space<vmem>>) semaphore(%run_scoped3A_530 : memref<!tpu.dma_semaphore, #tpu.memory_space<semaphore_mem>>) {add = true}
        %dma_wait3A_534 = arith.constant 0 : i32
        %dma_wait3A_535 = arith.constant 0 : i32
        %dma_wait3A_536 = tpu.memref_slice %arg6[%dma_wait3A_534, %dma_wait3A_535] : memref<100352x8xf32, #tpu.memory_space<vmem_shared>> -> memref<100352x8xf32, #tpu.memory_space<vmem_shared>>
        tpu.wait_indirect_dma semaphore(%run_scoped3A_530 : memref<!tpu.dma_semaphore, #tpu.memory_space<semaphore_mem>>) src(%arg22 : memref<112x8xf32, #tpu.memory_space<vmem>>) dst(%dma_wait3A_536 : memref<100352x8xf32, #tpu.memory_space<vmem_shared>>)
        tpu.yield
      }) : () -> ()
      "tpu.region"() ({
        %run_scoped3A_530 = tpu.sem_alloc : memref<!tpu.dma_semaphore, #tpu.memory_space<semaphore_mem>>
        %dma_start3A_531 = arith.constant 0 : i32
        %dma_start3A_532 = arith.constant 0 : i32
        %dma_start3A_533 = tpu.memref_slice %arg6[%dma_start3A_531, %dma_start3A_532] : memref<100352x8xf32, #tpu.memory_space<vmem_shared>> -> memref<100352x8xf32, #tpu.memory_space<vmem_shared>>
        tpu.enqueue_indirect_dma source(%arg22 : memref<112x8xf32, #tpu.memory_space<vmem>>) target(%dma_start3A_533 : memref<100352x8xf32, #tpu.memory_space<vmem_shared>>) offsets(%arg21 : memref<112xi32, #tpu.memory_space<vmem>>) semaphore(%run_scoped3A_530 : memref<!tpu.dma_semaphore, #tpu.memory_space<semaphore_mem>>) {add = true}
        %dma_wait3A_534 = arith.constant 0 : i32
        %dma_wait3A_535 = arith.constant 0 : i32
        %dma_wait3A_536 = tpu.memref_slice %arg6[%dma_wait3A_534, %dma_wait3A_535] : memref<100352x8xf32, #tpu.memory_space<vmem_shared>> -> memref<100352x8xf32, #tpu.memory_space<vmem_shared>>
        tpu.wait_indirect_dma semaphore(%run_scoped3A_530 : memref<!tpu.dma_semaphore, #tpu.memory_space<semaphore_mem>>) src(%arg22 : memref<112x8xf32, #tpu.memory_space<vmem>>) dst(%dma_wait3A_536 : memref<100352x8xf32, #tpu.memory_space<vmem_shared>>)
        tpu.yield
      }) : () -> ()
      "tpu.region"() ({
        %run_scoped3A_530 = tpu.sem_alloc : memref<!tpu.dma_semaphore, #tpu.memory_space<semaphore_mem>>
        %dma_start3A_531 = arith.constant 0 : i32
        %dma_start3A_532 = arith.constant 0 : i32
        %dma_start3A_533 = tpu.memref_slice %arg2[%dma_start3A_531, %dma_start3A_532] : memref<100352x8xf32, #tpu.memory_space<hbm>> -> memref<100352x8xf32, #tpu.memory_space<hbm>>
        tpu.enqueue_indirect_dma source(%dma_start3A_533 : memref<100352x8xf32, #tpu.memory_space<hbm>>) target(%arg22 : memref<112x8xf32, #tpu.memory_space<vmem>>) offsets(%arg20 : memref<112xi32, #tpu.memory_space<vmem>>) semaphore(%run_scoped3A_530 : memref<!tpu.dma_semaphore, #tpu.memory_space<semaphore_mem>>)
        %dma_wait3A_534 = arith.constant 0 : i32
        %dma_wait3A_535 = arith.constant 0 : i32
        %dma_wait3A_536 = tpu.memref_slice %arg2[%dma_wait3A_534, %dma_wait3A_535] : memref<100352x8xf32, #tpu.memory_space<hbm>> -> memref<100352x8xf32, #tpu.memory_space<hbm>>
        tpu.wait_indirect_dma semaphore(%run_scoped3A_530 : memref<!tpu.dma_semaphore, #tpu.memory_space<semaphore_mem>>) src(%dma_wait3A_536 : memref<100352x8xf32, #tpu.memory_space<hbm>>) dst(%arg22 : memref<112x8xf32, #tpu.memory_space<vmem>>)
        tpu.yield
      }) : () -> ()
      "tpu.region"() ({
        %run_scoped3A_530 = tpu.sem_alloc : memref<!tpu.dma_semaphore, #tpu.memory_space<semaphore_mem>>
        %dma_start3A_531 = arith.constant 0 : i32
        %dma_start3A_532 = arith.constant 0 : i32
        %dma_start3A_533 = tpu.memref_slice %arg6[%dma_start3A_531, %dma_start3A_532] : memref<100352x8xf32, #tpu.memory_space<vmem_shared>> -> memref<100352x8xf32, #tpu.memory_space<vmem_shared>>
        tpu.enqueue_indirect_dma source(%arg22 : memref<112x8xf32, #tpu.memory_space<vmem>>) target(%dma_start3A_533 : memref<100352x8xf32, #tpu.memory_space<vmem_shared>>) offsets(%arg19 : memref<112xi32, #tpu.memory_space<vmem>>) semaphore(%run_scoped3A_530 : memref<!tpu.dma_semaphore, #tpu.memory_space<semaphore_mem>>) {add = true}
        %dma_wait3A_534 = arith.constant 0 : i32
        %dma_wait3A_535 = arith.constant 0 : i32
        %dma_wait3A_536 = tpu.memref_slice %arg6[%dma_wait3A_534, %dma_wait3A_535] : memref<100352x8xf32, #tpu.memory_space<vmem_shared>> -> memref<100352x8xf32, #tpu.memory_space<vmem_shared>>
        tpu.wait_indirect_dma semaphore(%run_scoped3A_530 : memref<!tpu.dma_semaphore, #tpu.memory_space<semaphore_mem>>) src(%arg22 : memref<112x8xf32, #tpu.memory_space<vmem>>) dst(%dma_wait3A_536 : memref<100352x8xf32, #tpu.memory_space<vmem_shared>>)
        tpu.yield
      }) : () -> ()
      "tpu.region"() ({
        %run_scoped3A_530 = tpu.sem_alloc : memref<!tpu.dma_semaphore, #tpu.memory_space<semaphore_mem>>
        %dma_start3A_531 = arith.constant 0 : i32
        %dma_start3A_532 = arith.constant 0 : i32
        %dma_start3A_533 = tpu.memref_slice %arg6[%dma_start3A_531, %dma_start3A_532] : memref<100352x8xf32, #tpu.memory_space<vmem_shared>> -> memref<100352x8xf32, #tpu.memory_space<vmem_shared>>
        tpu.enqueue_indirect_dma source(%arg22 : memref<112x8xf32, #tpu.memory_space<vmem>>) target(%dma_start3A_533 : memref<100352x8xf32, #tpu.memory_space<vmem_shared>>) offsets(%arg21 : memref<112xi32, #tpu.memory_space<vmem>>) semaphore(%run_scoped3A_530 : memref<!tpu.dma_semaphore, #tpu.memory_space<semaphore_mem>>) {add = true}
        %dma_wait3A_534 = arith.constant 0 : i32
        %dma_wait3A_535 = arith.constant 0 : i32
        %dma_wait3A_536 = tpu.memref_slice %arg6[%dma_wait3A_534, %dma_wait3A_535] : memref<100352x8xf32, #tpu.memory_space<vmem_shared>> -> memref<100352x8xf32, #tpu.memory_space<vmem_shared>>
        tpu.wait_indirect_dma semaphore(%run_scoped3A_530 : memref<!tpu.dma_semaphore, #tpu.memory_space<semaphore_mem>>) src(%arg22 : memref<112x8xf32, #tpu.memory_space<vmem>>) dst(%dma_wait3A_536 : memref<100352x8xf32, #tpu.memory_space<vmem_shared>>)
        tpu.yield
      }) : () -> ()
      "tpu.region"() ({
        %run_scoped3A_530 = tpu.sem_alloc : memref<!tpu.dma_semaphore, #tpu.memory_space<semaphore_mem>>
        %dma_start3A_531 = arith.constant 0 : i32
        %dma_start3A_532 = arith.constant 0 : i32
        %dma_start3A_533 = tpu.memref_slice %arg2[%dma_start3A_531, %dma_start3A_532] : memref<100352x8xf32, #tpu.memory_space<hbm>> -> memref<100352x8xf32, #tpu.memory_space<hbm>>
        tpu.enqueue_indirect_dma source(%dma_start3A_533 : memref<100352x8xf32, #tpu.memory_space<hbm>>) target(%arg22 : memref<112x8xf32, #tpu.memory_space<vmem>>) offsets(%arg21 : memref<112xi32, #tpu.memory_space<vmem>>) semaphore(%run_scoped3A_530 : memref<!tpu.dma_semaphore, #tpu.memory_space<semaphore_mem>>)
        %dma_wait3A_534 = arith.constant 0 : i32
        %dma_wait3A_535 = arith.constant 0 : i32
        %dma_wait3A_536 = tpu.memref_slice %arg2[%dma_wait3A_534, %dma_wait3A_535] : memref<100352x8xf32, #tpu.memory_space<hbm>> -> memref<100352x8xf32, #tpu.memory_space<hbm>>
        tpu.wait_indirect_dma semaphore(%run_scoped3A_530 : memref<!tpu.dma_semaphore, #tpu.memory_space<semaphore_mem>>) src(%dma_wait3A_536 : memref<100352x8xf32, #tpu.memory_space<hbm>>) dst(%arg22 : memref<112x8xf32, #tpu.memory_space<vmem>>)
        tpu.yield
      }) : () -> ()
      "tpu.region"() ({
        %run_scoped3A_530 = tpu.sem_alloc : memref<!tpu.dma_semaphore, #tpu.memory_space<semaphore_mem>>
        %dma_start3A_531 = arith.constant 0 : i32
        %dma_start3A_532 = arith.constant 0 : i32
        %dma_start3A_533 = tpu.memref_slice %arg6[%dma_start3A_531, %dma_start3A_532] : memref<100352x8xf32, #tpu.memory_space<vmem_shared>> -> memref<100352x8xf32, #tpu.memory_space<vmem_shared>>
        tpu.enqueue_indirect_dma source(%arg22 : memref<112x8xf32, #tpu.memory_space<vmem>>) target(%dma_start3A_533 : memref<100352x8xf32, #tpu.memory_space<vmem_shared>>) offsets(%arg20 : memref<112xi32, #tpu.memory_space<vmem>>) semaphore(%run_scoped3A_530 : memref<!tpu.dma_semaphore, #tpu.memory_space<semaphore_mem>>) {add = true}
        %dma_wait3A_534 = arith.constant 0 : i32
        %dma_wait3A_535 = arith.constant 0 : i32
        %dma_wait3A_536 = tpu.memref_slice %arg6[%dma_wait3A_534, %dma_wait3A_535] : memref<100352x8xf32, #tpu.memory_space<vmem_shared>> -> memref<100352x8xf32, #tpu.memory_space<vmem_shared>>
        tpu.wait_indirect_dma semaphore(%run_scoped3A_530 : memref<!tpu.dma_semaphore, #tpu.memory_space<semaphore_mem>>) src(%arg22 : memref<112x8xf32, #tpu.memory_space<vmem>>) dst(%dma_wait3A_536 : memref<100352x8xf32, #tpu.memory_space<vmem_shared>>)
        tpu.yield
      }) : () -> ()
      "tpu.region"() ({
        %run_scoped3A_530 = tpu.sem_alloc : memref<!tpu.dma_semaphore, #tpu.memory_space<semaphore_mem>>
        %dma_start3A_531 = arith.constant 0 : i32
        %dma_start3A_532 = arith.constant 0 : i32
        %dma_start3A_533 = tpu.memref_slice %arg6[%dma_start3A_531, %dma_start3A_532] : memref<100352x8xf32, #tpu.memory_space<vmem_shared>> -> memref<100352x8xf32, #tpu.memory_space<vmem_shared>>
        tpu.enqueue_indirect_dma source(%arg22 : memref<112x8xf32, #tpu.memory_space<vmem>>) target(%dma_start3A_533 : memref<100352x8xf32, #tpu.memory_space<vmem_shared>>) offsets(%arg19 : memref<112xi32, #tpu.memory_space<vmem>>) semaphore(%run_scoped3A_530 : memref<!tpu.dma_semaphore, #tpu.memory_space<semaphore_mem>>) {add = true}
        %dma_wait3A_534 = arith.constant 0 : i32
        %dma_wait3A_535 = arith.constant 0 : i32
        %dma_wait3A_536 = tpu.memref_slice %arg6[%dma_wait3A_534, %dma_wait3A_535] : memref<100352x8xf32, #tpu.memory_space<vmem_shared>> -> memref<100352x8xf32, #tpu.memory_space<vmem_shared>>
        tpu.wait_indirect_dma semaphore(%run_scoped3A_530 : memref<!tpu.dma_semaphore, #tpu.memory_space<semaphore_mem>>) src(%arg22 : memref<112x8xf32, #tpu.memory_space<vmem>>) dst(%dma_wait3A_536 : memref<100352x8xf32, #tpu.memory_space<vmem_shared>>)
        tpu.yield
      }) : () -> ()
    } else {
    }
    %eq3A = arith.constant 31 : i32
    %eq3A_7 = arith.cmpi eq, %add3A, %eq3A : i32
    %convert_element_type3A_8 = arith.extui %eq3A_7 : i1 to i32
    %cond3A_9 = arith.constant 0 : i32
    %cond3A_10 = arith.cmpi ne, %convert_element_type3A_8, %cond3A_9 : i32
    scf.if %cond3A_10 {
      %add3A_12 = arith.constant 0 : i32
      %add3A_13 = arith.addi %mul3A_4, %add3A_12 : i32
      %dma_start3A = arith.constant 0 : i32
      %dma_start3A_14 = tpu.memref_slice %arg4[%dma_start3A, %add3A_13] : memref<3x200000xi32, #tpu.memory_space<hbm>> -> memref<1x1024xi32, #tpu.memory_space<hbm>>
      %dma_start3A_15 = tpu.memref_squeeze %dma_start3A_14 : memref<1x1024xi32, #tpu.memory_space<hbm>> -> memref<1024xi32, #tpu.memory_space<hbm>>
      %dma_start3A_16 = tpu.memref_slice %arg4[%dma_start3A, %add3A_13] : memref<3x200000xi32, #tpu.memory_space<hbm>> -> memref<1x1024xi32, #tpu.memory_space<hbm>>
      %dma_start3A_17 = tpu.memref_squeeze %dma_start3A_16 : memref<1x1024xi32, #tpu.memory_space<hbm>> -> memref<1024xi32, #tpu.memory_space<hbm>>
      tpu.enqueue_dma source(%dma_start3A_17 : memref<1024xi32, #tpu.memory_space<hbm>>) target(%arg7 : memref<1024xi32, #tpu.memory_space<vmem>>) target_semaphore(%arg27 : memref<!tpu.dma_semaphore, #tpu.memory_space<semaphore_mem>>)
      %dma_start3A_18 = arith.constant 1 : i32
      %dma_start3A_19 = tpu.memref_slice %arg4[%dma_start3A_18, %add3A_13] : memref<3x200000xi32, #tpu.memory_space<hbm>> -> memref<1x1024xi32, #tpu.memory_space<hbm>>
      %dma_start3A_20 = tpu.memref_squeeze %dma_start3A_19 : memref<1x1024xi32, #tpu.memory_space<hbm>> -> memref<1024xi32, #tpu.memory_space<hbm>>
      %dma_start3A_21 = tpu.memref_slice %arg4[%dma_start3A_18, %add3A_13] : memref<3x200000xi32, #tpu.memory_space<hbm>> -> memref<1x1024xi32, #tpu.memory_space<hbm>>
      %dma_start3A_22 = tpu.memref_squeeze %dma_start3A_21 : memref<1x1024xi32, #tpu.memory_space<hbm>> -> memref<1024xi32, #tpu.memory_space<hbm>>
      tpu.enqueue_dma source(%dma_start3A_22 : memref<1024xi32, #tpu.memory_space<hbm>>) target(%arg8 : memref<1024xi32, #tpu.memory_space<vmem>>) target_semaphore(%arg27 : memref<!tpu.dma_semaphore, #tpu.memory_space<semaphore_mem>>)
      %dma_start3A_23 = arith.constant 2 : i32
      %dma_start3A_24 = tpu.memref_slice %arg4[%dma_start3A_23, %add3A_13] : memref<3x200000xi32, #tpu.memory_space<hbm>> -> memref<1x1024xi32, #tpu.memory_space<hbm>>
      %dma_start3A_25 = tpu.memref_squeeze %dma_start3A_24 : memref<1x1024xi32, #tpu.memory_space<hbm>> -> memref<1024xi32, #tpu.memory_space<hbm>>
      %dma_start3A_26 = tpu.memref_slice %arg4[%dma_start3A_23, %add3A_13] : memref<3x200000xi32, #tpu.memory_space<hbm>> -> memref<1x1024xi32, #tpu.memory_space<hbm>>
      %dma_start3A_27 = tpu.memref_squeeze %dma_start3A_26 : memref<1x1024xi32, #tpu.memory_space<hbm>> -> memref<1024xi32, #tpu.memory_space<hbm>>
      tpu.enqueue_dma source(%dma_start3A_27 : memref<1024xi32, #tpu.memory_space<hbm>>) target(%arg9 : memref<1024xi32, #tpu.memory_space<vmem>>) target_semaphore(%arg27 : memref<!tpu.dma_semaphore, #tpu.memory_space<semaphore_mem>>)
      %dma_wait3A = arith.constant 0 : i32
      %dma_wait3A_28 = tpu.memref_slice %arg4[%dma_wait3A, %add3A_13] : memref<3x200000xi32, #tpu.memory_space<hbm>> -> memref<1x1024xi32, #tpu.memory_space<hbm>>
      %dma_wait3A_29 = tpu.memref_squeeze %dma_wait3A_28 : memref<1x1024xi32, #tpu.memory_space<hbm>> -> memref<1024xi32, #tpu.memory_space<hbm>>
      %dma_wait3A_30 = tpu.memref_slice %arg4[%dma_wait3A, %add3A_13] : memref<3x200000xi32, #tpu.memory_space<hbm>> -> memref<1x1024xi32, #tpu.memory_space<hbm>>
      %dma_wait3A_31 = tpu.memref_squeeze %dma_wait3A_30 : memref<1x1024xi32, #tpu.memory_space<hbm>> -> memref<1024xi32, #tpu.memory_space<hbm>>
      tpu.wait_dma2 semaphore(%arg27 : memref<!tpu.dma_semaphore, #tpu.memory_space<semaphore_mem>>) src(%dma_wait3A_31 : memref<1024xi32, #tpu.memory_space<hbm>>) dst(%arg7 : memref<1024xi32, #tpu.memory_space<vmem>>)
      %dma_wait3A_32 = arith.constant 1 : i32
      %dma_wait3A_33 = tpu.memref_slice %arg4[%dma_wait3A_32, %add3A_13] : memref<3x200000xi32, #tpu.memory_space<hbm>> -> memref<1x1024xi32, #tpu.memory_space<hbm>>
      %dma_wait3A_34 = tpu.memref_squeeze %dma_wait3A_33 : memref<1x1024xi32, #tpu.memory_space<hbm>> -> memref<1024xi32, #tpu.memory_space<hbm>>
      %dma_wait3A_35 = tpu.memref_slice %arg4[%dma_wait3A_32, %add3A_13] : memref<3x200000xi32, #tpu.memory_space<hbm>> -> memref<1x1024xi32, #tpu.memory_space<hbm>>
      %dma_wait3A_36 = tpu.memref_squeeze %dma_wait3A_35 : memref<1x1024xi32, #tpu.memory_space<hbm>> -> memref<1024xi32, #tpu.memory_space<hbm>>
      tpu.wait_dma2 semaphore(%arg27 : memref<!tpu.dma_semaphore, #tpu.memory_space<semaphore_mem>>) src(%dma_wait3A_36 : memref<1024xi32, #tpu.memory_space<hbm>>) dst(%arg8 : memref<1024xi32, #tpu.memory_space<vmem>>)
      %dma_wait3A_37 = arith.constant 2 : i32
      %dma_wait3A_38 = tpu.memref_slice %arg4[%dma_wait3A_37, %add3A_13] : memref<3x200000xi32, #tpu.memory_space<hbm>> -> memref<1x1024xi32, #tpu.memory_space<hbm>>
      %dma_wait3A_39 = tpu.memref_squeeze %dma_wait3A_38 : memref<1x1024xi32, #tpu.memory_space<hbm>> -> memref<1024xi32, #tpu.memory_space<hbm>>
      %dma_wait3A_40 = tpu.memref_slice %arg4[%dma_wait3A_37, %add3A_13] : memref<3x200000xi32, #tpu.memory_space<hbm>> -> memref<1x1024xi32, #tpu.memory_space<hbm>>
      %dma_wait3A_41 = tpu.memref_squeeze %dma_wait3A_40 : memref<1x1024xi32, #tpu.memory_space<hbm>> -> memref<1024xi32, #tpu.memory_space<hbm>>
      tpu.wait_dma2 semaphore(%arg27 : memref<!tpu.dma_semaphore, #tpu.memory_space<semaphore_mem>>) src(%dma_wait3A_41 : memref<1024xi32, #tpu.memory_space<hbm>>) dst(%arg9 : memref<1024xi32, #tpu.memory_space<vmem>>)
      %dma_start3A_42 = arith.constant 0 : i32
      %dma_start3A_43 = arith.constant 0 : i32
      %dma_start3A_44 = tpu.memref_slice %arg2[%dma_start3A_42, %dma_start3A_43] : memref<100352x8xf32, #tpu.memory_space<hbm>> -> memref<100352x8xf32, #tpu.memory_space<hbm>>
      tpu.enqueue_indirect_dma source(%dma_start3A_44 : memref<100352x8xf32, #tpu.memory_space<hbm>>) target(%arg13 : memref<1024x8xf32, #tpu.memory_space<vmem>>) offsets(%arg7 : memref<1024xi32, #tpu.memory_space<vmem>>) semaphore(%arg29 : memref<!tpu.dma_semaphore, #tpu.memory_space<semaphore_mem>>)
      %dma_start3A_45 = arith.constant 0 : i32
      %dma_start3A_46 = arith.constant 0 : i32
      %dma_start3A_47 = tpu.memref_slice %arg2[%dma_start3A_45, %dma_start3A_46] : memref<100352x8xf32, #tpu.memory_space<hbm>> -> memref<100352x8xf32, #tpu.memory_space<hbm>>
      tpu.enqueue_indirect_dma source(%dma_start3A_47 : memref<100352x8xf32, #tpu.memory_space<hbm>>) target(%arg14 : memref<1024x8xf32, #tpu.memory_space<vmem>>) offsets(%arg8 : memref<1024xi32, #tpu.memory_space<vmem>>) semaphore(%arg29 : memref<!tpu.dma_semaphore, #tpu.memory_space<semaphore_mem>>)
      %dma_start3A_48 = arith.constant 0 : i32
      %dma_start3A_49 = arith.constant 0 : i32
      %dma_start3A_50 = tpu.memref_slice %arg2[%dma_start3A_48, %dma_start3A_49] : memref<100352x8xf32, #tpu.memory_space<hbm>> -> memref<100352x8xf32, #tpu.memory_space<hbm>>
      tpu.enqueue_indirect_dma source(%dma_start3A_50 : memref<100352x8xf32, #tpu.memory_space<hbm>>) target(%arg15 : memref<1024x8xf32, #tpu.memory_space<vmem>>) offsets(%arg9 : memref<1024xi32, #tpu.memory_space<vmem>>) semaphore(%arg29 : memref<!tpu.dma_semaphore, #tpu.memory_space<semaphore_mem>>)
      %add3A_51 = arith.constant 1024 : i32
      %add3A_52 = arith.addi %mul3A_4, %add3A_51 : i32
      %dma_start3A_53 = arith.constant 0 : i32
      %dma_start3A_54 = tpu.memref_slice %arg4[%dma_start3A_53, %add3A_52] : memref<3x200000xi32, #tpu.memory_space<hbm>> -> memref<1x1024xi32, #tpu.memory_space<hbm>>
      %dma_start3A_55 = tpu.memref_squeeze %dma_start3A_54 : memref<1x1024xi32, #tpu.memory_space<hbm>> -> memref<1024xi32, #tpu.memory_space<hbm>>
      %dma_start3A_56 = tpu.memref_slice %arg4[%dma_start3A_53, %add3A_52] : memref<3x200000xi32, #tpu.memory_space<hbm>> -> memref<1x1024xi32, #tpu.memory_space<hbm>>
      %dma_start3A_57 = tpu.memref_squeeze %dma_start3A_56 : memref<1x1024xi32, #tpu.memory_space<hbm>> -> memref<1024xi32, #tpu.memory_space<hbm>>
      tpu.enqueue_dma source(%dma_start3A_57 : memref<1024xi32, #tpu.memory_space<hbm>>) target(%arg10 : memref<1024xi32, #tpu.memory_space<vmem>>) target_semaphore(%arg28 : memref<!tpu.dma_semaphore, #tpu.memory_space<semaphore_mem>>)
      %dma_start3A_58 = arith.constant 1 : i32
      %dma_start3A_59 = tpu.memref_slice %arg4[%dma_start3A_58, %add3A_52] : memref<3x200000xi32, #tpu.memory_space<hbm>> -> memref<1x1024xi32, #tpu.memory_space<hbm>>
      %dma_start3A_60 = tpu.memref_squeeze %dma_start3A_59 : memref<1x1024xi32, #tpu.memory_space<hbm>> -> memref<1024xi32, #tpu.memory_space<hbm>>
      %dma_start3A_61 = tpu.memref_slice %arg4[%dma_start3A_58, %add3A_52] : memref<3x200000xi32, #tpu.memory_space<hbm>> -> memref<1x1024xi32, #tpu.memory_space<hbm>>
      %dma_start3A_62 = tpu.memref_squeeze %dma_start3A_61 : memref<1x1024xi32, #tpu.memory_space<hbm>> -> memref<1024xi32, #tpu.memory_space<hbm>>
      tpu.enqueue_dma source(%dma_start3A_62 : memref<1024xi32, #tpu.memory_space<hbm>>) target(%arg11 : memref<1024xi32, #tpu.memory_space<vmem>>) target_semaphore(%arg28 : memref<!tpu.dma_semaphore, #tpu.memory_space<semaphore_mem>>)
      %dma_start3A_63 = arith.constant 2 : i32
      %dma_start3A_64 = tpu.memref_slice %arg4[%dma_start3A_63, %add3A_52] : memref<3x200000xi32, #tpu.memory_space<hbm>> -> memref<1x1024xi32, #tpu.memory_space<hbm>>
      %dma_start3A_65 = tpu.memref_squeeze %dma_start3A_64 : memref<1x1024xi32, #tpu.memory_space<hbm>> -> memref<1024xi32, #tpu.memory_space<hbm>>
      %dma_start3A_66 = tpu.memref_slice %arg4[%dma_start3A_63, %add3A_52] : memref<3x200000xi32, #tpu.memory_space<hbm>> -> memref<1x1024xi32, #tpu.memory_space<hbm>>
      %dma_start3A_67 = tpu.memref_squeeze %dma_start3A_66 : memref<1x1024xi32, #tpu.memory_space<hbm>> -> memref<1024xi32, #tpu.memory_space<hbm>>
      tpu.enqueue_dma source(%dma_start3A_67 : memref<1024xi32, #tpu.memory_space<hbm>>) target(%arg12 : memref<1024xi32, #tpu.memory_space<vmem>>) target_semaphore(%arg28 : memref<!tpu.dma_semaphore, #tpu.memory_space<semaphore_mem>>)
      %dma_wait3A_68 = arith.constant 0 : i32
      %dma_wait3A_69 = arith.constant 0 : i32
      %dma_wait3A_70 = tpu.memref_slice %arg2[%dma_wait3A_68, %dma_wait3A_69] : memref<100352x8xf32, #tpu.memory_space<hbm>> -> memref<100352x8xf32, #tpu.memory_space<hbm>>
      tpu.wait_indirect_dma semaphore(%arg29 : memref<!tpu.dma_semaphore, #tpu.memory_space<semaphore_mem>>) src(%dma_wait3A_70 : memref<100352x8xf32, #tpu.memory_space<hbm>>) dst(%arg13 : memref<1024x8xf32, #tpu.memory_space<vmem>>)
      %dma_start3A_71 = arith.constant 0 : i32
      %dma_start3A_72 = arith.constant 0 : i32
      %dma_start3A_73 = tpu.memref_slice %arg6[%dma_start3A_71, %dma_start3A_72] : memref<100352x8xf32, #tpu.memory_space<vmem_shared>> -> memref<100352x8xf32, #tpu.memory_space<vmem_shared>>
      tpu.enqueue_indirect_dma source(%arg13 : memref<1024x8xf32, #tpu.memory_space<vmem>>) target(%dma_start3A_73 : memref<100352x8xf32, #tpu.memory_space<vmem_shared>>) offsets(%arg8 : memref<1024xi32, #tpu.memory_space<vmem>>) semaphore(%arg31 : memref<!tpu.dma_semaphore, #tpu.memory_space<semaphore_mem>>) {add = true}
      %dma_start3A_74 = arith.constant 0 : i32
      %dma_start3A_75 = arith.constant 0 : i32
      %dma_start3A_76 = tpu.memref_slice %arg6[%dma_start3A_74, %dma_start3A_75] : memref<100352x8xf32, #tpu.memory_space<vmem_shared>> -> memref<100352x8xf32, #tpu.memory_space<vmem_shared>>
      tpu.enqueue_indirect_dma source(%arg13 : memref<1024x8xf32, #tpu.memory_space<vmem>>) target(%dma_start3A_76 : memref<100352x8xf32, #tpu.memory_space<vmem_shared>>) offsets(%arg9 : memref<1024xi32, #tpu.memory_space<vmem>>) semaphore(%arg31 : memref<!tpu.dma_semaphore, #tpu.memory_space<semaphore_mem>>) {add = true}
      %dma_wait3A_77 = arith.constant 0 : i32
      %dma_wait3A_78 = arith.constant 0 : i32
      %dma_wait3A_79 = tpu.memref_slice %arg2[%dma_wait3A_77, %dma_wait3A_78] : memref<100352x8xf32, #tpu.memory_space<hbm>> -> memref<100352x8xf32, #tpu.memory_space<hbm>>
      tpu.wait_indirect_dma semaphore(%arg29 : memref<!tpu.dma_semaphore, #tpu.memory_space<semaphore_mem>>) src(%dma_wait3A_79 : memref<100352x8xf32, #tpu.memory_space<hbm>>) dst(%arg14 : memref<1024x8xf32, #tpu.memory_space<vmem>>)
      %dma_start3A_80 = arith.constant 0 : i32
      %dma_start3A_81 = arith.constant 0 : i32
      %dma_start3A_82 = tpu.memref_slice %arg6[%dma_start3A_80, %dma_start3A_81] : memref<100352x8xf32, #tpu.memory_space<vmem_shared>> -> memref<100352x8xf32, #tpu.memory_space<vmem_shared>>
      tpu.enqueue_indirect_dma source(%arg14 : memref<1024x8xf32, #tpu.memory_space<vmem>>) target(%dma_start3A_82 : memref<100352x8xf32, #tpu.memory_space<vmem_shared>>) offsets(%arg7 : memref<1024xi32, #tpu.memory_space<vmem>>) semaphore(%arg31 : memref<!tpu.dma_semaphore, #tpu.memory_space<semaphore_mem>>) {add = true}
      %dma_start3A_83 = arith.constant 0 : i32
      %dma_start3A_84 = arith.constant 0 : i32
      %dma_start3A_85 = tpu.memref_slice %arg6[%dma_start3A_83, %dma_start3A_84] : memref<100352x8xf32, #tpu.memory_space<vmem_shared>> -> memref<100352x8xf32, #tpu.memory_space<vmem_shared>>
      tpu.enqueue_indirect_dma source(%arg14 : memref<1024x8xf32, #tpu.memory_space<vmem>>) target(%dma_start3A_85 : memref<100352x8xf32, #tpu.memory_space<vmem_shared>>) offsets(%arg9 : memref<1024xi32, #tpu.memory_space<vmem>>) semaphore(%arg31 : memref<!tpu.dma_semaphore, #tpu.memory_space<semaphore_mem>>) {add = true}
      %dma_wait3A_86 = arith.constant 0 : i32
      %dma_wait3A_87 = arith.constant 0 : i32
      %dma_wait3A_88 = tpu.memref_slice %arg2[%dma_wait3A_86, %dma_wait3A_87] : memref<100352x8xf32, #tpu.memory_space<hbm>> -> memref<100352x8xf32, #tpu.memory_space<hbm>>
      tpu.wait_indirect_dma semaphore(%arg29 : memref<!tpu.dma_semaphore, #tpu.memory_space<semaphore_mem>>) src(%dma_wait3A_88 : memref<100352x8xf32, #tpu.memory_space<hbm>>) dst(%arg15 : memref<1024x8xf32, #tpu.memory_space<vmem>>)
      %dma_start3A_89 = arith.constant 0 : i32
      %dma_start3A_90 = arith.constant 0 : i32
      %dma_start3A_91 = tpu.memref_slice %arg6[%dma_start3A_89, %dma_start3A_90] : memref<100352x8xf32, #tpu.memory_space<vmem_shared>> -> memref<100352x8xf32, #tpu.memory_space<vmem_shared>>
      tpu.enqueue_indirect_dma source(%arg15 : memref<1024x8xf32, #tpu.memory_space<vmem>>) target(%dma_start3A_91 : memref<100352x8xf32, #tpu.memory_space<vmem_shared>>) offsets(%arg8 : memref<1024xi32, #tpu.memory_space<vmem>>) semaphore(%arg31 : memref<!tpu.dma_semaphore, #tpu.memory_space<semaphore_mem>>) {add = true}
      %dma_start3A_92 = arith.constant 0 : i32
      %dma_start3A_93 = arith.constant 0 : i32
      %dma_start3A_94 = tpu.memref_slice %arg6[%dma_start3A_92, %dma_start3A_93] : memref<100352x8xf32, #tpu.memory_space<vmem_shared>> -> memref<100352x8xf32, #tpu.memory_space<vmem_shared>>
      tpu.enqueue_indirect_dma source(%arg15 : memref<1024x8xf32, #tpu.memory_space<vmem>>) target(%dma_start3A_94 : memref<100352x8xf32, #tpu.memory_space<vmem_shared>>) offsets(%arg7 : memref<1024xi32, #tpu.memory_space<vmem>>) semaphore(%arg31 : memref<!tpu.dma_semaphore, #tpu.memory_space<semaphore_mem>>) {add = true}
      %dma_wait3A_95 = arith.constant 0 : i32
      %dma_wait3A_96 = tpu.memref_slice %arg4[%dma_wait3A_95, %add3A_52] : memref<3x200000xi32, #tpu.memory_space<hbm>> -> memref<1x1024xi32, #tpu.memory_space<hbm>>
      %dma_wait3A_97 = tpu.memref_squeeze %dma_wait3A_96 : memref<1x1024xi32, #tpu.memory_space<hbm>> -> memref<1024xi32, #tpu.memory_space<hbm>>
      %dma_wait3A_98 = tpu.memref_slice %arg4[%dma_wait3A_95, %add3A_52] : memref<3x200000xi32, #tpu.memory_space<hbm>> -> memref<1x1024xi32, #tpu.memory_space<hbm>>
      %dma_wait3A_99 = tpu.memref_squeeze %dma_wait3A_98 : memref<1x1024xi32, #tpu.memory_space<hbm>> -> memref<1024xi32, #tpu.memory_space<hbm>>
      tpu.wait_dma2 semaphore(%arg28 : memref<!tpu.dma_semaphore, #tpu.memory_space<semaphore_mem>>) src(%dma_wait3A_99 : memref<1024xi32, #tpu.memory_space<hbm>>) dst(%arg10 : memref<1024xi32, #tpu.memory_space<vmem>>)
      %dma_wait3A_100 = arith.constant 1 : i32
      %dma_wait3A_101 = tpu.memref_slice %arg4[%dma_wait3A_100, %add3A_52] : memref<3x200000xi32, #tpu.memory_space<hbm>> -> memref<1x1024xi32, #tpu.memory_space<hbm>>
      %dma_wait3A_102 = tpu.memref_squeeze %dma_wait3A_101 : memref<1x1024xi32, #tpu.memory_space<hbm>> -> memref<1024xi32, #tpu.memory_space<hbm>>
      %dma_wait3A_103 = tpu.memref_slice %arg4[%dma_wait3A_100, %add3A_52] : memref<3x200000xi32, #tpu.memory_space<hbm>> -> memref<1x1024xi32, #tpu.memory_space<hbm>>
      %dma_wait3A_104 = tpu.memref_squeeze %dma_wait3A_103 : memref<1x1024xi32, #tpu.memory_space<hbm>> -> memref<1024xi32, #tpu.memory_space<hbm>>
      tpu.wait_dma2 semaphore(%arg28 : memref<!tpu.dma_semaphore, #tpu.memory_space<semaphore_mem>>) src(%dma_wait3A_104 : memref<1024xi32, #tpu.memory_space<hbm>>) dst(%arg11 : memref<1024xi32, #tpu.memory_space<vmem>>)
      %dma_wait3A_105 = arith.constant 2 : i32
      %dma_wait3A_106 = tpu.memref_slice %arg4[%dma_wait3A_105, %add3A_52] : memref<3x200000xi32, #tpu.memory_space<hbm>> -> memref<1x1024xi32, #tpu.memory_space<hbm>>
      %dma_wait3A_107 = tpu.memref_squeeze %dma_wait3A_106 : memref<1x1024xi32, #tpu.memory_space<hbm>> -> memref<1024xi32, #tpu.memory_space<hbm>>
      %dma_wait3A_108 = tpu.memref_slice %arg4[%dma_wait3A_105, %add3A_52] : memref<3x200000xi32, #tpu.memory_space<hbm>> -> memref<1x1024xi32, #tpu.memory_space<hbm>>
      %dma_wait3A_109 = tpu.memref_squeeze %dma_wait3A_108 : memref<1x1024xi32, #tpu.memory_space<hbm>> -> memref<1024xi32, #tpu.memory_space<hbm>>
      tpu.wait_dma2 semaphore(%arg28 : memref<!tpu.dma_semaphore, #tpu.memory_space<semaphore_mem>>) src(%dma_wait3A_109 : memref<1024xi32, #tpu.memory_space<hbm>>) dst(%arg12 : memref<1024xi32, #tpu.memory_space<vmem>>)
      %dma_start3A_110 = arith.constant 0 : i32
      %dma_start3A_111 = arith.constant 0 : i32
      %dma_start3A_112 = tpu.memref_slice %arg2[%dma_start3A_110, %dma_start3A_111] : memref<100352x8xf32, #tpu.memory_space<hbm>> -> memref<100352x8xf32, #tpu.memory_space<hbm>>
      tpu.enqueue_indirect_dma source(%dma_start3A_112 : memref<100352x8xf32, #tpu.memory_space<hbm>>) target(%arg16 : memref<1024x8xf32, #tpu.memory_space<vmem>>) offsets(%arg10 : memref<1024xi32, #tpu.memory_space<vmem>>) semaphore(%arg30 : memref<!tpu.dma_semaphore, #tpu.memory_space<semaphore_mem>>)
      %dma_start3A_113 = arith.constant 0 : i32
      %dma_start3A_114 = arith.constant 0 : i32
      %dma_start3A_115 = tpu.memref_slice %arg2[%dma_start3A_113, %dma_start3A_114] : memref<100352x8xf32, #tpu.memory_space<hbm>> -> memref<100352x8xf32, #tpu.memory_space<hbm>>
      tpu.enqueue_indirect_dma source(%dma_start3A_115 : memref<100352x8xf32, #tpu.memory_space<hbm>>) target(%arg17 : memref<1024x8xf32, #tpu.memory_space<vmem>>) offsets(%arg11 : memref<1024xi32, #tpu.memory_space<vmem>>) semaphore(%arg30 : memref<!tpu.dma_semaphore, #tpu.memory_space<semaphore_mem>>)
      %dma_start3A_116 = arith.constant 0 : i32
      %dma_start3A_117 = arith.constant 0 : i32
      %dma_start3A_118 = tpu.memref_slice %arg2[%dma_start3A_116, %dma_start3A_117] : memref<100352x8xf32, #tpu.memory_space<hbm>> -> memref<100352x8xf32, #tpu.memory_space<hbm>>
      tpu.enqueue_indirect_dma source(%dma_start3A_118 : memref<100352x8xf32, #tpu.memory_space<hbm>>) target(%arg18 : memref<1024x8xf32, #tpu.memory_space<vmem>>) offsets(%arg12 : memref<1024xi32, #tpu.memory_space<vmem>>) semaphore(%arg30 : memref<!tpu.dma_semaphore, #tpu.memory_space<semaphore_mem>>)
      %dma_wait3A_119 = arith.constant 0 : i32
      %dma_wait3A_120 = arith.constant 0 : i32
      %dma_wait3A_121 = tpu.memref_slice %arg6[%dma_wait3A_119, %dma_wait3A_120] : memref<100352x8xf32, #tpu.memory_space<vmem_shared>> -> memref<100352x8xf32, #tpu.memory_space<vmem_shared>>
      tpu.wait_indirect_dma semaphore(%arg31 : memref<!tpu.dma_semaphore, #tpu.memory_space<semaphore_mem>>) src(%arg13 : memref<1024x8xf32, #tpu.memory_space<vmem>>) dst(%dma_wait3A_121 : memref<100352x8xf32, #tpu.memory_space<vmem_shared>>)
      %dma_wait3A_122 = arith.constant 0 : i32
      %dma_wait3A_123 = arith.constant 0 : i32
      %dma_wait3A_124 = tpu.memref_slice %arg6[%dma_wait3A_122, %dma_wait3A_123] : memref<100352x8xf32, #tpu.memory_space<vmem_shared>> -> memref<100352x8xf32, #tpu.memory_space<vmem_shared>>
      tpu.wait_indirect_dma semaphore(%arg31 : memref<!tpu.dma_semaphore, #tpu.memory_space<semaphore_mem>>) src(%arg13 : memref<1024x8xf32, #tpu.memory_space<vmem>>) dst(%dma_wait3A_124 : memref<100352x8xf32, #tpu.memory_space<vmem_shared>>)
      %dma_wait3A_125 = arith.constant 0 : i32
      %dma_wait3A_126 = arith.constant 0 : i32
      %dma_wait3A_127 = tpu.memref_slice %arg6[%dma_wait3A_125, %dma_wait3A_126] : memref<100352x8xf32, #tpu.memory_space<vmem_shared>> -> memref<100352x8xf32, #tpu.memory_space<vmem_shared>>
      tpu.wait_indirect_dma semaphore(%arg31 : memref<!tpu.dma_semaphore, #tpu.memory_space<semaphore_mem>>) src(%arg14 : memref<1024x8xf32, #tpu.memory_space<vmem>>) dst(%dma_wait3A_127 : memref<100352x8xf32, #tpu.memory_space<vmem_shared>>)
      %dma_wait3A_128 = arith.constant 0 : i32
      %dma_wait3A_129 = arith.constant 0 : i32
      %dma_wait3A_130 = tpu.memref_slice %arg6[%dma_wait3A_128, %dma_wait3A_129] : memref<100352x8xf32, #tpu.memory_space<vmem_shared>> -> memref<100352x8xf32, #tpu.memory_space<vmem_shared>>
      tpu.wait_indirect_dma semaphore(%arg31 : memref<!tpu.dma_semaphore, #tpu.memory_space<semaphore_mem>>) src(%arg14 : memref<1024x8xf32, #tpu.memory_space<vmem>>) dst(%dma_wait3A_130 : memref<100352x8xf32, #tpu.memory_space<vmem_shared>>)
      %dma_wait3A_131 = arith.constant 0 : i32
      %dma_wait3A_132 = arith.constant 0 : i32
      %dma_wait3A_133 = tpu.memref_slice %arg6[%dma_wait3A_131, %dma_wait3A_132] : memref<100352x8xf32, #tpu.memory_space<vmem_shared>> -> memref<100352x8xf32, #tpu.memory_space<vmem_shared>>
      tpu.wait_indirect_dma semaphore(%arg31 : memref<!tpu.dma_semaphore, #tpu.memory_space<semaphore_mem>>) src(%arg15 : memref<1024x8xf32, #tpu.memory_space<vmem>>) dst(%dma_wait3A_133 : memref<100352x8xf32, #tpu.memory_space<vmem_shared>>)
      %dma_wait3A_134 = arith.constant 0 : i32
      %dma_wait3A_135 = arith.constant 0 : i32
      %dma_wait3A_136 = tpu.memref_slice %arg6[%dma_wait3A_134, %dma_wait3A_135] : memref<100352x8xf32, #tpu.memory_space<vmem_shared>> -> memref<100352x8xf32, #tpu.memory_space<vmem_shared>>
      tpu.wait_indirect_dma semaphore(%arg31 : memref<!tpu.dma_semaphore, #tpu.memory_space<semaphore_mem>>) src(%arg15 : memref<1024x8xf32, #tpu.memory_space<vmem>>) dst(%dma_wait3A_136 : memref<100352x8xf32, #tpu.memory_space<vmem_shared>>)
      %add3A_137 = arith.constant 2048 : i32
      %add3A_138 = arith.addi %mul3A_4, %add3A_137 : i32
      %dma_start3A_139 = arith.constant 0 : i32
      %dma_start3A_140 = tpu.memref_slice %arg4[%dma_start3A_139, %add3A_138] : memref<3x200000xi32, #tpu.memory_space<hbm>> -> memref<1x1024xi32, #tpu.memory_space<hbm>>
      %dma_start3A_141 = tpu.memref_squeeze %dma_start3A_140 : memref<1x1024xi32, #tpu.memory_space<hbm>> -> memref<1024xi32, #tpu.memory_space<hbm>>
      %dma_start3A_142 = tpu.memref_slice %arg4[%dma_start3A_139, %add3A_138] : memref<3x200000xi32, #tpu.memory_space<hbm>> -> memref<1x1024xi32, #tpu.memory_space<hbm>>
      %dma_start3A_143 = tpu.memref_squeeze %dma_start3A_142 : memref<1x1024xi32, #tpu.memory_space<hbm>> -> memref<1024xi32, #tpu.memory_space<hbm>>
      tpu.enqueue_dma source(%dma_start3A_143 : memref<1024xi32, #tpu.memory_space<hbm>>) target(%arg7 : memref<1024xi32, #tpu.memory_space<vmem>>) target_semaphore(%arg27 : memref<!tpu.dma_semaphore, #tpu.memory_space<semaphore_mem>>)
      %dma_start3A_144 = arith.constant 1 : i32
      %dma_start3A_145 = tpu.memref_slice %arg4[%dma_start3A_144, %add3A_138] : memref<3x200000xi32, #tpu.memory_space<hbm>> -> memref<1x1024xi32, #tpu.memory_space<hbm>>
      %dma_start3A_146 = tpu.memref_squeeze %dma_start3A_145 : memref<1x1024xi32, #tpu.memory_space<hbm>> -> memref<1024xi32, #tpu.memory_space<hbm>>
      %dma_start3A_147 = tpu.memref_slice %arg4[%dma_start3A_144, %add3A_138] : memref<3x200000xi32, #tpu.memory_space<hbm>> -> memref<1x1024xi32, #tpu.memory_space<hbm>>
      %dma_start3A_148 = tpu.memref_squeeze %dma_start3A_147 : memref<1x1024xi32, #tpu.memory_space<hbm>> -> memref<1024xi32, #tpu.memory_space<hbm>>
      tpu.enqueue_dma source(%dma_start3A_148 : memref<1024xi32, #tpu.memory_space<hbm>>) target(%arg8 : memref<1024xi32, #tpu.memory_space<vmem>>) target_semaphore(%arg27 : memref<!tpu.dma_semaphore, #tpu.memory_space<semaphore_mem>>)
      %dma_start3A_149 = arith.constant 2 : i32
      %dma_start3A_150 = tpu.memref_slice %arg4[%dma_start3A_149, %add3A_138] : memref<3x200000xi32, #tpu.memory_space<hbm>> -> memref<1x1024xi32, #tpu.memory_space<hbm>>
      %dma_start3A_151 = tpu.memref_squeeze %dma_start3A_150 : memref<1x1024xi32, #tpu.memory_space<hbm>> -> memref<1024xi32, #tpu.memory_space<hbm>>
      %dma_start3A_152 = tpu.memref_slice %arg4[%dma_start3A_149, %add3A_138] : memref<3x200000xi32, #tpu.memory_space<hbm>> -> memref<1x1024xi32, #tpu.memory_space<hbm>>
      %dma_start3A_153 = tpu.memref_squeeze %dma_start3A_152 : memref<1x1024xi32, #tpu.memory_space<hbm>> -> memref<1024xi32, #tpu.memory_space<hbm>>
      tpu.enqueue_dma source(%dma_start3A_153 : memref<1024xi32, #tpu.memory_space<hbm>>) target(%arg9 : memref<1024xi32, #tpu.memory_space<vmem>>) target_semaphore(%arg27 : memref<!tpu.dma_semaphore, #tpu.memory_space<semaphore_mem>>)
      %dma_wait3A_154 = arith.constant 0 : i32
      %dma_wait3A_155 = arith.constant 0 : i32
      %dma_wait3A_156 = tpu.memref_slice %arg2[%dma_wait3A_154, %dma_wait3A_155] : memref<100352x8xf32, #tpu.memory_space<hbm>> -> memref<100352x8xf32, #tpu.memory_space<hbm>>
      tpu.wait_indirect_dma semaphore(%arg30 : memref<!tpu.dma_semaphore, #tpu.memory_space<semaphore_mem>>) src(%dma_wait3A_156 : memref<100352x8xf32, #tpu.memory_space<hbm>>) dst(%arg16 : memref<1024x8xf32, #tpu.memory_space<vmem>>)
      %dma_start3A_157 = arith.constant 0 : i32
      %dma_start3A_158 = arith.constant 0 : i32
      %dma_start3A_159 = tpu.memref_slice %arg6[%dma_start3A_157, %dma_start3A_158] : memref<100352x8xf32, #tpu.memory_space<vmem_shared>> -> memref<100352x8xf32, #tpu.memory_space<vmem_shared>>
      tpu.enqueue_indirect_dma source(%arg16 : memref<1024x8xf32, #tpu.memory_space<vmem>>) target(%dma_start3A_159 : memref<100352x8xf32, #tpu.memory_space<vmem_shared>>) offsets(%arg11 : memref<1024xi32, #tpu.memory_space<vmem>>) semaphore(%arg32 : memref<!tpu.dma_semaphore, #tpu.memory_space<semaphore_mem>>) {add = true}
      %dma_start3A_160 = arith.constant 0 : i32
      %dma_start3A_161 = arith.constant 0 : i32
      %dma_start3A_162 = tpu.memref_slice %arg6[%dma_start3A_160, %dma_start3A_161] : memref<100352x8xf32, #tpu.memory_space<vmem_shared>> -> memref<100352x8xf32, #tpu.memory_space<vmem_shared>>
      tpu.enqueue_indirect_dma source(%arg16 : memref<1024x8xf32, #tpu.memory_space<vmem>>) target(%dma_start3A_162 : memref<100352x8xf32, #tpu.memory_space<vmem_shared>>) offsets(%arg12 : memref<1024xi32, #tpu.memory_space<vmem>>) semaphore(%arg32 : memref<!tpu.dma_semaphore, #tpu.memory_space<semaphore_mem>>) {add = true}
      %dma_wait3A_163 = arith.constant 0 : i32
      %dma_wait3A_164 = arith.constant 0 : i32
      %dma_wait3A_165 = tpu.memref_slice %arg2[%dma_wait3A_163, %dma_wait3A_164] : memref<100352x8xf32, #tpu.memory_space<hbm>> -> memref<100352x8xf32, #tpu.memory_space<hbm>>
      tpu.wait_indirect_dma semaphore(%arg30 : memref<!tpu.dma_semaphore, #tpu.memory_space<semaphore_mem>>) src(%dma_wait3A_165 : memref<100352x8xf32, #tpu.memory_space<hbm>>) dst(%arg17 : memref<1024x8xf32, #tpu.memory_space<vmem>>)
      %dma_start3A_166 = arith.constant 0 : i32
      %dma_start3A_167 = arith.constant 0 : i32
      %dma_start3A_168 = tpu.memref_slice %arg6[%dma_start3A_166, %dma_start3A_167] : memref<100352x8xf32, #tpu.memory_space<vmem_shared>> -> memref<100352x8xf32, #tpu.memory_space<vmem_shared>>
      tpu.enqueue_indirect_dma source(%arg17 : memref<1024x8xf32, #tpu.memory_space<vmem>>) target(%dma_start3A_168 : memref<100352x8xf32, #tpu.memory_space<vmem_shared>>) offsets(%arg10 : memref<1024xi32, #tpu.memory_space<vmem>>) semaphore(%arg32 : memref<!tpu.dma_semaphore, #tpu.memory_space<semaphore_mem>>) {add = true}
      %dma_start3A_169 = arith.constant 0 : i32
      %dma_start3A_170 = arith.constant 0 : i32
      %dma_start3A_171 = tpu.memref_slice %arg6[%dma_start3A_169, %dma_start3A_170] : memref<100352x8xf32, #tpu.memory_space<vmem_shared>> -> memref<100352x8xf32, #tpu.memory_space<vmem_shared>>
      tpu.enqueue_indirect_dma source(%arg17 : memref<1024x8xf32, #tpu.memory_space<vmem>>) target(%dma_start3A_171 : memref<100352x8xf32, #tpu.memory_space<vmem_shared>>) offsets(%arg12 : memref<1024xi32, #tpu.memory_space<vmem>>) semaphore(%arg32 : memref<!tpu.dma_semaphore, #tpu.memory_space<semaphore_mem>>) {add = true}
      %dma_wait3A_172 = arith.constant 0 : i32
      %dma_wait3A_173 = arith.constant 0 : i32
      %dma_wait3A_174 = tpu.memref_slice %arg2[%dma_wait3A_172, %dma_wait3A_173] : memref<100352x8xf32, #tpu.memory_space<hbm>> -> memref<100352x8xf32, #tpu.memory_space<hbm>>
      tpu.wait_indirect_dma semaphore(%arg30 : memref<!tpu.dma_semaphore, #tpu.memory_space<semaphore_mem>>) src(%dma_wait3A_174 : memref<100352x8xf32, #tpu.memory_space<hbm>>) dst(%arg18 : memref<1024x8xf32, #tpu.memory_space<vmem>>)
      %dma_start3A_175 = arith.constant 0 : i32
      %dma_start3A_176 = arith.constant 0 : i32
      %dma_start3A_177 = tpu.memref_slice %arg6[%dma_start3A_175, %dma_start3A_176] : memref<100352x8xf32, #tpu.memory_space<vmem_shared>> -> memref<100352x8xf32, #tpu.memory_space<vmem_shared>>
      tpu.enqueue_indirect_dma source(%arg18 : memref<1024x8xf32, #tpu.memory_space<vmem>>) target(%dma_start3A_177 : memref<100352x8xf32, #tpu.memory_space<vmem_shared>>) offsets(%arg11 : memref<1024xi32, #tpu.memory_space<vmem>>) semaphore(%arg32 : memref<!tpu.dma_semaphore, #tpu.memory_space<semaphore_mem>>) {add = true}
      %dma_start3A_178 = arith.constant 0 : i32
      %dma_start3A_179 = arith.constant 0 : i32
      %dma_start3A_180 = tpu.memref_slice %arg6[%dma_start3A_178, %dma_start3A_179] : memref<100352x8xf32, #tpu.memory_space<vmem_shared>> -> memref<100352x8xf32, #tpu.memory_space<vmem_shared>>
      tpu.enqueue_indirect_dma source(%arg18 : memref<1024x8xf32, #tpu.memory_space<vmem>>) target(%dma_start3A_180 : memref<100352x8xf32, #tpu.memory_space<vmem_shared>>) offsets(%arg10 : memref<1024xi32, #tpu.memory_space<vmem>>) semaphore(%arg32 : memref<!tpu.dma_semaphore, #tpu.memory_space<semaphore_mem>>) {add = true}
      %dma_wait3A_181 = arith.constant 0 : i32
      %dma_wait3A_182 = tpu.memref_slice %arg4[%dma_wait3A_181, %add3A_138] : memref<3x200000xi32, #tpu.memory_space<hbm>> -> memref<1x1024xi32, #tpu.memory_space<hbm>>
      %dma_wait3A_183 = tpu.memref_squeeze %dma_wait3A_182 : memref<1x1024xi32, #tpu.memory_space<hbm>> -> memref<1024xi32, #tpu.memory_space<hbm>>
      %dma_wait3A_184 = tpu.memref_slice %arg4[%dma_wait3A_181, %add3A_138] : memref<3x200000xi32, #tpu.memory_space<hbm>> -> memref<1x1024xi32, #tpu.memory_space<hbm>>
      %dma_wait3A_185 = tpu.memref_squeeze %dma_wait3A_184 : memref<1x1024xi32, #tpu.memory_space<hbm>> -> memref<1024xi32, #tpu.memory_space<hbm>>
      tpu.wait_dma2 semaphore(%arg27 : memref<!tpu.dma_semaphore, #tpu.memory_space<semaphore_mem>>) src(%dma_wait3A_185 : memref<1024xi32, #tpu.memory_space<hbm>>) dst(%arg7 : memref<1024xi32, #tpu.memory_space<vmem>>)
      %dma_wait3A_186 = arith.constant 1 : i32
      %dma_wait3A_187 = tpu.memref_slice %arg4[%dma_wait3A_186, %add3A_138] : memref<3x200000xi32, #tpu.memory_space<hbm>> -> memref<1x1024xi32, #tpu.memory_space<hbm>>
      %dma_wait3A_188 = tpu.memref_squeeze %dma_wait3A_187 : memref<1x1024xi32, #tpu.memory_space<hbm>> -> memref<1024xi32, #tpu.memory_space<hbm>>
      %dma_wait3A_189 = tpu.memref_slice %arg4[%dma_wait3A_186, %add3A_138] : memref<3x200000xi32, #tpu.memory_space<hbm>> -> memref<1x1024xi32, #tpu.memory_space<hbm>>
      %dma_wait3A_190 = tpu.memref_squeeze %dma_wait3A_189 : memref<1x1024xi32, #tpu.memory_space<hbm>> -> memref<1024xi32, #tpu.memory_space<hbm>>
      tpu.wait_dma2 semaphore(%arg27 : memref<!tpu.dma_semaphore, #tpu.memory_space<semaphore_mem>>) src(%dma_wait3A_190 : memref<1024xi32, #tpu.memory_space<hbm>>) dst(%arg8 : memref<1024xi32, #tpu.memory_space<vmem>>)
      %dma_wait3A_191 = arith.constant 2 : i32
      %dma_wait3A_192 = tpu.memref_slice %arg4[%dma_wait3A_191, %add3A_138] : memref<3x200000xi32, #tpu.memory_space<hbm>> -> memref<1x1024xi32, #tpu.memory_space<hbm>>
      %dma_wait3A_193 = tpu.memref_squeeze %dma_wait3A_192 : memref<1x1024xi32, #tpu.memory_space<hbm>> -> memref<1024xi32, #tpu.memory_space<hbm>>
      %dma_wait3A_194 = tpu.memref_slice %arg4[%dma_wait3A_191, %add3A_138] : memref<3x200000xi32, #tpu.memory_space<hbm>> -> memref<1x1024xi32, #tpu.memory_space<hbm>>
      %dma_wait3A_195 = tpu.memref_squeeze %dma_wait3A_194 : memref<1x1024xi32, #tpu.memory_space<hbm>> -> memref<1024xi32, #tpu.memory_space<hbm>>
      tpu.wait_dma2 semaphore(%arg27 : memref<!tpu.dma_semaphore, #tpu.memory_space<semaphore_mem>>) src(%dma_wait3A_195 : memref<1024xi32, #tpu.memory_space<hbm>>) dst(%arg9 : memref<1024xi32, #tpu.memory_space<vmem>>)
      %dma_start3A_196 = arith.constant 0 : i32
      %dma_start3A_197 = arith.constant 0 : i32
      %dma_start3A_198 = tpu.memref_slice %arg2[%dma_start3A_196, %dma_start3A_197] : memref<100352x8xf32, #tpu.memory_space<hbm>> -> memref<100352x8xf32, #tpu.memory_space<hbm>>
      tpu.enqueue_indirect_dma source(%dma_start3A_198 : memref<100352x8xf32, #tpu.memory_space<hbm>>) target(%arg13 : memref<1024x8xf32, #tpu.memory_space<vmem>>) offsets(%arg7 : memref<1024xi32, #tpu.memory_space<vmem>>) semaphore(%arg29 : memref<!tpu.dma_semaphore, #tpu.memory_space<semaphore_mem>>)
      %dma_start3A_199 = arith.constant 0 : i32
      %dma_start3A_200 = arith.constant 0 : i32
      %dma_start3A_201 = tpu.memref_slice %arg2[%dma_start3A_199, %dma_start3A_200] : memref<100352x8xf32, #tpu.memory_space<hbm>> -> memref<100352x8xf32, #tpu.memory_space<hbm>>
      tpu.enqueue_indirect_dma source(%dma_start3A_201 : memref<100352x8xf32, #tpu.memory_space<hbm>>) target(%arg14 : memref<1024x8xf32, #tpu.memory_space<vmem>>) offsets(%arg8 : memref<1024xi32, #tpu.memory_space<vmem>>) semaphore(%arg29 : memref<!tpu.dma_semaphore, #tpu.memory_space<semaphore_mem>>)
      %dma_start3A_202 = arith.constant 0 : i32
      %dma_start3A_203 = arith.constant 0 : i32
      %dma_start3A_204 = tpu.memref_slice %arg2[%dma_start3A_202, %dma_start3A_203] : memref<100352x8xf32, #tpu.memory_space<hbm>> -> memref<100352x8xf32, #tpu.memory_space<hbm>>
      tpu.enqueue_indirect_dma source(%dma_start3A_204 : memref<100352x8xf32, #tpu.memory_space<hbm>>) target(%arg15 : memref<1024x8xf32, #tpu.memory_space<vmem>>) offsets(%arg9 : memref<1024xi32, #tpu.memory_space<vmem>>) semaphore(%arg29 : memref<!tpu.dma_semaphore, #tpu.memory_space<semaphore_mem>>)
      %dma_wait3A_205 = arith.constant 0 : i32
      %dma_wait3A_206 = arith.constant 0 : i32
      %dma_wait3A_207 = tpu.memref_slice %arg6[%dma_wait3A_205, %dma_wait3A_206] : memref<100352x8xf32, #tpu.memory_space<vmem_shared>> -> memref<100352x8xf32, #tpu.memory_space<vmem_shared>>
      tpu.wait_indirect_dma semaphore(%arg32 : memref<!tpu.dma_semaphore, #tpu.memory_space<semaphore_mem>>) src(%arg16 : memref<1024x8xf32, #tpu.memory_space<vmem>>) dst(%dma_wait3A_207 : memref<100352x8xf32, #tpu.memory_space<vmem_shared>>)
      %dma_wait3A_208 = arith.constant 0 : i32
      %dma_wait3A_209 = arith.constant 0 : i32
      %dma_wait3A_210 = tpu.memref_slice %arg6[%dma_wait3A_208, %dma_wait3A_209] : memref<100352x8xf32, #tpu.memory_space<vmem_shared>> -> memref<100352x8xf32, #tpu.memory_space<vmem_shared>>
      tpu.wait_indirect_dma semaphore(%arg32 : memref<!tpu.dma_semaphore, #tpu.memory_space<semaphore_mem>>) src(%arg16 : memref<1024x8xf32, #tpu.memory_space<vmem>>) dst(%dma_wait3A_210 : memref<100352x8xf32, #tpu.memory_space<vmem_shared>>)
      %dma_wait3A_211 = arith.constant 0 : i32
      %dma_wait3A_212 = arith.constant 0 : i32
      %dma_wait3A_213 = tpu.memref_slice %arg6[%dma_wait3A_211, %dma_wait3A_212] : memref<100352x8xf32, #tpu.memory_space<vmem_shared>> -> memref<100352x8xf32, #tpu.memory_space<vmem_shared>>
      tpu.wait_indirect_dma semaphore(%arg32 : memref<!tpu.dma_semaphore, #tpu.memory_space<semaphore_mem>>) src(%arg17 : memref<1024x8xf32, #tpu.memory_space<vmem>>) dst(%dma_wait3A_213 : memref<100352x8xf32, #tpu.memory_space<vmem_shared>>)
      %dma_wait3A_214 = arith.constant 0 : i32
      %dma_wait3A_215 = arith.constant 0 : i32
      %dma_wait3A_216 = tpu.memref_slice %arg6[%dma_wait3A_214, %dma_wait3A_215] : memref<100352x8xf32, #tpu.memory_space<vmem_shared>> -> memref<100352x8xf32, #tpu.memory_space<vmem_shared>>
      tpu.wait_indirect_dma semaphore(%arg32 : memref<!tpu.dma_semaphore, #tpu.memory_space<semaphore_mem>>) src(%arg17 : memref<1024x8xf32, #tpu.memory_space<vmem>>) dst(%dma_wait3A_216 : memref<100352x8xf32, #tpu.memory_space<vmem_shared>>)
      %dma_wait3A_217 = arith.constant 0 : i32
      %dma_wait3A_218 = arith.constant 0 : i32
      %dma_wait3A_219 = tpu.memref_slice %arg6[%dma_wait3A_217, %dma_wait3A_218] : memref<100352x8xf32, #tpu.memory_space<vmem_shared>> -> memref<100352x8xf32, #tpu.memory_space<vmem_shared>>
      tpu.wait_indirect_dma semaphore(%arg32 : memref<!tpu.dma_semaphore, #tpu.memory_space<semaphore_mem>>) src(%arg18 : memref<1024x8xf32, #tpu.memory_space<vmem>>) dst(%dma_wait3A_219 : memref<100352x8xf32, #tpu.memory_space<vmem_shared>>)
      %dma_wait3A_220 = arith.constant 0 : i32
      %dma_wait3A_221 = arith.constant 0 : i32
      %dma_wait3A_222 = tpu.memref_slice %arg6[%dma_wait3A_220, %dma_wait3A_221] : memref<100352x8xf32, #tpu.memory_space<vmem_shared>> -> memref<100352x8xf32, #tpu.memory_space<vmem_shared>>
      tpu.wait_indirect_dma semaphore(%arg32 : memref<!tpu.dma_semaphore, #tpu.memory_space<semaphore_mem>>) src(%arg18 : memref<1024x8xf32, #tpu.memory_space<vmem>>) dst(%dma_wait3A_222 : memref<100352x8xf32, #tpu.memory_space<vmem_shared>>)
      %add3A_223 = arith.constant 3072 : i32
      %add3A_224 = arith.addi %mul3A_4, %add3A_223 : i32
      %dma_start3A_225 = arith.constant 0 : i32
      %dma_start3A_226 = tpu.memref_slice %arg4[%dma_start3A_225, %add3A_224] : memref<3x200000xi32, #tpu.memory_space<hbm>> -> memref<1x1024xi32, #tpu.memory_space<hbm>>
      %dma_start3A_227 = tpu.memref_squeeze %dma_start3A_226 : memref<1x1024xi32, #tpu.memory_space<hbm>> -> memref<1024xi32, #tpu.memory_space<hbm>>
      %dma_start3A_228 = tpu.memref_slice %arg4[%dma_start3A_225, %add3A_224] : memref<3x200000xi32, #tpu.memory_space<hbm>> -> memref<1x1024xi32, #tpu.memory_space<hbm>>
      %dma_start3A_229 = tpu.memref_squeeze %dma_start3A_228 : memref<1x1024xi32, #tpu.memory_space<hbm>> -> memref<1024xi32, #tpu.memory_space<hbm>>
      tpu.enqueue_dma source(%dma_start3A_229 : memref<1024xi32, #tpu.memory_space<hbm>>) target(%arg10 : memref<1024xi32, #tpu.memory_space<vmem>>) target_semaphore(%arg28 : memref<!tpu.dma_semaphore, #tpu.memory_space<semaphore_mem>>)
      %dma_start3A_230 = arith.constant 1 : i32
      %dma_start3A_231 = tpu.memref_slice %arg4[%dma_start3A_230, %add3A_224] : memref<3x200000xi32, #tpu.memory_space<hbm>> -> memref<1x1024xi32, #tpu.memory_space<hbm>>
      %dma_start3A_232 = tpu.memref_squeeze %dma_start3A_231 : memref<1x1024xi32, #tpu.memory_space<hbm>> -> memref<1024xi32, #tpu.memory_space<hbm>>
      %dma_start3A_233 = tpu.memref_slice %arg4[%dma_start3A_230, %add3A_224] : memref<3x200000xi32, #tpu.memory_space<hbm>> -> memref<1x1024xi32, #tpu.memory_space<hbm>>
      %dma_start3A_234 = tpu.memref_squeeze %dma_start3A_233 : memref<1x1024xi32, #tpu.memory_space<hbm>> -> memref<1024xi32, #tpu.memory_space<hbm>>
      tpu.enqueue_dma source(%dma_start3A_234 : memref<1024xi32, #tpu.memory_space<hbm>>) target(%arg11 : memref<1024xi32, #tpu.memory_space<vmem>>) target_semaphore(%arg28 : memref<!tpu.dma_semaphore, #tpu.memory_space<semaphore_mem>>)
      %dma_start3A_235 = arith.constant 2 : i32
      %dma_start3A_236 = tpu.memref_slice %arg4[%dma_start3A_235, %add3A_224] : memref<3x200000xi32, #tpu.memory_space<hbm>> -> memref<1x1024xi32, #tpu.memory_space<hbm>>
      %dma_start3A_237 = tpu.memref_squeeze %dma_start3A_236 : memref<1x1024xi32, #tpu.memory_space<hbm>> -> memref<1024xi32, #tpu.memory_space<hbm>>
      %dma_start3A_238 = tpu.memref_slice %arg4[%dma_start3A_235, %add3A_224] : memref<3x200000xi32, #tpu.memory_space<hbm>> -> memref<1x1024xi32, #tpu.memory_space<hbm>>
      %dma_start3A_239 = tpu.memref_squeeze %dma_start3A_238 : memref<1x1024xi32, #tpu.memory_space<hbm>> -> memref<1024xi32, #tpu.memory_space<hbm>>
      tpu.enqueue_dma source(%dma_start3A_239 : memref<1024xi32, #tpu.memory_space<hbm>>) target(%arg12 : memref<1024xi32, #tpu.memory_space<vmem>>) target_semaphore(%arg28 : memref<!tpu.dma_semaphore, #tpu.memory_space<semaphore_mem>>)
      %dma_wait3A_240 = arith.constant 0 : i32
      %dma_wait3A_241 = arith.constant 0 : i32
      %dma_wait3A_242 = tpu.memref_slice %arg2[%dma_wait3A_240, %dma_wait3A_241] : memref<100352x8xf32, #tpu.memory_space<hbm>> -> memref<100352x8xf32, #tpu.memory_space<hbm>>
      tpu.wait_indirect_dma semaphore(%arg29 : memref<!tpu.dma_semaphore, #tpu.memory_space<semaphore_mem>>) src(%dma_wait3A_242 : memref<100352x8xf32, #tpu.memory_space<hbm>>) dst(%arg13 : memref<1024x8xf32, #tpu.memory_space<vmem>>)
      %dma_start3A_243 = arith.constant 0 : i32
      %dma_start3A_244 = arith.constant 0 : i32
      %dma_start3A_245 = tpu.memref_slice %arg6[%dma_start3A_243, %dma_start3A_244] : memref<100352x8xf32, #tpu.memory_space<vmem_shared>> -> memref<100352x8xf32, #tpu.memory_space<vmem_shared>>
      tpu.enqueue_indirect_dma source(%arg13 : memref<1024x8xf32, #tpu.memory_space<vmem>>) target(%dma_start3A_245 : memref<100352x8xf32, #tpu.memory_space<vmem_shared>>) offsets(%arg8 : memref<1024xi32, #tpu.memory_space<vmem>>) semaphore(%arg31 : memref<!tpu.dma_semaphore, #tpu.memory_space<semaphore_mem>>) {add = true}
      %dma_start3A_246 = arith.constant 0 : i32
      %dma_start3A_247 = arith.constant 0 : i32
      %dma_start3A_248 = tpu.memref_slice %arg6[%dma_start3A_246, %dma_start3A_247] : memref<100352x8xf32, #tpu.memory_space<vmem_shared>> -> memref<100352x8xf32, #tpu.memory_space<vmem_shared>>
      tpu.enqueue_indirect_dma source(%arg13 : memref<1024x8xf32, #tpu.memory_space<vmem>>) target(%dma_start3A_248 : memref<100352x8xf32, #tpu.memory_space<vmem_shared>>) offsets(%arg9 : memref<1024xi32, #tpu.memory_space<vmem>>) semaphore(%arg31 : memref<!tpu.dma_semaphore, #tpu.memory_space<semaphore_mem>>) {add = true}
      %dma_wait3A_249 = arith.constant 0 : i32
      %dma_wait3A_250 = arith.constant 0 : i32
      %dma_wait3A_251 = tpu.memref_slice %arg2[%dma_wait3A_249, %dma_wait3A_250] : memref<100352x8xf32, #tpu.memory_space<hbm>> -> memref<100352x8xf32, #tpu.memory_space<hbm>>
      tpu.wait_indirect_dma semaphore(%arg29 : memref<!tpu.dma_semaphore, #tpu.memory_space<semaphore_mem>>) src(%dma_wait3A_251 : memref<100352x8xf32, #tpu.memory_space<hbm>>) dst(%arg14 : memref<1024x8xf32, #tpu.memory_space<vmem>>)
      %dma_start3A_252 = arith.constant 0 : i32
      %dma_start3A_253 = arith.constant 0 : i32
      %dma_start3A_254 = tpu.memref_slice %arg6[%dma_start3A_252, %dma_start3A_253] : memref<100352x8xf32, #tpu.memory_space<vmem_shared>> -> memref<100352x8xf32, #tpu.memory_space<vmem_shared>>
      tpu.enqueue_indirect_dma source(%arg14 : memref<1024x8xf32, #tpu.memory_space<vmem>>) target(%dma_start3A_254 : memref<100352x8xf32, #tpu.memory_space<vmem_shared>>) offsets(%arg7 : memref<1024xi32, #tpu.memory_space<vmem>>) semaphore(%arg31 : memref<!tpu.dma_semaphore, #tpu.memory_space<semaphore_mem>>) {add = true}
      %dma_start3A_255 = arith.constant 0 : i32
      %dma_start3A_256 = arith.constant 0 : i32
      %dma_start3A_257 = tpu.memref_slice %arg6[%dma_start3A_255, %dma_start3A_256] : memref<100352x8xf32, #tpu.memory_space<vmem_shared>> -> memref<100352x8xf32, #tpu.memory_space<vmem_shared>>
      tpu.enqueue_indirect_dma source(%arg14 : memref<1024x8xf32, #tpu.memory_space<vmem>>) target(%dma_start3A_257 : memref<100352x8xf32, #tpu.memory_space<vmem_shared>>) offsets(%arg9 : memref<1024xi32, #tpu.memory_space<vmem>>) semaphore(%arg31 : memref<!tpu.dma_semaphore, #tpu.memory_space<semaphore_mem>>) {add = true}
      %dma_wait3A_258 = arith.constant 0 : i32
      %dma_wait3A_259 = arith.constant 0 : i32
      %dma_wait3A_260 = tpu.memref_slice %arg2[%dma_wait3A_258, %dma_wait3A_259] : memref<100352x8xf32, #tpu.memory_space<hbm>> -> memref<100352x8xf32, #tpu.memory_space<hbm>>
      tpu.wait_indirect_dma semaphore(%arg29 : memref<!tpu.dma_semaphore, #tpu.memory_space<semaphore_mem>>) src(%dma_wait3A_260 : memref<100352x8xf32, #tpu.memory_space<hbm>>) dst(%arg15 : memref<1024x8xf32, #tpu.memory_space<vmem>>)
      %dma_start3A_261 = arith.constant 0 : i32
      %dma_start3A_262 = arith.constant 0 : i32
      %dma_start3A_263 = tpu.memref_slice %arg6[%dma_start3A_261, %dma_start3A_262] : memref<100352x8xf32, #tpu.memory_space<vmem_shared>> -> memref<100352x8xf32, #tpu.memory_space<vmem_shared>>
      tpu.enqueue_indirect_dma source(%arg15 : memref<1024x8xf32, #tpu.memory_space<vmem>>) target(%dma_start3A_263 : memref<100352x8xf32, #tpu.memory_space<vmem_shared>>) offsets(%arg8 : memref<1024xi32, #tpu.memory_space<vmem>>) semaphore(%arg31 : memref<!tpu.dma_semaphore, #tpu.memory_space<semaphore_mem>>) {add = true}
      %dma_start3A_264 = arith.constant 0 : i32
      %dma_start3A_265 = arith.constant 0 : i32
      %dma_start3A_266 = tpu.memref_slice %arg6[%dma_start3A_264, %dma_start3A_265] : memref<100352x8xf32, #tpu.memory_space<vmem_shared>> -> memref<100352x8xf32, #tpu.memory_space<vmem_shared>>
      tpu.enqueue_indirect_dma source(%arg15 : memref<1024x8xf32, #tpu.memory_space<vmem>>) target(%dma_start3A_266 : memref<100352x8xf32, #tpu.memory_space<vmem_shared>>) offsets(%arg7 : memref<1024xi32, #tpu.memory_space<vmem>>) semaphore(%arg31 : memref<!tpu.dma_semaphore, #tpu.memory_space<semaphore_mem>>) {add = true}
      %dma_wait3A_267 = arith.constant 0 : i32
      %dma_wait3A_268 = tpu.memref_slice %arg4[%dma_wait3A_267, %add3A_224] : memref<3x200000xi32, #tpu.memory_space<hbm>> -> memref<1x1024xi32, #tpu.memory_space<hbm>>
      %dma_wait3A_269 = tpu.memref_squeeze %dma_wait3A_268 : memref<1x1024xi32, #tpu.memory_space<hbm>> -> memref<1024xi32, #tpu.memory_space<hbm>>
      %dma_wait3A_270 = tpu.memref_slice %arg4[%dma_wait3A_267, %add3A_224] : memref<3x200000xi32, #tpu.memory_space<hbm>> -> memref<1x1024xi32, #tpu.memory_space<hbm>>
      %dma_wait3A_271 = tpu.memref_squeeze %dma_wait3A_270 : memref<1x1024xi32, #tpu.memory_space<hbm>> -> memref<1024xi32, #tpu.memory_space<hbm>>
      tpu.wait_dma2 semaphore(%arg28 : memref<!tpu.dma_semaphore, #tpu.memory_space<semaphore_mem>>) src(%dma_wait3A_271 : memref<1024xi32, #tpu.memory_space<hbm>>) dst(%arg10 : memref<1024xi32, #tpu.memory_space<vmem>>)
      %dma_wait3A_272 = arith.constant 1 : i32
      %dma_wait3A_273 = tpu.memref_slice %arg4[%dma_wait3A_272, %add3A_224] : memref<3x200000xi32, #tpu.memory_space<hbm>> -> memref<1x1024xi32, #tpu.memory_space<hbm>>
      %dma_wait3A_274 = tpu.memref_squeeze %dma_wait3A_273 : memref<1x1024xi32, #tpu.memory_space<hbm>> -> memref<1024xi32, #tpu.memory_space<hbm>>
      %dma_wait3A_275 = tpu.memref_slice %arg4[%dma_wait3A_272, %add3A_224] : memref<3x200000xi32, #tpu.memory_space<hbm>> -> memref<1x1024xi32, #tpu.memory_space<hbm>>
      %dma_wait3A_276 = tpu.memref_squeeze %dma_wait3A_275 : memref<1x1024xi32, #tpu.memory_space<hbm>> -> memref<1024xi32, #tpu.memory_space<hbm>>
      tpu.wait_dma2 semaphore(%arg28 : memref<!tpu.dma_semaphore, #tpu.memory_space<semaphore_mem>>) src(%dma_wait3A_276 : memref<1024xi32, #tpu.memory_space<hbm>>) dst(%arg11 : memref<1024xi32, #tpu.memory_space<vmem>>)
      %dma_wait3A_277 = arith.constant 2 : i32
      %dma_wait3A_278 = tpu.memref_slice %arg4[%dma_wait3A_277, %add3A_224] : memref<3x200000xi32, #tpu.memory_space<hbm>> -> memref<1x1024xi32, #tpu.memory_space<hbm>>
      %dma_wait3A_279 = tpu.memref_squeeze %dma_wait3A_278 : memref<1x1024xi32, #tpu.memory_space<hbm>> -> memref<1024xi32, #tpu.memory_space<hbm>>
      %dma_wait3A_280 = tpu.memref_slice %arg4[%dma_wait3A_277, %add3A_224] : memref<3x200000xi32, #tpu.memory_space<hbm>> -> memref<1x1024xi32, #tpu.memory_space<hbm>>
      %dma_wait3A_281 = tpu.memref_squeeze %dma_wait3A_280 : memref<1x1024xi32, #tpu.memory_space<hbm>> -> memref<1024xi32, #tpu.memory_space<hbm>>
      tpu.wait_dma2 semaphore(%arg28 : memref<!tpu.dma_semaphore, #tpu.memory_space<semaphore_mem>>) src(%dma_wait3A_281 : memref<1024xi32, #tpu.memory_space<hbm>>) dst(%arg12 : memref<1024xi32, #tpu.memory_space<vmem>>)
      %dma_start3A_282 = arith.constant 0 : i32
      %dma_start3A_283 = arith.constant 0 : i32
      %dma_start3A_284 = tpu.memref_slice %arg2[%dma_start3A_282, %dma_start3A_283] : memref<100352x8xf32, #tpu.memory_space<hbm>> -> memref<100352x8xf32, #tpu.memory_space<hbm>>
      tpu.enqueue_indirect_dma source(%dma_start3A_284 : memref<100352x8xf32, #tpu.memory_space<hbm>>) target(%arg16 : memref<1024x8xf32, #tpu.memory_space<vmem>>) offsets(%arg10 : memref<1024xi32, #tpu.memory_space<vmem>>) semaphore(%arg30 : memref<!tpu.dma_semaphore, #tpu.memory_space<semaphore_mem>>)
      %dma_start3A_285 = arith.constant 0 : i32
      %dma_start3A_286 = arith.constant 0 : i32
      %dma_start3A_287 = tpu.memref_slice %arg2[%dma_start3A_285, %dma_start3A_286] : memref<100352x8xf32, #tpu.memory_space<hbm>> -> memref<100352x8xf32, #tpu.memory_space<hbm>>
      tpu.enqueue_indirect_dma source(%dma_start3A_287 : memref<100352x8xf32, #tpu.memory_space<hbm>>) target(%arg17 : memref<1024x8xf32, #tpu.memory_space<vmem>>) offsets(%arg11 : memref<1024xi32, #tpu.memory_space<vmem>>) semaphore(%arg30 : memref<!tpu.dma_semaphore, #tpu.memory_space<semaphore_mem>>)
      %dma_start3A_288 = arith.constant 0 : i32
      %dma_start3A_289 = arith.constant 0 : i32
      %dma_start3A_290 = tpu.memref_slice %arg2[%dma_start3A_288, %dma_start3A_289] : memref<100352x8xf32, #tpu.memory_space<hbm>> -> memref<100352x8xf32, #tpu.memory_space<hbm>>
      tpu.enqueue_indirect_dma source(%dma_start3A_290 : memref<100352x8xf32, #tpu.memory_space<hbm>>) target(%arg18 : memref<1024x8xf32, #tpu.memory_space<vmem>>) offsets(%arg12 : memref<1024xi32, #tpu.memory_space<vmem>>) semaphore(%arg30 : memref<!tpu.dma_semaphore, #tpu.memory_space<semaphore_mem>>)
      %dma_wait3A_291 = arith.constant 0 : i32
      %dma_wait3A_292 = arith.constant 0 : i32
      %dma_wait3A_293 = tpu.memref_slice %arg6[%dma_wait3A_291, %dma_wait3A_292] : memref<100352x8xf32, #tpu.memory_space<vmem_shared>> -> memref<100352x8xf32, #tpu.memory_space<vmem_shared>>
      tpu.wait_indirect_dma semaphore(%arg31 : memref<!tpu.dma_semaphore, #tpu.memory_space<semaphore_mem>>) src(%arg13 : memref<1024x8xf32, #tpu.memory_space<vmem>>) dst(%dma_wait3A_293 : memref<100352x8xf32, #tpu.memory_space<vmem_shared>>)
      %dma_wait3A_294 = arith.constant 0 : i32
      %dma_wait3A_295 = arith.constant 0 : i32
      %dma_wait3A_296 = tpu.memref_slice %arg6[%dma_wait3A_294, %dma_wait3A_295] : memref<100352x8xf32, #tpu.memory_space<vmem_shared>> -> memref<100352x8xf32, #tpu.memory_space<vmem_shared>>
      tpu.wait_indirect_dma semaphore(%arg31 : memref<!tpu.dma_semaphore, #tpu.memory_space<semaphore_mem>>) src(%arg13 : memref<1024x8xf32, #tpu.memory_space<vmem>>) dst(%dma_wait3A_296 : memref<100352x8xf32, #tpu.memory_space<vmem_shared>>)
      %dma_wait3A_297 = arith.constant 0 : i32
      %dma_wait3A_298 = arith.constant 0 : i32
      %dma_wait3A_299 = tpu.memref_slice %arg6[%dma_wait3A_297, %dma_wait3A_298] : memref<100352x8xf32, #tpu.memory_space<vmem_shared>> -> memref<100352x8xf32, #tpu.memory_space<vmem_shared>>
      tpu.wait_indirect_dma semaphore(%arg31 : memref<!tpu.dma_semaphore, #tpu.memory_space<semaphore_mem>>) src(%arg14 : memref<1024x8xf32, #tpu.memory_space<vmem>>) dst(%dma_wait3A_299 : memref<100352x8xf32, #tpu.memory_space<vmem_shared>>)
      %dma_wait3A_300 = arith.constant 0 : i32
      %dma_wait3A_301 = arith.constant 0 : i32
      %dma_wait3A_302 = tpu.memref_slice %arg6[%dma_wait3A_300, %dma_wait3A_301] : memref<100352x8xf32, #tpu.memory_space<vmem_shared>> -> memref<100352x8xf32, #tpu.memory_space<vmem_shared>>
      tpu.wait_indirect_dma semaphore(%arg31 : memref<!tpu.dma_semaphore, #tpu.memory_space<semaphore_mem>>) src(%arg14 : memref<1024x8xf32, #tpu.memory_space<vmem>>) dst(%dma_wait3A_302 : memref<100352x8xf32, #tpu.memory_space<vmem_shared>>)
      %dma_wait3A_303 = arith.constant 0 : i32
      %dma_wait3A_304 = arith.constant 0 : i32
      %dma_wait3A_305 = tpu.memref_slice %arg6[%dma_wait3A_303, %dma_wait3A_304] : memref<100352x8xf32, #tpu.memory_space<vmem_shared>> -> memref<100352x8xf32, #tpu.memory_space<vmem_shared>>
      tpu.wait_indirect_dma semaphore(%arg31 : memref<!tpu.dma_semaphore, #tpu.memory_space<semaphore_mem>>) src(%arg15 : memref<1024x8xf32, #tpu.memory_space<vmem>>) dst(%dma_wait3A_305 : memref<100352x8xf32, #tpu.memory_space<vmem_shared>>)
      %dma_wait3A_306 = arith.constant 0 : i32
      %dma_wait3A_307 = arith.constant 0 : i32
      %dma_wait3A_308 = tpu.memref_slice %arg6[%dma_wait3A_306, %dma_wait3A_307] : memref<100352x8xf32, #tpu.memory_space<vmem_shared>> -> memref<100352x8xf32, #tpu.memory_space<vmem_shared>>
      tpu.wait_indirect_dma semaphore(%arg31 : memref<!tpu.dma_semaphore, #tpu.memory_space<semaphore_mem>>) src(%arg15 : memref<1024x8xf32, #tpu.memory_space<vmem>>) dst(%dma_wait3A_308 : memref<100352x8xf32, #tpu.memory_space<vmem_shared>>)
      %add3A_309 = arith.constant 4096 : i32
      %add3A_310 = arith.addi %mul3A_4, %add3A_309 : i32
      %dma_start3A_311 = arith.constant 0 : i32
      %dma_start3A_312 = tpu.memref_slice %arg4[%dma_start3A_311, %add3A_310] : memref<3x200000xi32, #tpu.memory_space<hbm>> -> memref<1x1024xi32, #tpu.memory_space<hbm>>
      %dma_start3A_313 = tpu.memref_squeeze %dma_start3A_312 : memref<1x1024xi32, #tpu.memory_space<hbm>> -> memref<1024xi32, #tpu.memory_space<hbm>>
      %dma_start3A_314 = tpu.memref_slice %arg4[%dma_start3A_311, %add3A_310] : memref<3x200000xi32, #tpu.memory_space<hbm>> -> memref<1x1024xi32, #tpu.memory_space<hbm>>
      %dma_start3A_315 = tpu.memref_squeeze %dma_start3A_314 : memref<1x1024xi32, #tpu.memory_space<hbm>> -> memref<1024xi32, #tpu.memory_space<hbm>>
      tpu.enqueue_dma source(%dma_start3A_315 : memref<1024xi32, #tpu.memory_space<hbm>>) target(%arg7 : memref<1024xi32, #tpu.memory_space<vmem>>) target_semaphore(%arg27 : memref<!tpu.dma_semaphore, #tpu.memory_space<semaphore_mem>>)
      %dma_start3A_316 = arith.constant 1 : i32
      %dma_start3A_317 = tpu.memref_slice %arg4[%dma_start3A_316, %add3A_310] : memref<3x200000xi32, #tpu.memory_space<hbm>> -> memref<1x1024xi32, #tpu.memory_space<hbm>>
      %dma_start3A_318 = tpu.memref_squeeze %dma_start3A_317 : memref<1x1024xi32, #tpu.memory_space<hbm>> -> memref<1024xi32, #tpu.memory_space<hbm>>
      %dma_start3A_319 = tpu.memref_slice %arg4[%dma_start3A_316, %add3A_310] : memref<3x200000xi32, #tpu.memory_space<hbm>> -> memref<1x1024xi32, #tpu.memory_space<hbm>>
      %dma_start3A_320 = tpu.memref_squeeze %dma_start3A_319 : memref<1x1024xi32, #tpu.memory_space<hbm>> -> memref<1024xi32, #tpu.memory_space<hbm>>
      tpu.enqueue_dma source(%dma_start3A_320 : memref<1024xi32, #tpu.memory_space<hbm>>) target(%arg8 : memref<1024xi32, #tpu.memory_space<vmem>>) target_semaphore(%arg27 : memref<!tpu.dma_semaphore, #tpu.memory_space<semaphore_mem>>)
      %dma_start3A_321 = arith.constant 2 : i32
      %dma_start3A_322 = tpu.memref_slice %arg4[%dma_start3A_321, %add3A_310] : memref<3x200000xi32, #tpu.memory_space<hbm>> -> memref<1x1024xi32, #tpu.memory_space<hbm>>
      %dma_start3A_323 = tpu.memref_squeeze %dma_start3A_322 : memref<1x1024xi32, #tpu.memory_space<hbm>> -> memref<1024xi32, #tpu.memory_space<hbm>>
      %dma_start3A_324 = tpu.memref_slice %arg4[%dma_start3A_321, %add3A_310] : memref<3x200000xi32, #tpu.memory_space<hbm>> -> memref<1x1024xi32, #tpu.memory_space<hbm>>
      %dma_start3A_325 = tpu.memref_squeeze %dma_start3A_324 : memref<1x1024xi32, #tpu.memory_space<hbm>> -> memref<1024xi32, #tpu.memory_space<hbm>>
      tpu.enqueue_dma source(%dma_start3A_325 : memref<1024xi32, #tpu.memory_space<hbm>>) target(%arg9 : memref<1024xi32, #tpu.memory_space<vmem>>) target_semaphore(%arg27 : memref<!tpu.dma_semaphore, #tpu.memory_space<semaphore_mem>>)
      %dma_wait3A_326 = arith.constant 0 : i32
      %dma_wait3A_327 = arith.constant 0 : i32
      %dma_wait3A_328 = tpu.memref_slice %arg2[%dma_wait3A_326, %dma_wait3A_327] : memref<100352x8xf32, #tpu.memory_space<hbm>> -> memref<100352x8xf32, #tpu.memory_space<hbm>>
      tpu.wait_indirect_dma semaphore(%arg30 : memref<!tpu.dma_semaphore, #tpu.memory_space<semaphore_mem>>) src(%dma_wait3A_328 : memref<100352x8xf32, #tpu.memory_space<hbm>>) dst(%arg16 : memref<1024x8xf32, #tpu.memory_space<vmem>>)
      %dma_start3A_329 = arith.constant 0 : i32
      %dma_start3A_330 = arith.constant 0 : i32
      %dma_start3A_331 = tpu.memref_slice %arg6[%dma_start3A_329, %dma_start3A_330] : memref<100352x8xf32, #tpu.memory_space<vmem_shared>> -> memref<100352x8xf32, #tpu.memory_space<vmem_shared>>
      tpu.enqueue_indirect_dma source(%arg16 : memref<1024x8xf32, #tpu.memory_space<vmem>>) target(%dma_start3A_331 : memref<100352x8xf32, #tpu.memory_space<vmem_shared>>) offsets(%arg11 : memref<1024xi32, #tpu.memory_space<vmem>>) semaphore(%arg32 : memref<!tpu.dma_semaphore, #tpu.memory_space<semaphore_mem>>) {add = true}
      %dma_start3A_332 = arith.constant 0 : i32
      %dma_start3A_333 = arith.constant 0 : i32
      %dma_start3A_334 = tpu.memref_slice %arg6[%dma_start3A_332, %dma_start3A_333] : memref<100352x8xf32, #tpu.memory_space<vmem_shared>> -> memref<100352x8xf32, #tpu.memory_space<vmem_shared>>
      tpu.enqueue_indirect_dma source(%arg16 : memref<1024x8xf32, #tpu.memory_space<vmem>>) target(%dma_start3A_334 : memref<100352x8xf32, #tpu.memory_space<vmem_shared>>) offsets(%arg12 : memref<1024xi32, #tpu.memory_space<vmem>>) semaphore(%arg32 : memref<!tpu.dma_semaphore, #tpu.memory_space<semaphore_mem>>) {add = true}
      %dma_wait3A_335 = arith.constant 0 : i32
      %dma_wait3A_336 = arith.constant 0 : i32
      %dma_wait3A_337 = tpu.memref_slice %arg2[%dma_wait3A_335, %dma_wait3A_336] : memref<100352x8xf32, #tpu.memory_space<hbm>> -> memref<100352x8xf32, #tpu.memory_space<hbm>>
      tpu.wait_indirect_dma semaphore(%arg30 : memref<!tpu.dma_semaphore, #tpu.memory_space<semaphore_mem>>) src(%dma_wait3A_337 : memref<100352x8xf32, #tpu.memory_space<hbm>>) dst(%arg17 : memref<1024x8xf32, #tpu.memory_space<vmem>>)
      %dma_start3A_338 = arith.constant 0 : i32
      %dma_start3A_339 = arith.constant 0 : i32
      %dma_start3A_340 = tpu.memref_slice %arg6[%dma_start3A_338, %dma_start3A_339] : memref<100352x8xf32, #tpu.memory_space<vmem_shared>> -> memref<100352x8xf32, #tpu.memory_space<vmem_shared>>
      tpu.enqueue_indirect_dma source(%arg17 : memref<1024x8xf32, #tpu.memory_space<vmem>>) target(%dma_start3A_340 : memref<100352x8xf32, #tpu.memory_space<vmem_shared>>) offsets(%arg10 : memref<1024xi32, #tpu.memory_space<vmem>>) semaphore(%arg32 : memref<!tpu.dma_semaphore, #tpu.memory_space<semaphore_mem>>) {add = true}
      %dma_start3A_341 = arith.constant 0 : i32
      %dma_start3A_342 = arith.constant 0 : i32
      %dma_start3A_343 = tpu.memref_slice %arg6[%dma_start3A_341, %dma_start3A_342] : memref<100352x8xf32, #tpu.memory_space<vmem_shared>> -> memref<100352x8xf32, #tpu.memory_space<vmem_shared>>
      tpu.enqueue_indirect_dma source(%arg17 : memref<1024x8xf32, #tpu.memory_space<vmem>>) target(%dma_start3A_343 : memref<100352x8xf32, #tpu.memory_space<vmem_shared>>) offsets(%arg12 : memref<1024xi32, #tpu.memory_space<vmem>>) semaphore(%arg32 : memref<!tpu.dma_semaphore, #tpu.memory_space<semaphore_mem>>) {add = true}
      %dma_wait3A_344 = arith.constant 0 : i32
      %dma_wait3A_345 = arith.constant 0 : i32
      %dma_wait3A_346 = tpu.memref_slice %arg2[%dma_wait3A_344, %dma_wait3A_345] : memref<100352x8xf32, #tpu.memory_space<hbm>> -> memref<100352x8xf32, #tpu.memory_space<hbm>>
      tpu.wait_indirect_dma semaphore(%arg30 : memref<!tpu.dma_semaphore, #tpu.memory_space<semaphore_mem>>) src(%dma_wait3A_346 : memref<100352x8xf32, #tpu.memory_space<hbm>>) dst(%arg18 : memref<1024x8xf32, #tpu.memory_space<vmem>>)
      %dma_start3A_347 = arith.constant 0 : i32
      %dma_start3A_348 = arith.constant 0 : i32
      %dma_start3A_349 = tpu.memref_slice %arg6[%dma_start3A_347, %dma_start3A_348] : memref<100352x8xf32, #tpu.memory_space<vmem_shared>> -> memref<100352x8xf32, #tpu.memory_space<vmem_shared>>
      tpu.enqueue_indirect_dma source(%arg18 : memref<1024x8xf32, #tpu.memory_space<vmem>>) target(%dma_start3A_349 : memref<100352x8xf32, #tpu.memory_space<vmem_shared>>) offsets(%arg11 : memref<1024xi32, #tpu.memory_space<vmem>>) semaphore(%arg32 : memref<!tpu.dma_semaphore, #tpu.memory_space<semaphore_mem>>) {add = true}
      %dma_start3A_350 = arith.constant 0 : i32
      %dma_start3A_351 = arith.constant 0 : i32
      %dma_start3A_352 = tpu.memref_slice %arg6[%dma_start3A_350, %dma_start3A_351] : memref<100352x8xf32, #tpu.memory_space<vmem_shared>> -> memref<100352x8xf32, #tpu.memory_space<vmem_shared>>
      tpu.enqueue_indirect_dma source(%arg18 : memref<1024x8xf32, #tpu.memory_space<vmem>>) target(%dma_start3A_352 : memref<100352x8xf32, #tpu.memory_space<vmem_shared>>) offsets(%arg10 : memref<1024xi32, #tpu.memory_space<vmem>>) semaphore(%arg32 : memref<!tpu.dma_semaphore, #tpu.memory_space<semaphore_mem>>) {add = true}
      %dma_wait3A_353 = arith.constant 0 : i32
      %dma_wait3A_354 = tpu.memref_slice %arg4[%dma_wait3A_353, %add3A_310] : memref<3x200000xi32, #tpu.memory_space<hbm>> -> memref<1x1024xi32, #tpu.memory_space<hbm>>
      %dma_wait3A_355 = tpu.memref_squeeze %dma_wait3A_354 : memref<1x1024xi32, #tpu.memory_space<hbm>> -> memref<1024xi32, #tpu.memory_space<hbm>>
      %dma_wait3A_356 = tpu.memref_slice %arg4[%dma_wait3A_353, %add3A_310] : memref<3x200000xi32, #tpu.memory_space<hbm>> -> memref<1x1024xi32, #tpu.memory_space<hbm>>
      %dma_wait3A_357 = tpu.memref_squeeze %dma_wait3A_356 : memref<1x1024xi32, #tpu.memory_space<hbm>> -> memref<1024xi32, #tpu.memory_space<hbm>>
      tpu.wait_dma2 semaphore(%arg27 : memref<!tpu.dma_semaphore, #tpu.memory_space<semaphore_mem>>) src(%dma_wait3A_357 : memref<1024xi32, #tpu.memory_space<hbm>>) dst(%arg7 : memref<1024xi32, #tpu.memory_space<vmem>>)
      %dma_wait3A_358 = arith.constant 1 : i32
      %dma_wait3A_359 = tpu.memref_slice %arg4[%dma_wait3A_358, %add3A_310] : memref<3x200000xi32, #tpu.memory_space<hbm>> -> memref<1x1024xi32, #tpu.memory_space<hbm>>
      %dma_wait3A_360 = tpu.memref_squeeze %dma_wait3A_359 : memref<1x1024xi32, #tpu.memory_space<hbm>> -> memref<1024xi32, #tpu.memory_space<hbm>>
      %dma_wait3A_361 = tpu.memref_slice %arg4[%dma_wait3A_358, %add3A_310] : memref<3x200000xi32, #tpu.memory_space<hbm>> -> memref<1x1024xi32, #tpu.memory_space<hbm>>
      %dma_wait3A_362 = tpu.memref_squeeze %dma_wait3A_361 : memref<1x1024xi32, #tpu.memory_space<hbm>> -> memref<1024xi32, #tpu.memory_space<hbm>>
      tpu.wait_dma2 semaphore(%arg27 : memref<!tpu.dma_semaphore, #tpu.memory_space<semaphore_mem>>) src(%dma_wait3A_362 : memref<1024xi32, #tpu.memory_space<hbm>>) dst(%arg8 : memref<1024xi32, #tpu.memory_space<vmem>>)
      %dma_wait3A_363 = arith.constant 2 : i32
      %dma_wait3A_364 = tpu.memref_slice %arg4[%dma_wait3A_363, %add3A_310] : memref<3x200000xi32, #tpu.memory_space<hbm>> -> memref<1x1024xi32, #tpu.memory_space<hbm>>
      %dma_wait3A_365 = tpu.memref_squeeze %dma_wait3A_364 : memref<1x1024xi32, #tpu.memory_space<hbm>> -> memref<1024xi32, #tpu.memory_space<hbm>>
      %dma_wait3A_366 = tpu.memref_slice %arg4[%dma_wait3A_363, %add3A_310] : memref<3x200000xi32, #tpu.memory_space<hbm>> -> memref<1x1024xi32, #tpu.memory_space<hbm>>
      %dma_wait3A_367 = tpu.memref_squeeze %dma_wait3A_366 : memref<1x1024xi32, #tpu.memory_space<hbm>> -> memref<1024xi32, #tpu.memory_space<hbm>>
      tpu.wait_dma2 semaphore(%arg27 : memref<!tpu.dma_semaphore, #tpu.memory_space<semaphore_mem>>) src(%dma_wait3A_367 : memref<1024xi32, #tpu.memory_space<hbm>>) dst(%arg9 : memref<1024xi32, #tpu.memory_space<vmem>>)
      %dma_start3A_368 = arith.constant 0 : i32
      %dma_start3A_369 = arith.constant 0 : i32
      %dma_start3A_370 = tpu.memref_slice %arg2[%dma_start3A_368, %dma_start3A_369] : memref<100352x8xf32, #tpu.memory_space<hbm>> -> memref<100352x8xf32, #tpu.memory_space<hbm>>
      tpu.enqueue_indirect_dma source(%dma_start3A_370 : memref<100352x8xf32, #tpu.memory_space<hbm>>) target(%arg13 : memref<1024x8xf32, #tpu.memory_space<vmem>>) offsets(%arg7 : memref<1024xi32, #tpu.memory_space<vmem>>) semaphore(%arg29 : memref<!tpu.dma_semaphore, #tpu.memory_space<semaphore_mem>>)
      %dma_start3A_371 = arith.constant 0 : i32
      %dma_start3A_372 = arith.constant 0 : i32
      %dma_start3A_373 = tpu.memref_slice %arg2[%dma_start3A_371, %dma_start3A_372] : memref<100352x8xf32, #tpu.memory_space<hbm>> -> memref<100352x8xf32, #tpu.memory_space<hbm>>
      tpu.enqueue_indirect_dma source(%dma_start3A_373 : memref<100352x8xf32, #tpu.memory_space<hbm>>) target(%arg14 : memref<1024x8xf32, #tpu.memory_space<vmem>>) offsets(%arg8 : memref<1024xi32, #tpu.memory_space<vmem>>) semaphore(%arg29 : memref<!tpu.dma_semaphore, #tpu.memory_space<semaphore_mem>>)
      %dma_start3A_374 = arith.constant 0 : i32
      %dma_start3A_375 = arith.constant 0 : i32
      %dma_start3A_376 = tpu.memref_slice %arg2[%dma_start3A_374, %dma_start3A_375] : memref<100352x8xf32, #tpu.memory_space<hbm>> -> memref<100352x8xf32, #tpu.memory_space<hbm>>
      tpu.enqueue_indirect_dma source(%dma_start3A_376 : memref<100352x8xf32, #tpu.memory_space<hbm>>) target(%arg15 : memref<1024x8xf32, #tpu.memory_space<vmem>>) offsets(%arg9 : memref<1024xi32, #tpu.memory_space<vmem>>) semaphore(%arg29 : memref<!tpu.dma_semaphore, #tpu.memory_space<semaphore_mem>>)
      %dma_wait3A_377 = arith.constant 0 : i32
      %dma_wait3A_378 = arith.constant 0 : i32
      %dma_wait3A_379 = tpu.memref_slice %arg2[%dma_wait3A_377, %dma_wait3A_378] : memref<100352x8xf32, #tpu.memory_space<hbm>> -> memref<100352x8xf32, #tpu.memory_space<hbm>>
      tpu.wait_indirect_dma semaphore(%arg29 : memref<!tpu.dma_semaphore, #tpu.memory_space<semaphore_mem>>) src(%dma_wait3A_379 : memref<100352x8xf32, #tpu.memory_space<hbm>>) dst(%arg13 : memref<1024x8xf32, #tpu.memory_space<vmem>>)
      %dma_start3A_380 = arith.constant 0 : i32
      %dma_start3A_381 = arith.constant 0 : i32
      %dma_start3A_382 = tpu.memref_slice %arg6[%dma_start3A_380, %dma_start3A_381] : memref<100352x8xf32, #tpu.memory_space<vmem_shared>> -> memref<100352x8xf32, #tpu.memory_space<vmem_shared>>
      tpu.enqueue_indirect_dma source(%arg13 : memref<1024x8xf32, #tpu.memory_space<vmem>>) target(%dma_start3A_382 : memref<100352x8xf32, #tpu.memory_space<vmem_shared>>) offsets(%arg8 : memref<1024xi32, #tpu.memory_space<vmem>>) semaphore(%arg31 : memref<!tpu.dma_semaphore, #tpu.memory_space<semaphore_mem>>) {add = true}
      %dma_start3A_383 = arith.constant 0 : i32
      %dma_start3A_384 = arith.constant 0 : i32
      %dma_start3A_385 = tpu.memref_slice %arg6[%dma_start3A_383, %dma_start3A_384] : memref<100352x8xf32, #tpu.memory_space<vmem_shared>> -> memref<100352x8xf32, #tpu.memory_space<vmem_shared>>
      tpu.enqueue_indirect_dma source(%arg13 : memref<1024x8xf32, #tpu.memory_space<vmem>>) target(%dma_start3A_385 : memref<100352x8xf32, #tpu.memory_space<vmem_shared>>) offsets(%arg9 : memref<1024xi32, #tpu.memory_space<vmem>>) semaphore(%arg31 : memref<!tpu.dma_semaphore, #tpu.memory_space<semaphore_mem>>) {add = true}
      %dma_wait3A_386 = arith.constant 0 : i32
      %dma_wait3A_387 = arith.constant 0 : i32
      %dma_wait3A_388 = tpu.memref_slice %arg2[%dma_wait3A_386, %dma_wait3A_387] : memref<100352x8xf32, #tpu.memory_space<hbm>> -> memref<100352x8xf32, #tpu.memory_space<hbm>>
      tpu.wait_indirect_dma semaphore(%arg29 : memref<!tpu.dma_semaphore, #tpu.memory_space<semaphore_mem>>) src(%dma_wait3A_388 : memref<100352x8xf32, #tpu.memory_space<hbm>>) dst(%arg14 : memref<1024x8xf32, #tpu.memory_space<vmem>>)
      %dma_start3A_389 = arith.constant 0 : i32
      %dma_start3A_390 = arith.constant 0 : i32
      %dma_start3A_391 = tpu.memref_slice %arg6[%dma_start3A_389, %dma_start3A_390] : memref<100352x8xf32, #tpu.memory_space<vmem_shared>> -> memref<100352x8xf32, #tpu.memory_space<vmem_shared>>
      tpu.enqueue_indirect_dma source(%arg14 : memref<1024x8xf32, #tpu.memory_space<vmem>>) target(%dma_start3A_391 : memref<100352x8xf32, #tpu.memory_space<vmem_shared>>) offsets(%arg7 : memref<1024xi32, #tpu.memory_space<vmem>>) semaphore(%arg31 : memref<!tpu.dma_semaphore, #tpu.memory_space<semaphore_mem>>) {add = true}
      %dma_start3A_392 = arith.constant 0 : i32
      %dma_start3A_393 = arith.constant 0 : i32
      %dma_start3A_394 = tpu.memref_slice %arg6[%dma_start3A_392, %dma_start3A_393] : memref<100352x8xf32, #tpu.memory_space<vmem_shared>> -> memref<100352x8xf32, #tpu.memory_space<vmem_shared>>
      tpu.enqueue_indirect_dma source(%arg14 : memref<1024x8xf32, #tpu.memory_space<vmem>>) target(%dma_start3A_394 : memref<100352x8xf32, #tpu.memory_space<vmem_shared>>) offsets(%arg9 : memref<1024xi32, #tpu.memory_space<vmem>>) semaphore(%arg31 : memref<!tpu.dma_semaphore, #tpu.memory_space<semaphore_mem>>) {add = true}
      %dma_wait3A_395 = arith.constant 0 : i32
      %dma_wait3A_396 = arith.constant 0 : i32
      %dma_wait3A_397 = tpu.memref_slice %arg2[%dma_wait3A_395, %dma_wait3A_396] : memref<100352x8xf32, #tpu.memory_space<hbm>> -> memref<100352x8xf32, #tpu.memory_space<hbm>>
      tpu.wait_indirect_dma semaphore(%arg29 : memref<!tpu.dma_semaphore, #tpu.memory_space<semaphore_mem>>) src(%dma_wait3A_397 : memref<100352x8xf32, #tpu.memory_space<hbm>>) dst(%arg15 : memref<1024x8xf32, #tpu.memory_space<vmem>>)
      %dma_start3A_398 = arith.constant 0 : i32
      %dma_start3A_399 = arith.constant 0 : i32
      %dma_start3A_400 = tpu.memref_slice %arg6[%dma_start3A_398, %dma_start3A_399] : memref<100352x8xf32, #tpu.memory_space<vmem_shared>> -> memref<100352x8xf32, #tpu.memory_space<vmem_shared>>
      tpu.enqueue_indirect_dma source(%arg15 : memref<1024x8xf32, #tpu.memory_space<vmem>>) target(%dma_start3A_400 : memref<100352x8xf32, #tpu.memory_space<vmem_shared>>) offsets(%arg8 : memref<1024xi32, #tpu.memory_space<vmem>>) semaphore(%arg31 : memref<!tpu.dma_semaphore, #tpu.memory_space<semaphore_mem>>) {add = true}
      %dma_start3A_401 = arith.constant 0 : i32
      %dma_start3A_402 = arith.constant 0 : i32
      %dma_start3A_403 = tpu.memref_slice %arg6[%dma_start3A_401, %dma_start3A_402] : memref<100352x8xf32, #tpu.memory_space<vmem_shared>> -> memref<100352x8xf32, #tpu.memory_space<vmem_shared>>
      tpu.enqueue_indirect_dma source(%arg15 : memref<1024x8xf32, #tpu.memory_space<vmem>>) target(%dma_start3A_403 : memref<100352x8xf32, #tpu.memory_space<vmem_shared>>) offsets(%arg7 : memref<1024xi32, #tpu.memory_space<vmem>>) semaphore(%arg31 : memref<!tpu.dma_semaphore, #tpu.memory_space<semaphore_mem>>) {add = true}
      %dma_wait3A_404 = arith.constant 0 : i32
      %dma_wait3A_405 = arith.constant 0 : i32
      %dma_wait3A_406 = tpu.memref_slice %arg6[%dma_wait3A_404, %dma_wait3A_405] : memref<100352x8xf32, #tpu.memory_space<vmem_shared>> -> memref<100352x8xf32, #tpu.memory_space<vmem_shared>>
      tpu.wait_indirect_dma semaphore(%arg32 : memref<!tpu.dma_semaphore, #tpu.memory_space<semaphore_mem>>) src(%arg16 : memref<1024x8xf32, #tpu.memory_space<vmem>>) dst(%dma_wait3A_406 : memref<100352x8xf32, #tpu.memory_space<vmem_shared>>)
      %dma_wait3A_407 = arith.constant 0 : i32
      %dma_wait3A_408 = arith.constant 0 : i32
      %dma_wait3A_409 = tpu.memref_slice %arg6[%dma_wait3A_407, %dma_wait3A_408] : memref<100352x8xf32, #tpu.memory_space<vmem_shared>> -> memref<100352x8xf32, #tpu.memory_space<vmem_shared>>
      tpu.wait_indirect_dma semaphore(%arg32 : memref<!tpu.dma_semaphore, #tpu.memory_space<semaphore_mem>>) src(%arg16 : memref<1024x8xf32, #tpu.memory_space<vmem>>) dst(%dma_wait3A_409 : memref<100352x8xf32, #tpu.memory_space<vmem_shared>>)
      %dma_wait3A_410 = arith.constant 0 : i32
      %dma_wait3A_411 = arith.constant 0 : i32
      %dma_wait3A_412 = tpu.memref_slice %arg6[%dma_wait3A_410, %dma_wait3A_411] : memref<100352x8xf32, #tpu.memory_space<vmem_shared>> -> memref<100352x8xf32, #tpu.memory_space<vmem_shared>>
      tpu.wait_indirect_dma semaphore(%arg32 : memref<!tpu.dma_semaphore, #tpu.memory_space<semaphore_mem>>) src(%arg17 : memref<1024x8xf32, #tpu.memory_space<vmem>>) dst(%dma_wait3A_412 : memref<100352x8xf32, #tpu.memory_space<vmem_shared>>)
      %dma_wait3A_413 = arith.constant 0 : i32
      %dma_wait3A_414 = arith.constant 0 : i32
      %dma_wait3A_415 = tpu.memref_slice %arg6[%dma_wait3A_413, %dma_wait3A_414] : memref<100352x8xf32, #tpu.memory_space<vmem_shared>> -> memref<100352x8xf32, #tpu.memory_space<vmem_shared>>
      tpu.wait_indirect_dma semaphore(%arg32 : memref<!tpu.dma_semaphore, #tpu.memory_space<semaphore_mem>>) src(%arg17 : memref<1024x8xf32, #tpu.memory_space<vmem>>) dst(%dma_wait3A_415 : memref<100352x8xf32, #tpu.memory_space<vmem_shared>>)
      %dma_wait3A_416 = arith.constant 0 : i32
      %dma_wait3A_417 = arith.constant 0 : i32
      %dma_wait3A_418 = tpu.memref_slice %arg6[%dma_wait3A_416, %dma_wait3A_417] : memref<100352x8xf32, #tpu.memory_space<vmem_shared>> -> memref<100352x8xf32, #tpu.memory_space<vmem_shared>>
      tpu.wait_indirect_dma semaphore(%arg32 : memref<!tpu.dma_semaphore, #tpu.memory_space<semaphore_mem>>) src(%arg18 : memref<1024x8xf32, #tpu.memory_space<vmem>>) dst(%dma_wait3A_418 : memref<100352x8xf32, #tpu.memory_space<vmem_shared>>)
      %dma_wait3A_419 = arith.constant 0 : i32
      %dma_wait3A_420 = arith.constant 0 : i32
      %dma_wait3A_421 = tpu.memref_slice %arg6[%dma_wait3A_419, %dma_wait3A_420] : memref<100352x8xf32, #tpu.memory_space<vmem_shared>> -> memref<100352x8xf32, #tpu.memory_space<vmem_shared>>
      tpu.wait_indirect_dma semaphore(%arg32 : memref<!tpu.dma_semaphore, #tpu.memory_space<semaphore_mem>>) src(%arg18 : memref<1024x8xf32, #tpu.memory_space<vmem>>) dst(%dma_wait3A_421 : memref<100352x8xf32, #tpu.memory_space<vmem_shared>>)
      %dma_wait3A_422 = arith.constant 0 : i32
      %dma_wait3A_423 = arith.constant 0 : i32
      %dma_wait3A_424 = tpu.memref_slice %arg6[%dma_wait3A_422, %dma_wait3A_423] : memref<100352x8xf32, #tpu.memory_space<vmem_shared>> -> memref<100352x8xf32, #tpu.memory_space<vmem_shared>>
      tpu.wait_indirect_dma semaphore(%arg31 : memref<!tpu.dma_semaphore, #tpu.memory_space<semaphore_mem>>) src(%arg13 : memref<1024x8xf32, #tpu.memory_space<vmem>>) dst(%dma_wait3A_424 : memref<100352x8xf32, #tpu.memory_space<vmem_shared>>)
      %dma_wait3A_425 = arith.constant 0 : i32
      %dma_wait3A_426 = arith.constant 0 : i32
      %dma_wait3A_427 = tpu.memref_slice %arg6[%dma_wait3A_425, %dma_wait3A_426] : memref<100352x8xf32, #tpu.memory_space<vmem_shared>> -> memref<100352x8xf32, #tpu.memory_space<vmem_shared>>
      tpu.wait_indirect_dma semaphore(%arg31 : memref<!tpu.dma_semaphore, #tpu.memory_space<semaphore_mem>>) src(%arg13 : memref<1024x8xf32, #tpu.memory_space<vmem>>) dst(%dma_wait3A_427 : memref<100352x8xf32, #tpu.memory_space<vmem_shared>>)
      %dma_wait3A_428 = arith.constant 0 : i32
      %dma_wait3A_429 = arith.constant 0 : i32
      %dma_wait3A_430 = tpu.memref_slice %arg6[%dma_wait3A_428, %dma_wait3A_429] : memref<100352x8xf32, #tpu.memory_space<vmem_shared>> -> memref<100352x8xf32, #tpu.memory_space<vmem_shared>>
      tpu.wait_indirect_dma semaphore(%arg31 : memref<!tpu.dma_semaphore, #tpu.memory_space<semaphore_mem>>) src(%arg14 : memref<1024x8xf32, #tpu.memory_space<vmem>>) dst(%dma_wait3A_430 : memref<100352x8xf32, #tpu.memory_space<vmem_shared>>)
      %dma_wait3A_431 = arith.constant 0 : i32
      %dma_wait3A_432 = arith.constant 0 : i32
      %dma_wait3A_433 = tpu.memref_slice %arg6[%dma_wait3A_431, %dma_wait3A_432] : memref<100352x8xf32, #tpu.memory_space<vmem_shared>> -> memref<100352x8xf32, #tpu.memory_space<vmem_shared>>
      tpu.wait_indirect_dma semaphore(%arg31 : memref<!tpu.dma_semaphore, #tpu.memory_space<semaphore_mem>>) src(%arg14 : memref<1024x8xf32, #tpu.memory_space<vmem>>) dst(%dma_wait3A_433 : memref<100352x8xf32, #tpu.memory_space<vmem_shared>>)
      %dma_wait3A_434 = arith.constant 0 : i32
      %dma_wait3A_435 = arith.constant 0 : i32
      %dma_wait3A_436 = tpu.memref_slice %arg6[%dma_wait3A_434, %dma_wait3A_435] : memref<100352x8xf32, #tpu.memory_space<vmem_shared>> -> memref<100352x8xf32, #tpu.memory_space<vmem_shared>>
      tpu.wait_indirect_dma semaphore(%arg31 : memref<!tpu.dma_semaphore, #tpu.memory_space<semaphore_mem>>) src(%arg15 : memref<1024x8xf32, #tpu.memory_space<vmem>>) dst(%dma_wait3A_436 : memref<100352x8xf32, #tpu.memory_space<vmem_shared>>)
      %dma_wait3A_437 = arith.constant 0 : i32
      %dma_wait3A_438 = arith.constant 0 : i32
      %dma_wait3A_439 = tpu.memref_slice %arg6[%dma_wait3A_437, %dma_wait3A_438] : memref<100352x8xf32, #tpu.memory_space<vmem_shared>> -> memref<100352x8xf32, #tpu.memory_space<vmem_shared>>
      tpu.wait_indirect_dma semaphore(%arg31 : memref<!tpu.dma_semaphore, #tpu.memory_space<semaphore_mem>>) src(%arg15 : memref<1024x8xf32, #tpu.memory_space<vmem>>) dst(%dma_wait3A_439 : memref<100352x8xf32, #tpu.memory_space<vmem_shared>>)
      %add3A_440 = arith.constant 5120 : i32
      %add3A_441 = arith.addi %mul3A_4, %add3A_440 : i32
      %run_scoped3A = arith.constant 0 : i32
      "tpu.region"() ({
        %run_scoped3A_444 = tpu.sem_alloc : memref<!tpu.dma_semaphore, #tpu.memory_space<semaphore_mem>>
        %dma_start3A_445 = tpu.memref_slice %arg4[%run_scoped3A, %add3A_441] : memref<3x200000xi32, #tpu.memory_space<hbm>> -> memref<1x944xi32, #tpu.memory_space<hbm>>
        %dma_start3A_446 = tpu.memref_squeeze %dma_start3A_445 : memref<1x944xi32, #tpu.memory_space<hbm>> -> memref<944xi32, #tpu.memory_space<hbm>>
        %dma_start3A_447 = tpu.memref_slice %arg4[%run_scoped3A, %add3A_441] : memref<3x200000xi32, #tpu.memory_space<hbm>> -> memref<1x944xi32, #tpu.memory_space<hbm>>
        %dma_start3A_448 = tpu.memref_squeeze %dma_start3A_447 : memref<1x944xi32, #tpu.memory_space<hbm>> -> memref<944xi32, #tpu.memory_space<hbm>>
        tpu.enqueue_dma source(%dma_start3A_448 : memref<944xi32, #tpu.memory_space<hbm>>) target(%arg23 : memref<944xi32, #tpu.memory_space<vmem>>) target_semaphore(%run_scoped3A_444 : memref<!tpu.dma_semaphore, #tpu.memory_space<semaphore_mem>>)
        %dma_wait3A_449 = tpu.memref_slice %arg4[%run_scoped3A, %add3A_441] : memref<3x200000xi32, #tpu.memory_space<hbm>> -> memref<1x944xi32, #tpu.memory_space<hbm>>
        %dma_wait3A_450 = tpu.memref_squeeze %dma_wait3A_449 : memref<1x944xi32, #tpu.memory_space<hbm>> -> memref<944xi32, #tpu.memory_space<hbm>>
        %dma_wait3A_451 = tpu.memref_slice %arg4[%run_scoped3A, %add3A_441] : memref<3x200000xi32, #tpu.memory_space<hbm>> -> memref<1x944xi32, #tpu.memory_space<hbm>>
        %dma_wait3A_452 = tpu.memref_squeeze %dma_wait3A_451 : memref<1x944xi32, #tpu.memory_space<hbm>> -> memref<944xi32, #tpu.memory_space<hbm>>
        tpu.wait_dma2 semaphore(%run_scoped3A_444 : memref<!tpu.dma_semaphore, #tpu.memory_space<semaphore_mem>>) src(%dma_wait3A_452 : memref<944xi32, #tpu.memory_space<hbm>>) dst(%arg23 : memref<944xi32, #tpu.memory_space<vmem>>)
        tpu.yield
      }) : () -> ()
      %run_scoped3A_442 = arith.constant 1 : i32
      "tpu.region"() ({
        %run_scoped3A_444 = tpu.sem_alloc : memref<!tpu.dma_semaphore, #tpu.memory_space<semaphore_mem>>
        %dma_start3A_445 = tpu.memref_slice %arg4[%run_scoped3A_442, %add3A_441] : memref<3x200000xi32, #tpu.memory_space<hbm>> -> memref<1x944xi32, #tpu.memory_space<hbm>>
        %dma_start3A_446 = tpu.memref_squeeze %dma_start3A_445 : memref<1x944xi32, #tpu.memory_space<hbm>> -> memref<944xi32, #tpu.memory_space<hbm>>
        %dma_start3A_447 = tpu.memref_slice %arg4[%run_scoped3A_442, %add3A_441] : memref<3x200000xi32, #tpu.memory_space<hbm>> -> memref<1x944xi32, #tpu.memory_space<hbm>>
        %dma_start3A_448 = tpu.memref_squeeze %dma_start3A_447 : memref<1x944xi32, #tpu.memory_space<hbm>> -> memref<944xi32, #tpu.memory_space<hbm>>
        tpu.enqueue_dma source(%dma_start3A_448 : memref<944xi32, #tpu.memory_space<hbm>>) target(%arg24 : memref<944xi32, #tpu.memory_space<vmem>>) target_semaphore(%run_scoped3A_444 : memref<!tpu.dma_semaphore, #tpu.memory_space<semaphore_mem>>)
        %dma_wait3A_449 = tpu.memref_slice %arg4[%run_scoped3A_442, %add3A_441] : memref<3x200000xi32, #tpu.memory_space<hbm>> -> memref<1x944xi32, #tpu.memory_space<hbm>>
        %dma_wait3A_450 = tpu.memref_squeeze %dma_wait3A_449 : memref<1x944xi32, #tpu.memory_space<hbm>> -> memref<944xi32, #tpu.memory_space<hbm>>
        %dma_wait3A_451 = tpu.memref_slice %arg4[%run_scoped3A_442, %add3A_441] : memref<3x200000xi32, #tpu.memory_space<hbm>> -> memref<1x944xi32, #tpu.memory_space<hbm>>
        %dma_wait3A_452 = tpu.memref_squeeze %dma_wait3A_451 : memref<1x944xi32, #tpu.memory_space<hbm>> -> memref<944xi32, #tpu.memory_space<hbm>>
        tpu.wait_dma2 semaphore(%run_scoped3A_444 : memref<!tpu.dma_semaphore, #tpu.memory_space<semaphore_mem>>) src(%dma_wait3A_452 : memref<944xi32, #tpu.memory_space<hbm>>) dst(%arg24 : memref<944xi32, #tpu.memory_space<vmem>>)
        tpu.yield
      }) : () -> ()
      %run_scoped3A_443 = arith.constant 2 : i32
      "tpu.region"() ({
        %run_scoped3A_444 = tpu.sem_alloc : memref<!tpu.dma_semaphore, #tpu.memory_space<semaphore_mem>>
        %dma_start3A_445 = tpu.memref_slice %arg4[%run_scoped3A_443, %add3A_441] : memref<3x200000xi32, #tpu.memory_space<hbm>> -> memref<1x944xi32, #tpu.memory_space<hbm>>
        %dma_start3A_446 = tpu.memref_squeeze %dma_start3A_445 : memref<1x944xi32, #tpu.memory_space<hbm>> -> memref<944xi32, #tpu.memory_space<hbm>>
        %dma_start3A_447 = tpu.memref_slice %arg4[%run_scoped3A_443, %add3A_441] : memref<3x200000xi32, #tpu.memory_space<hbm>> -> memref<1x944xi32, #tpu.memory_space<hbm>>
        %dma_start3A_448 = tpu.memref_squeeze %dma_start3A_447 : memref<1x944xi32, #tpu.memory_space<hbm>> -> memref<944xi32, #tpu.memory_space<hbm>>
        tpu.enqueue_dma source(%dma_start3A_448 : memref<944xi32, #tpu.memory_space<hbm>>) target(%arg25 : memref<944xi32, #tpu.memory_space<vmem>>) target_semaphore(%run_scoped3A_444 : memref<!tpu.dma_semaphore, #tpu.memory_space<semaphore_mem>>)
        %dma_wait3A_449 = tpu.memref_slice %arg4[%run_scoped3A_443, %add3A_441] : memref<3x200000xi32, #tpu.memory_space<hbm>> -> memref<1x944xi32, #tpu.memory_space<hbm>>
        %dma_wait3A_450 = tpu.memref_squeeze %dma_wait3A_449 : memref<1x944xi32, #tpu.memory_space<hbm>> -> memref<944xi32, #tpu.memory_space<hbm>>
        %dma_wait3A_451 = tpu.memref_slice %arg4[%run_scoped3A_443, %add3A_441] : memref<3x200000xi32, #tpu.memory_space<hbm>> -> memref<1x944xi32, #tpu.memory_space<hbm>>
        %dma_wait3A_452 = tpu.memref_squeeze %dma_wait3A_451 : memref<1x944xi32, #tpu.memory_space<hbm>> -> memref<944xi32, #tpu.memory_space<hbm>>
        tpu.wait_dma2 semaphore(%run_scoped3A_444 : memref<!tpu.dma_semaphore, #tpu.memory_space<semaphore_mem>>) src(%dma_wait3A_452 : memref<944xi32, #tpu.memory_space<hbm>>) dst(%arg25 : memref<944xi32, #tpu.memory_space<vmem>>)
        tpu.yield
      }) : () -> ()
      "tpu.region"() ({
        %run_scoped3A_444 = tpu.sem_alloc : memref<!tpu.dma_semaphore, #tpu.memory_space<semaphore_mem>>
        %dma_start3A_445 = arith.constant 0 : i32
        %dma_start3A_446 = arith.constant 0 : i32
        %dma_start3A_447 = tpu.memref_slice %arg2[%dma_start3A_445, %dma_start3A_446] : memref<100352x8xf32, #tpu.memory_space<hbm>> -> memref<100352x8xf32, #tpu.memory_space<hbm>>
        tpu.enqueue_indirect_dma source(%dma_start3A_447 : memref<100352x8xf32, #tpu.memory_space<hbm>>) target(%arg26 : memref<944x8xf32, #tpu.memory_space<vmem>>) offsets(%arg23 : memref<944xi32, #tpu.memory_space<vmem>>) semaphore(%run_scoped3A_444 : memref<!tpu.dma_semaphore, #tpu.memory_space<semaphore_mem>>)
        %dma_wait3A_448 = arith.constant 0 : i32
        %dma_wait3A_449 = arith.constant 0 : i32
        %dma_wait3A_450 = tpu.memref_slice %arg2[%dma_wait3A_448, %dma_wait3A_449] : memref<100352x8xf32, #tpu.memory_space<hbm>> -> memref<100352x8xf32, #tpu.memory_space<hbm>>
        tpu.wait_indirect_dma semaphore(%run_scoped3A_444 : memref<!tpu.dma_semaphore, #tpu.memory_space<semaphore_mem>>) src(%dma_wait3A_450 : memref<100352x8xf32, #tpu.memory_space<hbm>>) dst(%arg26 : memref<944x8xf32, #tpu.memory_space<vmem>>)
        tpu.yield
      }) : () -> ()
      "tpu.region"() ({
        %run_scoped3A_444 = tpu.sem_alloc : memref<!tpu.dma_semaphore, #tpu.memory_space<semaphore_mem>>
        %dma_start3A_445 = arith.constant 0 : i32
        %dma_start3A_446 = arith.constant 0 : i32
        %dma_start3A_447 = tpu.memref_slice %arg6[%dma_start3A_445, %dma_start3A_446] : memref<100352x8xf32, #tpu.memory_space<vmem_shared>> -> memref<100352x8xf32, #tpu.memory_space<vmem_shared>>
        tpu.enqueue_indirect_dma source(%arg26 : memref<944x8xf32, #tpu.memory_space<vmem>>) target(%dma_start3A_447 : memref<100352x8xf32, #tpu.memory_space<vmem_shared>>) offsets(%arg24 : memref<944xi32, #tpu.memory_space<vmem>>) semaphore(%run_scoped3A_444 : memref<!tpu.dma_semaphore, #tpu.memory_space<semaphore_mem>>) {add = true}
        %dma_wait3A_448 = arith.constant 0 : i32
        %dma_wait3A_449 = arith.constant 0 : i32
        %dma_wait3A_450 = tpu.memref_slice %arg6[%dma_wait3A_448, %dma_wait3A_449] : memref<100352x8xf32, #tpu.memory_space<vmem_shared>> -> memref<100352x8xf32, #tpu.memory_space<vmem_shared>>
        tpu.wait_indirect_dma semaphore(%run_scoped3A_444 : memref<!tpu.dma_semaphore, #tpu.memory_space<semaphore_mem>>) src(%arg26 : memref<944x8xf32, #tpu.memory_space<vmem>>) dst(%dma_wait3A_450 : memref<100352x8xf32, #tpu.memory_space<vmem_shared>>)
        tpu.yield
      }) : () -> ()
      "tpu.region"() ({
        %run_scoped3A_444 = tpu.sem_alloc : memref<!tpu.dma_semaphore, #tpu.memory_space<semaphore_mem>>
        %dma_start3A_445 = arith.constant 0 : i32
        %dma_start3A_446 = arith.constant 0 : i32
        %dma_start3A_447 = tpu.memref_slice %arg6[%dma_start3A_445, %dma_start3A_446] : memref<100352x8xf32, #tpu.memory_space<vmem_shared>> -> memref<100352x8xf32, #tpu.memory_space<vmem_shared>>
        tpu.enqueue_indirect_dma source(%arg26 : memref<944x8xf32, #tpu.memory_space<vmem>>) target(%dma_start3A_447 : memref<100352x8xf32, #tpu.memory_space<vmem_shared>>) offsets(%arg25 : memref<944xi32, #tpu.memory_space<vmem>>) semaphore(%run_scoped3A_444 : memref<!tpu.dma_semaphore, #tpu.memory_space<semaphore_mem>>) {add = true}
        %dma_wait3A_448 = arith.constant 0 : i32
        %dma_wait3A_449 = arith.constant 0 : i32
        %dma_wait3A_450 = tpu.memref_slice %arg6[%dma_wait3A_448, %dma_wait3A_449] : memref<100352x8xf32, #tpu.memory_space<vmem_shared>> -> memref<100352x8xf32, #tpu.memory_space<vmem_shared>>
        tpu.wait_indirect_dma semaphore(%run_scoped3A_444 : memref<!tpu.dma_semaphore, #tpu.memory_space<semaphore_mem>>) src(%arg26 : memref<944x8xf32, #tpu.memory_space<vmem>>) dst(%dma_wait3A_450 : memref<100352x8xf32, #tpu.memory_space<vmem_shared>>)
        tpu.yield
      }) : () -> ()
      "tpu.region"() ({
        %run_scoped3A_444 = tpu.sem_alloc : memref<!tpu.dma_semaphore, #tpu.memory_space<semaphore_mem>>
        %dma_start3A_445 = arith.constant 0 : i32
        %dma_start3A_446 = arith.constant 0 : i32
        %dma_start3A_447 = tpu.memref_slice %arg2[%dma_start3A_445, %dma_start3A_446] : memref<100352x8xf32, #tpu.memory_space<hbm>> -> memref<100352x8xf32, #tpu.memory_space<hbm>>
        tpu.enqueue_indirect_dma source(%dma_start3A_447 : memref<100352x8xf32, #tpu.memory_space<hbm>>) target(%arg26 : memref<944x8xf32, #tpu.memory_space<vmem>>) offsets(%arg24 : memref<944xi32, #tpu.memory_space<vmem>>) semaphore(%run_scoped3A_444 : memref<!tpu.dma_semaphore, #tpu.memory_space<semaphore_mem>>)
        %dma_wait3A_448 = arith.constant 0 : i32
        %dma_wait3A_449 = arith.constant 0 : i32
        %dma_wait3A_450 = tpu.memref_slice %arg2[%dma_wait3A_448, %dma_wait3A_449] : memref<100352x8xf32, #tpu.memory_space<hbm>> -> memref<100352x8xf32, #tpu.memory_space<hbm>>
        tpu.wait_indirect_dma semaphore(%run_scoped3A_444 : memref<!tpu.dma_semaphore, #tpu.memory_space<semaphore_mem>>) src(%dma_wait3A_450 : memref<100352x8xf32, #tpu.memory_space<hbm>>) dst(%arg26 : memref<944x8xf32, #tpu.memory_space<vmem>>)
        tpu.yield
      }) : () -> ()
      "tpu.region"() ({
        %run_scoped3A_444 = tpu.sem_alloc : memref<!tpu.dma_semaphore, #tpu.memory_space<semaphore_mem>>
        %dma_start3A_445 = arith.constant 0 : i32
        %dma_start3A_446 = arith.constant 0 : i32
        %dma_start3A_447 = tpu.memref_slice %arg6[%dma_start3A_445, %dma_start3A_446] : memref<100352x8xf32, #tpu.memory_space<vmem_shared>> -> memref<100352x8xf32, #tpu.memory_space<vmem_shared>>
        tpu.enqueue_indirect_dma source(%arg26 : memref<944x8xf32, #tpu.memory_space<vmem>>) target(%dma_start3A_447 : memref<100352x8xf32, #tpu.memory_space<vmem_shared>>) offsets(%arg23 : memref<944xi32, #tpu.memory_space<vmem>>) semaphore(%run_scoped3A_444 : memref<!tpu.dma_semaphore, #tpu.memory_space<semaphore_mem>>) {add = true}
        %dma_wait3A_448 = arith.constant 0 : i32
        %dma_wait3A_449 = arith.constant 0 : i32
        %dma_wait3A_450 = tpu.memref_slice %arg6[%dma_wait3A_448, %dma_wait3A_449] : memref<100352x8xf32, #tpu.memory_space<vmem_shared>> -> memref<100352x8xf32, #tpu.memory_space<vmem_shared>>
        tpu.wait_indirect_dma semaphore(%run_scoped3A_444 : memref<!tpu.dma_semaphore, #tpu.memory_space<semaphore_mem>>) src(%arg26 : memref<944x8xf32, #tpu.memory_space<vmem>>) dst(%dma_wait3A_450 : memref<100352x8xf32, #tpu.memory_space<vmem_shared>>)
        tpu.yield
      }) : () -> ()
      "tpu.region"() ({
        %run_scoped3A_444 = tpu.sem_alloc : memref<!tpu.dma_semaphore, #tpu.memory_space<semaphore_mem>>
        %dma_start3A_445 = arith.constant 0 : i32
        %dma_start3A_446 = arith.constant 0 : i32
        %dma_start3A_447 = tpu.memref_slice %arg6[%dma_start3A_445, %dma_start3A_446] : memref<100352x8xf32, #tpu.memory_space<vmem_shared>> -> memref<100352x8xf32, #tpu.memory_space<vmem_shared>>
        tpu.enqueue_indirect_dma source(%arg26 : memref<944x8xf32, #tpu.memory_space<vmem>>) target(%dma_start3A_447 : memref<100352x8xf32, #tpu.memory_space<vmem_shared>>) offsets(%arg25 : memref<944xi32, #tpu.memory_space<vmem>>) semaphore(%run_scoped3A_444 : memref<!tpu.dma_semaphore, #tpu.memory_space<semaphore_mem>>) {add = true}
        %dma_wait3A_448 = arith.constant 0 : i32
        %dma_wait3A_449 = arith.constant 0 : i32
        %dma_wait3A_450 = tpu.memref_slice %arg6[%dma_wait3A_448, %dma_wait3A_449] : memref<100352x8xf32, #tpu.memory_space<vmem_shared>> -> memref<100352x8xf32, #tpu.memory_space<vmem_shared>>
        tpu.wait_indirect_dma semaphore(%run_scoped3A_444 : memref<!tpu.dma_semaphore, #tpu.memory_space<semaphore_mem>>) src(%arg26 : memref<944x8xf32, #tpu.memory_space<vmem>>) dst(%dma_wait3A_450 : memref<100352x8xf32, #tpu.memory_space<vmem_shared>>)
        tpu.yield
      }) : () -> ()
      "tpu.region"() ({
        %run_scoped3A_444 = tpu.sem_alloc : memref<!tpu.dma_semaphore, #tpu.memory_space<semaphore_mem>>
        %dma_start3A_445 = arith.constant 0 : i32
        %dma_start3A_446 = arith.constant 0 : i32
        %dma_start3A_447 = tpu.memref_slice %arg2[%dma_start3A_445, %dma_start3A_446] : memref<100352x8xf32, #tpu.memory_space<hbm>> -> memref<100352x8xf32, #tpu.memory_space<hbm>>
        tpu.enqueue_indirect_dma source(%dma_start3A_447 : memref<100352x8xf32, #tpu.memory_space<hbm>>) target(%arg26 : memref<944x8xf32, #tpu.memory_space<vmem>>) offsets(%arg25 : memref<944xi32, #tpu.memory_space<vmem>>) semaphore(%run_scoped3A_444 : memref<!tpu.dma_semaphore, #tpu.memory_space<semaphore_mem>>)
        %dma_wait3A_448 = arith.constant 0 : i32
        %dma_wait3A_449 = arith.constant 0 : i32
        %dma_wait3A_450 = tpu.memref_slice %arg2[%dma_wait3A_448, %dma_wait3A_449] : memref<100352x8xf32, #tpu.memory_space<hbm>> -> memref<100352x8xf32, #tpu.memory_space<hbm>>
        tpu.wait_indirect_dma semaphore(%run_scoped3A_444 : memref<!tpu.dma_semaphore, #tpu.memory_space<semaphore_mem>>) src(%dma_wait3A_450 : memref<100352x8xf32, #tpu.memory_space<hbm>>) dst(%arg26 : memref<944x8xf32, #tpu.memory_space<vmem>>)
        tpu.yield
      }) : () -> ()
      "tpu.region"() ({
        %run_scoped3A_444 = tpu.sem_alloc : memref<!tpu.dma_semaphore, #tpu.memory_space<semaphore_mem>>
        %dma_start3A_445 = arith.constant 0 : i32
        %dma_start3A_446 = arith.constant 0 : i32
        %dma_start3A_447 = tpu.memref_slice %arg6[%dma_start3A_445, %dma_start3A_446] : memref<100352x8xf32, #tpu.memory_space<vmem_shared>> -> memref<100352x8xf32, #tpu.memory_space<vmem_shared>>
        tpu.enqueue_indirect_dma source(%arg26 : memref<944x8xf32, #tpu.memory_space<vmem>>) target(%dma_start3A_447 : memref<100352x8xf32, #tpu.memory_space<vmem_shared>>) offsets(%arg24 : memref<944xi32, #tpu.memory_space<vmem>>) semaphore(%run_scoped3A_444 : memref<!tpu.dma_semaphore, #tpu.memory_space<semaphore_mem>>) {add = true}
        %dma_wait3A_448 = arith.constant 0 : i32
        %dma_wait3A_449 = arith.constant 0 : i32
        %dma_wait3A_450 = tpu.memref_slice %arg6[%dma_wait3A_448, %dma_wait3A_449] : memref<100352x8xf32, #tpu.memory_space<vmem_shared>> -> memref<100352x8xf32, #tpu.memory_space<vmem_shared>>
        tpu.wait_indirect_dma semaphore(%run_scoped3A_444 : memref<!tpu.dma_semaphore, #tpu.memory_space<semaphore_mem>>) src(%arg26 : memref<944x8xf32, #tpu.memory_space<vmem>>) dst(%dma_wait3A_450 : memref<100352x8xf32, #tpu.memory_space<vmem_shared>>)
        tpu.yield
      }) : () -> ()
      "tpu.region"() ({
        %run_scoped3A_444 = tpu.sem_alloc : memref<!tpu.dma_semaphore, #tpu.memory_space<semaphore_mem>>
        %dma_start3A_445 = arith.constant 0 : i32
        %dma_start3A_446 = arith.constant 0 : i32
        %dma_start3A_447 = tpu.memref_slice %arg6[%dma_start3A_445, %dma_start3A_446] : memref<100352x8xf32, #tpu.memory_space<vmem_shared>> -> memref<100352x8xf32, #tpu.memory_space<vmem_shared>>
        tpu.enqueue_indirect_dma source(%arg26 : memref<944x8xf32, #tpu.memory_space<vmem>>) target(%dma_start3A_447 : memref<100352x8xf32, #tpu.memory_space<vmem_shared>>) offsets(%arg23 : memref<944xi32, #tpu.memory_space<vmem>>) semaphore(%run_scoped3A_444 : memref<!tpu.dma_semaphore, #tpu.memory_space<semaphore_mem>>) {add = true}
        %dma_wait3A_448 = arith.constant 0 : i32
        %dma_wait3A_449 = arith.constant 0 : i32
        %dma_wait3A_450 = tpu.memref_slice %arg6[%dma_wait3A_448, %dma_wait3A_449] : memref<100352x8xf32, #tpu.memory_space<vmem_shared>> -> memref<100352x8xf32, #tpu.memory_space<vmem_shared>>
        tpu.wait_indirect_dma semaphore(%run_scoped3A_444 : memref<!tpu.dma_semaphore, #tpu.memory_space<semaphore_mem>>) src(%arg26 : memref<944x8xf32, #tpu.memory_space<vmem>>) dst(%dma_wait3A_450 : memref<100352x8xf32, #tpu.memory_space<vmem_shared>>)
        tpu.yield
      }) : () -> ()
    } else {
    }
    %barrier3A_11 = arith.constant 0 : index
    tpu.barrier barrier_id(%barrier3A_11)
    "tpu.region"() ({
      %run_scoped3A = tpu.sem_alloc : memref<!tpu.dma_semaphore, #tpu.memory_space<semaphore_mem>>
      %dma_start3A = arith.constant 0 : i32
      %dma_start3A_12 = tpu.memref_slice %arg5[%arg0, %mul3A_2, %dma_start3A] : memref<2x100352x8xf32, #tpu.memory_space<hbm>> -> memref<1x6272x8xf32, #tpu.memory_space<hbm>>
      %dma_start3A_13 = tpu.memref_squeeze %dma_start3A_12 : memref<1x6272x8xf32, #tpu.memory_space<hbm>> -> memref<6272x8xf32, #tpu.memory_space<hbm>>
      %dma_start3A_14 = arith.constant 0 : i32
      %dma_start3A_15 = tpu.memref_slice %arg6[%mul3A_2, %dma_start3A_14] : memref<100352x8xf32, #tpu.memory_space<vmem_shared>> -> memref<6272x8xf32, #tpu.memory_space<vmem_shared>>
      tpu.enqueue_dma source(%dma_start3A_15 : memref<6272x8xf32, #tpu.memory_space<vmem_shared>>) target(%dma_start3A_13 : memref<6272x8xf32, #tpu.memory_space<hbm>>) target_semaphore(%run_scoped3A : memref<!tpu.dma_semaphore, #tpu.memory_space<semaphore_mem>>)
      %dma_wait3A = arith.constant 0 : i32
      %dma_wait3A_16 = tpu.memref_slice %arg5[%arg0, %mul3A_2, %dma_wait3A] : memref<2x100352x8xf32, #tpu.memory_space<hbm>> -> memref<1x6272x8xf32, #tpu.memory_space<hbm>>
      %dma_wait3A_17 = tpu.memref_squeeze %dma_wait3A_16 : memref<1x6272x8xf32, #tpu.memory_space<hbm>> -> memref<6272x8xf32, #tpu.memory_space<hbm>>
      %dma_wait3A_18 = arith.constant 0 : i32
      %dma_wait3A_19 = tpu.memref_slice %arg6[%mul3A_2, %dma_wait3A_18] : memref<100352x8xf32, #tpu.memory_space<vmem_shared>> -> memref<6272x8xf32, #tpu.memory_space<vmem_shared>>
      tpu.wait_dma2 semaphore(%run_scoped3A : memref<!tpu.dma_semaphore, #tpu.memory_space<semaphore_mem>>) src(%dma_wait3A_19 : memref<6272x8xf32, #tpu.memory_space<vmem_shared>>) dst(%dma_wait3A_17 : memref<6272x8xf32, #tpu.memory_space<hbm>>)
      tpu.yield
    }) : () -> ()
    return
  }
}

module attributes {stable_mosaic.version = 14 : i64} {
  func.func @_finalize_body(%arg0: memref<2x6272x128xf32, #tpu.memory_space<vmem>>, %arg1: memref<6272x128xf32, #tpu.memory_space<vmem>>, %arg2: memref<128x128xf32, #tpu.memory_space<vmem>>, %arg3: memref<128x16xf32, #tpu.memory_space<vmem>>, %arg4: memref<6272x16xf32, #tpu.memory_space<vmem>>) attributes {dimension_semantics = [], scalar_prefetch = 0 : i64, scratch_operands = 0 : i64, tpu.core_type = #tpu.core_type<tc>} {
    %get3A = arith.constant 0 : index
    %get3A_0 = arith.constant 0 : index
    %get3A_1 = arith.constant 0 : index
    %get3A_2 = vector.load %arg0[%get3A, %get3A_0, %get3A_1] : memref<2x6272x128xf32, #tpu.memory_space<vmem>>, vector<1x6272x128xf32>
    %get3A_3 = vector.shape_cast %get3A_2 : vector<1x6272x128xf32> to vector<6272x128xf32>
    %get3A_4 = arith.constant 1 : index
    %get3A_5 = arith.constant 0 : index
    %get3A_6 = arith.constant 0 : index
    %get3A_7 = vector.load %arg0[%get3A_4, %get3A_5, %get3A_6] : memref<2x6272x128xf32, #tpu.memory_space<vmem>>, vector<1x6272x128xf32>
    %get3A_8 = vector.shape_cast %get3A_7 : vector<1x6272x128xf32> to vector<6272x128xf32>
    %add3A = arith.addf %get3A_3, %get3A_8 : vector<6272x128xf32>
    %get3A_9 = arith.constant 0 : index
    %get3A_10 = arith.constant 0 : index
    %get3A_11 = vector.load %arg2[%get3A_9, %get3A_10] : memref<128x128xf32, #tpu.memory_space<vmem>>, vector<128x128xf32>
    %dot_general3A = arith.constant dense<0.000000e+00> : vector<6272x128xf32>
    %dot_general3A_12 = tpu.matmul %add3A, %get3A_11, %dot_general3A {dimension_numbers = #tpu.dot_dimension_numbers<[1], [0], [0], [1], [0, 0, 1, 1], [], []>, precision = #tpu.contract_precision<fp32>, transpose_lhs_hint = false} : vector<6272x128xf32>, vector<128x128xf32>, vector<6272x128xf32> -> vector<6272x128xf32>
    %max3A = arith.constant 1.000000e+00 : f32
    %max3A_13 = vector.broadcast %max3A : f32 to vector<6272x128xf32>
    %max3A_14 = arith.maximumf %dot_general3A_12, %max3A_13 : vector<6272x128xf32>
    %div3A = arith.divf %add3A, %max3A_14 : vector<6272x128xf32>
    %get3A_15 = arith.constant 0 : index
    %get3A_16 = arith.constant 0 : index
    %get3A_17 = vector.load %arg1[%get3A_15, %get3A_16] : memref<6272x128xf32, #tpu.memory_space<vmem>>, vector<6272x128xf32>
    %sub3A = arith.subf %div3A, %get3A_17 : vector<6272x128xf32>
    %mul3A = arith.mulf %sub3A, %sub3A : vector<6272x128xf32>
    %get3A_18 = arith.constant 0 : index
    %get3A_19 = arith.constant 0 : index
    %get3A_20 = vector.load %arg3[%get3A_18, %get3A_19] : memref<128x16xf32, #tpu.memory_space<vmem>>, vector<128x16xf32>
    %dot_general3A_21 = arith.constant dense<0.000000e+00> : vector<6272x16xf32>
    %dot_general3A_22 = tpu.matmul %mul3A, %get3A_20, %dot_general3A_21 {dimension_numbers = #tpu.dot_dimension_numbers<[1], [0], [0], [1], [0, 0, 1, 1], [], []>, precision = #tpu.contract_precision<fp32>, transpose_lhs_hint = false} : vector<6272x128xf32>, vector<128x16xf32>, vector<6272x16xf32> -> vector<6272x16xf32>
    %sqrt3A = math.sqrt %dot_general3A_22 : vector<6272x16xf32>
    %swap3A = arith.constant 0 : index
    %swap3A_23 = arith.constant 0 : index
    %swap3A_24 = vector.load %arg4[%swap3A, %swap3A_23] : memref<6272x16xf32, #tpu.memory_space<vmem>>, vector<6272x16xf32>
    tpu.vector_store %arg4[%swap3A, %swap3A_23], %sqrt3A {strides = array<i32>} : memref<6272x16xf32, #tpu.memory_space<vmem>>, vector<6272x16xf32>,
    return
  }
}

</mosaic_0001>

<sc_bundles>
// kernel: kernel.4.cloned.1.call-start
scs
__scs_entry_jumppad:
0x0: {  	(pc) =	sbr.rel $0x88, $3  }
0x1: {  	(tag) =	ssettag $0x0;
	lr =	simm.s32 $0x1  }
0x2: {  	[smem:$0x3F9F] =	sst lr;
	_ =	strace $0xD0000000  }
0x3: {  	_ = 	snop  }
0x4: {  	_ = 	snop  }
0x5: {  	_ = 	snop  }
0x6: {  	_ = 	snop  }
0x7: {  	_ = 	snop  }
__scs_overlays_trampoline_lowered:
0x8: {  	[smem:$0x3FAE] =	sst s0  }
0x9: {  	[smem:$0x3FAF] =	sst s1  }
0xa: {  	[smem:$0x3FB0] =	sst s2  }
0xb: {  	[smem:$0x3FB1] =	sst s3  }
0xc: {  	[smem:$0x3FB2] =	sst s4  }
0xd: {  	[smem:$0x3FB3] =	sst s5  }
0xe: {  	[smem:$0x3FB4] =	sst s6  }
0xf: {  	[smem:$0x3FB5] =	sst s7  }
0x10: {  	[smem:$0x3FB6] =	sst s8  }
0x11: {  	[smem:$0x3FB7] =	sst s9;
	s0 =	simm.s32 @!p0 $0x0  }
0x12: {  	s1 =	sld [smem:$0x3F9D];
	s0 =	simm.s32 @p0 $0x1  }
0x13: {  	[smem:$0x3FB8] =	sst s0;
	s0 =	simm.s32 @!p1 $0x0  }
0x14: {  	s2 =	sld [smem:$0x3F9C];
	s0 =	simm.s32 @p1 $0x1  }
0x15: {  	[smem:$0x3FB9] =	sst s0;
	s0 =	simm.s32 @!p2 $0x0  }
0x16: {  	s3 =	sld [smem:$0x3FDB];
	s0 =	simm.s32 @p2 $0x1  }
0x17: {  	s4 =	simm.s32 $0x1BF5;
	[smem:$0x3FBB] =	sst s0  }
0x18: {  	s0 =	sld [smem:$0x3F9E];
	_ =	swait.ge [sflag:s4], $0x0  }
0x19: {  	s7 =	sld [smem:$0x3F9F]  }
0x1a: {  	s8 =	sadd.s32 $0xFFFFE003, lr  }
0x1b: {  	s9 =	sadd.s32 $0xFFFFFEF7, lr;
	s5 =	simm.s32 $0xFFFFFFFF;
	p2 =	slt.u32 s8, $0xFFFFF086  }
0x1c: {  	p1 =	slt.u32 s9, $0xF7A;
	s5 =	simm.s32 @!p2 $0x0  }
0x1d: {  	s5 =	simm.s32 @p1 $0x1;
	p0 =	seq.s32 s7, s2  }
0x1e: {  	s7 =	smul.u32 @!p0 $0xF7A, s2;
	p2 =	seq.s32 @!p0 s5, $0x0  }
0x1f: {  	s9 =	smul.u32 $0xF7A, s1;
	s8 =	simm.s32 @!p0 $0x1BF5;
	p2 =	por !p2, p0  }
0x20: {  	[sflag:s8] =	ssyncset.s32 @!p0 $0xFFFFF086;
	s6 =	sadd.s32 @!p0 s3, s7;
	s7 =	simm.s32 @!p0 $0x108  }
0x21: {  	s3 =	sadd.s32 s3, s9;
	s6 =	sadd.s32 @!p0 $0x88, s6;
	s7 =	simm.s32 @p2 $0x1082  }
0x22: {  	[simem:s7], [sflag:s8] =	dma.local @!p0 [hbm:s6], $0xF7A  }
0x23: {  	s9 =	sor.u32 $0xD0000000, s2;
	s6 =	simm.s32 $0x108;
	_ =	swait.ge @!p0 [sflag:s8], $0x0  }
0x24: {  	s3 =	sadd.s32 $0x88, s3;
	s6 =	simm.s32 @!p1 $0x1082;
	[sflag:s4] =	ssyncset.s32 $0xFFFFF086  }
0x25: {  	[simem:s6], [sflag:s4] =	dma.local [hbm:s3], $0xF7A  }
0x26: {  	[smem:$0x3F9F] =	sst s1;
	(tag) =	ssettag s2;
	_ =	strace s9  }
0x27: {  	s1 =	sld [smem:$0x3FAF]  }
0x28: {  	s2 =	sld [smem:$0x3FB0]  }
0x29: {  	s4 =	sld [smem:$0x3FB2]  }
0x2a: {  	p0 =	seq.s32 s5, $0x0;
	s5 =	sld [smem:$0x3FB3]  }
0x2b: {  	s6 =	sld [smem:$0x3FB4]  }
0x2c: {  	s7 =	sld [smem:$0x3FB5]  }
0x2d: {  	s3 =	simm.s32 $0x108;
	s8 =	sld [smem:$0x3FB6]  }
0x2e: {  	s3 =	simm.s32 @!p0 $0x1082;
	s9 =	sld [smem:$0x3FB7]  }
0x2f: {  	lr =	sadd.s32 s0, s3;
	s0 =	sld [smem:$0x3FAE]  }
0x30: {  	s3 =	sld [smem:$0x3FB1]  }
0x31: {  	[smem:$0x3FBA] =	sst s10  }
0x32: {  	s10 =	sld [smem:$0x3FB8];
	_ =	sdelay $0x3  }
0x33: {  	p0 =	seq.s32 s10, $0x1;
	s10 =	sld [smem:$0x3FBA];
	_ =	sdelay $0x3  }
0x34: {  	[smem:$0x3FBA] =	sst s10  }
0x35: {  	s10 =	sld [smem:$0x3FB9];
	_ =	sdelay $0x3  }
0x36: {  	p1 =	seq.s32 s10, $0x1;
	s10 =	sld [smem:$0x3FBA];
	_ =	sdelay $0x3  }
0x37: {  	[smem:$0x3FBA] =	sst s10  }
0x38: {  	s10 =	sld [smem:$0x3FBB]  }
0x39: {  	_ = 	snop;
	(pc) =	sbr.ind lr, $3  }
0x3a: {  	_ = 	snop  }
0x3b: {  	_ = 	snop  }
0x3c: {  	p2 =	seq.s32 s10, $0x1;
	s10 =	sld [smem:$0x3FBA]  }
0x3d: {  	_ =	shalt  }
0x3e: {  	_ =	shalt  }
0x3f: {  	_ =	shalt  }
0x40: {  	_ =	shalt  }
0x41: {  	_ =	shalt  }
0x42: {  	_ =	shalt  }
0x43: {  	_ =	shalt  }
0x44: {  	_ =	shalt  }
0x45: {  	_ =	shalt  }
0x46: {  	_ =	shalt  }
0x47: {  	_ =	shalt  }
0x48: {  	_ =	shalt  }
0x49: {  	_ =	shalt  }
0x4a: {  	_ =	shalt  }
0x4b: {  	_ =	shalt  }
0x4c: {  	_ =	shalt  }
0x4d: {  	_ =	shalt  }
0x4e: {  	_ =	shalt  }
0x4f: {  	_ =	shalt  }
0x50: {  	_ =	shalt  }
0x51: {  	_ =	shalt  }
0x52: {  	_ =	shalt  }
0x53: {  	_ =	shalt  }
0x54: {  	_ =	shalt  }
0x55: {  	_ =	shalt  }
0x56: {  	_ =	shalt  }
0x57: {  	_ =	shalt  }
0x58: {  	_ =	shalt  }
0x59: {  	_ =	shalt  }
0x5a: {  	_ =	shalt  }
0x5b: {  	_ =	shalt  }
0x5c: {  	_ =	shalt  }
0x5d: {  	_ =	shalt  }
0x5e: {  	_ =	shalt  }
0x5f: {  	_ =	shalt  }
0x60: {  	_ =	shalt  }
0x61: {  	_ =	shalt  }
0x62: {  	_ =	shalt  }
0x63: {  	_ =	shalt  }
0x64: {  	_ =	shalt  }
0x65: {  	_ =	shalt  }
0x66: {  	_ =	shalt  }
0x67: {  	_ =	shalt  }
0x68: {  	_ =	shalt  }
0x69: {  	_ =	shalt  }
0x6a: {  	_ =	shalt  }
0x6b: {  	_ =	shalt  }
0x6c: {  	_ =	shalt  }
0x6d: {  	_ =	shalt  }
0x6e: {  	_ =	shalt  }
0x6f: {  	_ =	shalt  }
0x70: {  	_ =	shalt  }
0x71: {  	_ =	shalt  }
0x72: {  	_ =	shalt  }
0x73: {  	_ =	shalt  }
0x74: {  	_ =	shalt  }
0x75: {  	_ =	shalt  }
0x76: {  	_ =	shalt  }
0x77: {  	_ =	shalt  }
0x78: {  	_ =	shalt  }
0x79: {  	_ =	shalt  }
0x7a: {  	_ =	shalt  }
0x7b: {  	_ =	shalt  }
0x7c: {  	_ =	shalt  }
0x7d: {  	_ =	shalt  }
0x7e: {  	_ =	shalt  }
0x7f: {  	_ =	shalt  }
0x80: {  	_ =	shalt  }
0x81: {  	_ =	shalt  }
0x82: {  	_ =	shalt  }
0x83: {  	_ =	shalt  }
0x84: {  	_ =	shalt  }
0x85: {  	_ =	shalt  }
0x86: {  	_ =	shalt  }
0x87: {  	_ =	shalt  }
.Lfunc_end0:
.L_simem_size_0:
called_computation_lowered:
.L_overlay_start_0:
0x88: {  	s2 =	sld [smem:$0x3FD9]  }
0x89: {  	s3 =	sld [smem:$0x3FFE];
	_ =	sdelay $0x1  }
0x8a: {  	s1 =	srdreg.scid  }
0x8b: {  	s0 =	sand.u32 $0x1, s1  }
0x8c: {  	s16 =	sshll.u32 s0, $0xA;
	s2 =	sadd.s32 s3, s2  }
0x8d: {  	s2 =	sadd.s32 s2, s16  }
0x8e: {  	[smem:$0x3FC6] =	sst s2  }
0x8f: {  	_ = 	snop  }
0x90: {  	(tm) =	ssettm $0x1  }
0x91: {  	s17 =	sld [smem:$0x3FFB];
	_ =	sdelay $0x3  }
0x92: {  	_ =	strace s17  }
0x93: {  	s2 =	sld [smem:$0x3FFC];
	_ =	sdelay $0x3  }
0x94: {  	_ =	strace s2  }
0x95: {  	s2 =	sld [smem:$0x3FFD];
	_ =	sdelay $0x3  }
0x96: {  	_ =	strace s2  }
0x97: {  	_ =	strace $0x8FFFFFFF  }
0x98: {  	s18 =	sld [smem:$0x3FDB];
	_ =	sdelay $0x1  }
0x99: {  	s19 =	simm.s32 $_scs_section_size  }
0x9a: {  	s4 =	simm.s32 $_size__tile_overlayer_lowered;
	s5 =	simm.s32 $_tile_overlayer_lowered  }
0x9b: {  	s22 =	simm.s32 $0x1BFF;
	s21 =	sshll.u32 s5, $0x1;
	s2 =	sadd.s32 s19, s18  }
0x9c: {  	s6 =	simm.s32 $0x0;
	s20 =	sshll.u32 s4, $0x1;
	s4 =	sadd.s32 s21, s2  }
0x9d: {  	[timem:s6], [sflag:s22] =	dma.local [hbm:s4], s20  }
0x9e: {  	_ =	swait.ge [sflag:s22], s20  }
0x9f: {  	s3 =	ssub.s32 $0x0, s20;
	[sflag:s22] =	ssyncset.done $0x0  }
0xa0: {  	[sflag:s22] =	ssyncadd.s32 s3;
	_ =	sdelay $0x1  }
0xa1: {  	s23 =	simm.s32 $0x1B8B  }
0xa2: {  	_ =	swait.ge [sflag:s23], $0x1  }
0xa3: {  	[sflag:s23] =	ssyncset.done $0x0  }
0xa4: {  	s25 =	simm.s32 $0x1B8E;
	s24 =	sld [smem:$0x3FFE];
	[sflag:s23] =	ssyncadd.s32 $0xFFFFFFFF  }
0xa5: {  	s26 =	simm.s32 $execute0_lowered;
	[smem:$0x3FD2] =	sst s25  }
0xa6: {  	s4 =	sshll.u32 s26, $0x1;
	_ =	strace $0x80000046;
	[dreg:$0x1] =	wrdreg $0xFFFFFFFF  }
0xa7: {  	s28 =	simm.s32 $_size_execute0_lowered;
	s2 =	sadd.s32 s2, s4;
	[dreg:$0x0] =	wrdreg $0x0  }
0xa8: {  	s4 =	sshll.u32 s28, $0x1;
	[dreg:$0x2] =	wrdreg s2  }
0xa9: {  	[dreg:$0x3] =	wrdreg s4  }
0xaa: {  	[dreg:$0x4] =	wrdreg $0xC0  }
0xab: {  	_ =	task [dreg:s6], $0x5FFFF  }
0xac: {  	[dreg:$0x1] =	wrdreg $0xFFFFFFFF  }
0xad: {  	[dreg:$0x0] =	wrdreg $0x60  }
0xae: {  	[dreg:$0x2] =	wrdreg s24  }
0xaf: {  	[dreg:$0x3] =	wrdreg $0x0  }
0xb0: {  	[dreg:$0x4] =	wrdreg $0x9  }
0xb1: {  	_ =	task.clear_ibuf [dreg:s6], $0x5FFFF;
	_ =	strace $0x90000046  }
0xb2: {  	s29 =	simm.s32 $0x9;
	_ =	strace $0x80000048  }
0xb3: {  	_ =	swait.ge [sflag:s29], $0x1  }
0xb4: {  	[sflag:s29] =	ssyncadd.s32 $0xFFFFFFFF  }
0xb5: {  	_ =	strace $0x90000048  }
0xb6: {  	_ =	sfence  }
0xb7: {  	s30 =	sld [smem:$0x0];
	_ =	sdelay $0x2  }
0xb8: {  	s31 =	sshll.u32 s1, $0xD;
	s1 =	sshrl.u32 s1, $0x2  }
0xb9: {  	s3 =	sand.u32 $0x4000, s31;
	s1 =	sadd.s32 s1, s30  }
0xba: {  	s0 =	sor.u32 s3, s0;
	s1 =	sshll.u32 s1, $0x11  }
0xbb: {  	s0 =	sor.u32 s1, s0  }
0xbc: {  	s0 =	sadd.s32 $0x8F2B, s0  }
0xbd: {  	[sflag:s0] =	ssyncadd.remote.s32 $0x1  }
0xbe: {  	_ =	sfence.sel $0xFFFF  }
0xbf: {  	[dreg:$0x0] =	wrdreg $0xFFFFFFFF;
	(pc) =	sbr.abs _section_cstart, $3  }
0xc0: {  	[dreg:$0x1] =	wrdreg $0xFFFFFFFF  }
0xc1: {  	_ =	task.clear_ibuf [dreg:s6], $0x2FFFF;
	_ =	strace $0x9FFFFFFF  }
0xc2: {  	(tm) =	ssettm $0x7FFFFFFF  }
0xc3: {  	_ =	shalt  }
tec
execute0_lowered:
.L_overlay_start_1:
0x0: {  	(tag) =	ssettag $0x1  }
0x1: {  	s0 =	rddreg [dreg:$0x0]  }
0x2: {  	s10 =	stileid.u32;
	s1 =	srdreg.scid  }
0x3: {  	s4 =	smul.u32 $0xC400, s10;
	s1 =	sand.u32 $0x1, s1;
	s5 =	sshll.u32 s10, $0x1  }
0x4: {  	s3 =	simm.s32 $0x0;
	s5 =	sor.u32 s1, s5;
	s6 =	smul.u32 $0xC4000, s1  }
0x5: {  	[smem:$0x7FF] =	sst s3;
	s7 =	sshrl.u32 s4, $0x3;
	s8 =	smul.u32 $0x1870, s5  }
0x6: {  	s2 =	rddreg [dreg:$0x1];
	_ =	strace $0x80000047;
	s7 =	sadd.s32 s7, s0  }
0x7: {  	s6 =	sadd.s32 s4, s6;
	s4 =	sadd.s32 s4, s2;
	s8 =	sshrl.u32 s8, $0x3  }
0x8: {  	[dreg:$0x3] =	wrdreg s4;
	s25 =	sadd.s32 $0x2C000, s7;
	s8 =	sadd.s32 s8, s0  }
0x9: {  	[dreg:$0x4] =	wrdreg s25;
	s26 =	sadd.s32 $0x1200, s8  }
0xa: {  	s7 =	sadd.s32 $0x73A8, s8;
	[dreg:$0x5] =	wrdreg s26  }
0xb: {  	s24 =	sshll.u32 s10, $0x6;
	s10 =	sadd.s32 $0xD550, s8;
	[dreg:$0x6] =	wrdreg s7  }
0xc: {  	s11 =	sadd.s32 $0x1280, s8;
	[dreg:$0x7] =	wrdreg s10  }
0xd: {  	s12 =	sadd.s32 $0x7428, s8;
	[dreg:$0x8] =	wrdreg s11  }
0xe: {  	s13 =	sadd.s32 $0xD5D0, s8;
	[dreg:$0x9] =	wrdreg s12  }
0xf: {  	s14 =	sadd.s32 $0x1300, s8;
	[dreg:$0xa] =	wrdreg s13  }
0x10: {  	s15 =	sadd.s32 $0x74A8, s8;
	[dreg:$0xb] =	wrdreg s14  }
0x11: {  	s16 =	sadd.s32 $0xD650, s8;
	[dreg:$0xc] =	wrdreg s15  }
0x12: {  	s17 =	sadd.s32 $0x1380, s8;
	[dreg:$0xd] =	wrdreg s16  }
0x13: {  	s18 =	sadd.s32 $0x7528, s8;
	[dreg:$0xe] =	wrdreg s17  }
0x14: {  	s1 =	ssub.s32 $0x2, s1;
	s19 =	sadd.s32 $0xD6D0, s8;
	[dreg:$0xf] =	wrdreg s18  }
0x15: {  	s23 =	sshrl.u32 s1, $0x1;
	s20 =	sadd.s32 $0x1400, s8;
	[dreg:$0x10] =	wrdreg s19  }
0x16: {  	s1 =	ssub.s32 s1, s23;
	s21 =	sadd.s32 $0x75A8, s8;
	[dreg:$0x11] =	wrdreg s20  }
0x17: {  	s6 =	sshrl.u32 s6, $0x3;
	s22 =	sadd.s32 $0xD750, s8;
	[dreg:$0x12] =	wrdreg s21  }
0x18: {  	s9 =	sadd.s32 s6, s0;
	s23 =	sadd.s32 $0x1480, s8;
	[dreg:$0x13] =	wrdreg s22  }
0x19: {  	s6 =	sor.u32 $0x1C07, s24;
	s24 =	sadd.s32 $0x7628, s8;
	[dreg:$0x14] =	wrdreg s23  }
0x1a: {  	s25 =	sadd.s32 $0xD7D0, s8;
	[dreg:$0x15] =	wrdreg s24  }
0x1b: {  	p0 =	seq.s32 s5, $0x1F;
	s5 =	sadd.s32 $0x76A8, s8;
	[dreg:$0x16] =	wrdreg s25  }
0x1c: {  	s26 =	sadd.s32 $0x1500, s8;
	[dreg:$0x18] =	wrdreg s5  }
0x1d: {  	s7 =	sadd.s32 $0xD850, s8;
	[dreg:$0x17] =	wrdreg s26  }
0x1e: {  	s8 =	sadd.s32 $0x70B2, s0;
	[dreg:$0x19] =	wrdreg s7  }
0x1f: {  	s10 =	sadd.s32 $0xD25A, s0;
	[dreg:$0x1a] =	wrdreg s8  }
0x20: {  	s11 =	sadd.s32 $0x13402, s0;
	[dreg:$0x1b] =	wrdreg s10  }
0x21: {  	s12 =	sadd.s32 $0x7132, s0;
	[dreg:$0x1c] =	wrdreg s11  }
0x22: {  	s13 =	sadd.s32 $0xD2DA, s0;
	[dreg:$0x1d] =	wrdreg s12  }
0x23: {  	s14 =	sadd.s32 $0x13482, s0;
	[dreg:$0x1e] =	wrdreg s13  }
0x24: {  	s15 =	sadd.s32 $0x71B2, s0;
	[dreg:$0x1f] =	wrdreg s14  }
0x25: {  	s16 =	sadd.s32 $0xD35A, s0;
	[smem:$0x7F1] =	sst s15  }
0x26: {  	s17 =	sadd.s32 $0x13502, s0;
	[smem:$0x7F2] =	sst s16  }
0x27: {  	s18 =	sadd.s32 $0x7232, s0;
	[smem:$0x7F3] =	sst s17  }
0x28: {  	s19 =	sadd.s32 $0xD3DA, s0;
	[smem:$0x7F4] =	sst s18  }
0x29: {  	s20 =	sadd.s32 $0x13582, s0;
	[smem:$0x7F5] =	sst s19  }
0x2a: {  	s21 =	sadd.s32 $0x72B2, s0;
	[smem:$0x7F6] =	sst s20  }
0x2b: {  	s22 =	sadd.s32 $0xD45A, s0;
	[smem:$0x7F7] =	sst s21  }
0x2c: {  	s23 =	sadd.s32 $0x13602, s0;
	[smem:$0x7F8] =	sst s22  }
0x2d: {  	s24 =	sadd.s32 $0x7332, s0;
	[smem:$0x7F9] =	sst s23  }
0x2e: {  	s28 =	simm.s32 $0x1;
	s25 =	sadd.s32 $0xD4DA, s0;
	[smem:$0x7FA] =	sst s24  }
0x2f: {  	s29 =	sadd.s32 $0x13800, s0;
	s0 =	sadd.s32 $0x13682, s0;
	[smem:$0x7FB] =	sst s25  }
0x30: {  	s30 =	simm.s32 $0x400;
	s31 =	simm.s32 $0xDC00;
	[smem:$0x7FC] =	sst s0  }
0x31: {  	s26 =	sadd.s32 $0x44800, s9;
	s22 =	smax.u32 s1, $0x1;
	s23 =	simm.s32 $0x7  }
0x32: {  	s24 =	simm.s32 $0xC400;
	s25 =	simm.s32 $0xC800;
	s0 =	simm.s32 $0xFC00  }
.Ltmp0:
0x33: {  	s1 =	simm.s32 $0x11C00;
	s7 =	simm.s32 $0xD000;
	(pc) =	sbr.rel .LBB2_1-.Ltmp0, $4  }
0x34: {  	s8 =	simm.s32 $0xD400;
	s9 =	simm.s32 $0xD800;
	s10 =	simm.s32 $0x3  }
0x35: {  	s11 =	simm.s32 $0x2;
	s12 =	simm.s32 $0x13C00;
	s13 =	simm.s32 $0x15C00  }
0x36: {  	s14 =	simm.s32 $0x17C00;
	s15 =	simm.s32 $0x5;
	s16 =	simm.s32 $0x4  }
0x37: {  	s17 =	simm.s32 $0x6;
	[smem:$0x7FD] =	sst s26;
	s26 =	simm.s32 $0xCC00  }
.LBB2_3:
0x38: {  	s19 =	rddreg [dreg:$0x1a]  }
0x39: {  	[tilespmem:s24], [sflag:$0x1] =	stream.linear.gather [hbm4b:s19+s3], $0x400, $0x38;
	[tilespmem:$0x1C960] =	vst v63  }
0x3a: {  	s21 =	rddreg [dreg:$0x1b]  }
0x3b: {  	[tilespmem:s25], [sflag:$0x1] =	stream.linear.gather [hbm4b:s21+s3], $0x400, $0x38;
	[tilespmem:$0x1C960] =	vst v63  }
0x3c: {  	s4 =	rddreg [dreg:$0x1c]  }
0x3d: {  	[tilespmem:s26], [sflag:$0x1] =	stream.linear.gather [hbm4b:s4+s3], $0x400, $0x38;
	[tilespmem:$0x1C960] =	vst v63  }
0x3e: {  	_ =	swait.ge [sflag:s28], $0x400  }
0x3f: {  	[sflag:s28] =	ssyncset.done $0x0  }
0x40: {  	[sflag:s28] =	ssyncadd.s32 $0xFFFFFC00  }
0x41: {  	_ =	swait.ge [sflag:s28], $0x400  }
0x42: {  	[sflag:s28] =	ssyncset.done $0x0  }
0x43: {  	[sflag:s28] =	ssyncadd.s32 $0xFFFFFC00  }
0x44: {  	_ =	swait.ge [sflag:s28], $0x400  }
0x45: {  	[sflag:s28] =	ssyncset.done $0x0  }
0x46: {  	[sflag:s28] =	ssyncadd.s32 $0xFFFFFC00  }
0x47: {  	[tilespmem:s31], [sflag:$0x3] =	stream.indirect.gather [hbm4b:s29+s30], $0x8, s24, s30, $0xb8;
	[tilespmem:$0x1C960] =	vst v63  }
0x48: {  	_ = 	snop  }
0x49: {  	[tilespmem:s0], [sflag:$0x3] =	stream.indirect.gather [hbm4b:s29+s30], $0x8, s25, s30, $0xb8;
	[tilespmem:$0x1C960] =	vst v63  }
0x4a: {  	_ = 	snop  }
0x4b: {  	[tilespmem:s1], [sflag:$0x3] =	stream.indirect.gather [hbm4b:s29+s30], $0x8, s26, s30, $0xb8;
	[tilespmem:$0x1C960] =	vst v63  }
0x4c: {  	s5 =	rddreg [dreg:$0x1d]  }
0x4d: {  	[tilespmem:s7], [sflag:$0x2] =	stream.linear.gather [hbm4b:s5+s3], $0x400, $0x38;
	[tilespmem:$0x1C960] =	vst v63  }
0x4e: {  	s20 =	rddreg [dreg:$0x1e]  }
0x4f: {  	[tilespmem:s8], [sflag:$0x2] =	stream.linear.gather [hbm4b:s20+s3], $0x400, $0x38;
	[tilespmem:$0x1C960] =	vst v63  }
0x50: {  	s21 =	rddreg [dreg:$0x1f]  }
0x51: {  	[tilespmem:s9], [sflag:$0x2] =	stream.linear.gather [hbm4b:s21+s3], $0x400, $0x38;
	[tilespmem:$0x1C960] =	vst v63  }
0x52: {  	_ =	swait.ge [sflag:s10], $0x2000  }
0x53: {  	[sflag:s10] =	ssyncset.done $0x0  }
0x54: {  	[sflag:s10] =	ssyncadd.s32 $0xFFFFE000  }
0x55: {  	[spmem:s2] =	stream.indirect.scatter.add.f32 [tilespmem:s31], [sflag:$0x5], $0x8, s25, s30, $0xb8;
	[tilespmem:$0x1C960] =	vst v63  }
0x56: {  	_ = 	snop  }
0x57: {  	[spmem:s2] =	stream.indirect.scatter.add.f32 [tilespmem:s31], [sflag:$0x5], $0x8, s26, s30, $0xb8;
	[tilespmem:$0x1C960] =	vst v63  }
0x58: {  	_ =	swait.ge [sflag:s10], $0x2000  }
0x59: {  	[sflag:s10] =	ssyncset.done $0x0  }
0x5a: {  	[sflag:s10] =	ssyncadd.s32 $0xFFFFE000  }
0x5b: {  	[spmem:s2] =	stream.indirect.scatter.add.f32 [tilespmem:s0], [sflag:$0x5], $0x8, s24, s30, $0xb8;
	[tilespmem:$0x1C960] =	vst v63  }
0x5c: {  	_ = 	snop  }
0x5d: {  	[spmem:s2] =	stream.indirect.scatter.add.f32 [tilespmem:s0], [sflag:$0x5], $0x8, s26, s30, $0xb8;
	[tilespmem:$0x1C960] =	vst v63  }
0x5e: {  	_ =	swait.ge [sflag:s10], $0x2000  }
0x5f: {  	[sflag:s10] =	ssyncset.done $0x0  }
0x60: {  	[sflag:s10] =	ssyncadd.s32 $0xFFFFE000  }
0x61: {  	[spmem:s2] =	stream.indirect.scatter.add.f32 [tilespmem:s1], [sflag:$0x5], $0x8, s25, s30, $0xb8;
	[tilespmem:$0x1C960] =	vst v63  }
0x62: {  	_ = 	snop  }
0x63: {  	[spmem:s2] =	stream.indirect.scatter.add.f32 [tilespmem:s1], [sflag:$0x5], $0x8, s24, s30, $0xb8;
	[tilespmem:$0x1C960] =	vst v63  }
0x64: {  	_ =	swait.ge [sflag:s11], $0x400  }
0x65: {  	[sflag:s11] =	ssyncset.done $0x0  }
0x66: {  	[sflag:s11] =	ssyncadd.s32 $0xFFFFFC00  }
0x67: {  	_ =	swait.ge [sflag:s11], $0x400  }
0x68: {  	[sflag:s11] =	ssyncset.done $0x0  }
0x69: {  	[sflag:s11] =	ssyncadd.s32 $0xFFFFFC00  }
0x6a: {  	_ =	swait.ge [sflag:s11], $0x400  }
0x6b: {  	[sflag:s11] =	ssyncset.done $0x0  }
0x6c: {  	[sflag:s11] =	ssyncadd.s32 $0xFFFFFC00  }
0x6d: {  	[tilespmem:s12], [sflag:$0x4] =	stream.indirect.gather [hbm4b:s29+s30], $0x8, s7, s30, $0xb8;
	[tilespmem:$0x1C960] =	vst v63  }
0x6e: {  	_ = 	snop  }
0x6f: {  	[tilespmem:s13], [sflag:$0x4] =	stream.indirect.gather [hbm4b:s29+s30], $0x8, s8, s30, $0xb8;
	[tilespmem:$0x1C960] =	vst v63  }
0x70: {  	_ = 	snop  }
0x71: {  	[tilespmem:s14], [sflag:$0x4] =	stream.indirect.gather [hbm4b:s29+s30], $0x8, s9, s30, $0xb8;
	[tilespmem:$0x1C960] =	vst v63  }
0x72: {  	_ =	swait.ge [sflag:s15], $0x2000  }
0x73: {  	[sflag:s15] =	ssyncset.done $0x0  }
0x74: {  	[sflag:s15] =	ssyncadd.s32 $0xFFFFE000  }
0x75: {  	_ =	swait.ge [sflag:s15], $0x2000  }
0x76: {  	[sflag:s15] =	ssyncset.done $0x0  }
0x77: {  	[sflag:s15] =	ssyncadd.s32 $0xFFFFE000  }
0x78: {  	_ =	swait.ge [sflag:s15], $0x2000  }
0x79: {  	[sflag:s15] =	ssyncset.done $0x0  }
0x7a: {  	[sflag:s15] =	ssyncadd.s32 $0xFFFFE000  }
0x7b: {  	_ =	swait.ge [sflag:s15], $0x2000  }
0x7c: {  	[sflag:s15] =	ssyncset.done $0x0  }
0x7d: {  	[sflag:s15] =	ssyncadd.s32 $0xFFFFE000  }
0x7e: {  	_ =	swait.ge [sflag:s15], $0x2000  }
0x7f: {  	[sflag:s15] =	ssyncset.done $0x0  }
0x80: {  	[sflag:s15] =	ssyncadd.s32 $0xFFFFE000  }
0x81: {  	_ =	swait.ge [sflag:s15], $0x2000  }
0x82: {  	s4 =	sld [smem:$0x7F1]  }
0x83: {  	[sflag:s15] =	ssyncset.done $0x0  }
0x84: {  	s5 =	sld [smem:$0x7F2];
	[sflag:s15] =	ssyncadd.s32 $0xFFFFE000  }
0x85: {  	[tilespmem:s24], [sflag:$0x1] =	stream.linear.gather [hbm4b:s4+s3], $0x400, $0x38;
	[tilespmem:$0x1C960] =	vst v63  }
0x86: {  	s20 =	sld [smem:$0x7F3]  }
0x87: {  	[tilespmem:s25], [sflag:$0x1] =	stream.linear.gather [hbm4b:s5+s3], $0x400, $0x38;
	[tilespmem:$0x1C960] =	vst v63  }
0x88: {  	_ = 	snop  }
0x89: {  	[tilespmem:s26], [sflag:$0x1] =	stream.linear.gather [hbm4b:s20+s3], $0x400, $0x38;
	[tilespmem:$0x1C960] =	vst v63  }
0x8a: {  	_ =	swait.ge [sflag:s16], $0x2000  }
0x8b: {  	[sflag:s16] =	ssyncset.done $0x0  }
0x8c: {  	[sflag:s16] =	ssyncadd.s32 $0xFFFFE000  }
0x8d: {  	[spmem:s2] =	stream.indirect.scatter.add.f32 [tilespmem:s12], [sflag:$0x6], $0x8, s8, s30, $0xb8;
	[tilespmem:$0x1C960] =	vst v63  }
0x8e: {  	_ = 	snop  }
0x8f: {  	[spmem:s2] =	stream.indirect.scatter.add.f32 [tilespmem:s12], [sflag:$0x6], $0x8, s9, s30, $0xb8;
	[tilespmem:$0x1C960] =	vst v63  }
0x90: {  	_ =	swait.ge [sflag:s16], $0x2000  }
0x91: {  	[sflag:s16] =	ssyncset.done $0x0  }
0x92: {  	[sflag:s16] =	ssyncadd.s32 $0xFFFFE000  }
0x93: {  	[spmem:s2] =	stream.indirect.scatter.add.f32 [tilespmem:s13], [sflag:$0x6], $0x8, s7, s30, $0xb8;
	[tilespmem:$0x1C960] =	vst v63  }
0x94: {  	_ = 	snop  }
0x95: {  	[spmem:s2] =	stream.indirect.scatter.add.f32 [tilespmem:s13], [sflag:$0x6], $0x8, s9, s30, $0xb8;
	[tilespmem:$0x1C960] =	vst v63  }
0x96: {  	_ =	swait.ge [sflag:s16], $0x2000  }
0x97: {  	[sflag:s16] =	ssyncset.done $0x0  }
0x98: {  	[sflag:s16] =	ssyncadd.s32 $0xFFFFE000  }
0x99: {  	[spmem:s2] =	stream.indirect.scatter.add.f32 [tilespmem:s14], [sflag:$0x6], $0x8, s8, s30, $0xb8;
	[tilespmem:$0x1C960] =	vst v63  }
0x9a: {  	_ = 	snop  }
0x9b: {  	[spmem:s2] =	stream.indirect.scatter.add.f32 [tilespmem:s14], [sflag:$0x6], $0x8, s7, s30, $0xb8;
	[tilespmem:$0x1C960] =	vst v63  }
0x9c: {  	_ =	swait.ge [sflag:s28], $0x400  }
0x9d: {  	[sflag:s28] =	ssyncset.done $0x0  }
0x9e: {  	[sflag:s28] =	ssyncadd.s32 $0xFFFFFC00  }
0x9f: {  	_ =	swait.ge [sflag:s28], $0x400  }
0xa0: {  	[sflag:s28] =	ssyncset.done $0x0  }
0xa1: {  	[sflag:s28] =	ssyncadd.s32 $0xFFFFFC00  }
0xa2: {  	_ =	swait.ge [sflag:s28], $0x400  }
0xa3: {  	[sflag:s28] =	ssyncset.done $0x0  }
0xa4: {  	[sflag:s28] =	ssyncadd.s32 $0xFFFFFC00  }
0xa5: {  	[tilespmem:s31], [sflag:$0x3] =	stream.indirect.gather [hbm4b:s29+s30], $0x8, s24, s30, $0xb8;
	[tilespmem:$0x1C960] =	vst v63  }
0xa6: {  	_ = 	snop  }
0xa7: {  	[tilespmem:s0], [sflag:$0x3] =	stream.indirect.gather [hbm4b:s29+s30], $0x8, s25, s30, $0xb8;
	[tilespmem:$0x1C960] =	vst v63  }
0xa8: {  	_ = 	snop  }
0xa9: {  	[tilespmem:s1], [sflag:$0x3] =	stream.indirect.gather [hbm4b:s29+s30], $0x8, s26, s30, $0xb8;
	[tilespmem:$0x1C960] =	vst v63  }
0xaa: {  	_ =	swait.ge [sflag:s17], $0x2000  }
0xab: {  	[sflag:s17] =	ssyncset.done $0x0  }
0xac: {  	[sflag:s17] =	ssyncadd.s32 $0xFFFFE000  }
0xad: {  	_ =	swait.ge [sflag:s17], $0x2000  }
0xae: {  	[sflag:s17] =	ssyncset.done $0x0  }
0xaf: {  	[sflag:s17] =	ssyncadd.s32 $0xFFFFE000  }
0xb0: {  	_ =	swait.ge [sflag:s17], $0x2000  }
0xb1: {  	[sflag:s17] =	ssyncset.done $0x0  }
0xb2: {  	[sflag:s17] =	ssyncadd.s32 $0xFFFFE000  }
0xb3: {  	_ =	swait.ge [sflag:s17], $0x2000  }
0xb4: {  	[sflag:s17] =	ssyncset.done $0x0  }
0xb5: {  	[sflag:s17] =	ssyncadd.s32 $0xFFFFE000  }
0xb6: {  	_ =	swait.ge [sflag:s17], $0x2000  }
0xb7: {  	[sflag:s17] =	ssyncset.done $0x0  }
0xb8: {  	[sflag:s17] =	ssyncadd.s32 $0xFFFFE000  }
0xb9: {  	_ =	swait.ge [sflag:s17], $0x2000  }
0xba: {  	s21 =	sld [smem:$0x7F4]  }
0xbb: {  	[sflag:s17] =	ssyncset.done $0x0  }
0xbc: {  	s4 =	sld [smem:$0x7F5];
	[sflag:s17] =	ssyncadd.s32 $0xFFFFE000  }
0xbd: {  	[tilespmem:s7], [sflag:$0x2] =	stream.linear.gather [hbm4b:s21+s3], $0x400, $0x38;
	[tilespmem:$0x1C960] =	vst v63  }
0xbe: {  	s5 =	sld [smem:$0x7F6]  }
0xbf: {  	[tilespmem:s8], [sflag:$0x2] =	stream.linear.gather [hbm4b:s4+s3], $0x400, $0x38;
	[tilespmem:$0x1C960] =	vst v63  }
0xc0: {  	_ = 	snop  }
0xc1: {  	[tilespmem:s9], [sflag:$0x2] =	stream.linear.gather [hbm4b:s5+s3], $0x400, $0x38;
	[tilespmem:$0x1C960] =	vst v63  }
0xc2: {  	_ =	swait.ge [sflag:s10], $0x2000  }
0xc3: {  	[sflag:s10] =	ssyncset.done $0x0  }
0xc4: {  	[sflag:s10] =	ssyncadd.s32 $0xFFFFE000  }
0xc5: {  	[spmem:s2] =	stream.indirect.scatter.add.f32 [tilespmem:s31], [sflag:$0x5], $0x8, s25, s30, $0xb8;
	[tilespmem:$0x1C960] =	vst v63  }
0xc6: {  	_ = 	snop  }
0xc7: {  	[spmem:s2] =	stream.indirect.scatter.add.f32 [tilespmem:s31], [sflag:$0x5], $0x8, s26, s30, $0xb8;
	[tilespmem:$0x1C960] =	vst v63  }
0xc8: {  	_ =	swait.ge [sflag:s10], $0x2000  }
0xc9: {  	[sflag:s10] =	ssyncset.done $0x0  }
0xca: {  	[sflag:s10] =	ssyncadd.s32 $0xFFFFE000  }
0xcb: {  	[spmem:s2] =	stream.indirect.scatter.add.f32 [tilespmem:s0], [sflag:$0x5], $0x8, s24, s30, $0xb8;
	[tilespmem:$0x1C960] =	vst v63  }
0xcc: {  	_ = 	snop  }
0xcd: {  	[spmem:s2] =	stream.indirect.scatter.add.f32 [tilespmem:s0], [sflag:$0x5], $0x8, s26, s30, $0xb8;
	[tilespmem:$0x1C960] =	vst v63  }
0xce: {  	_ =	swait.ge [sflag:s10], $0x2000  }
0xcf: {  	[sflag:s10] =	ssyncset.done $0x0  }
0xd0: {  	[sflag:s10] =	ssyncadd.s32 $0xFFFFE000  }
0xd1: {  	[spmem:s2] =	stream.indirect.scatter.add.f32 [tilespmem:s1], [sflag:$0x5], $0x8, s25, s30, $0xb8;
	[tilespmem:$0x1C960] =	vst v63  }
0xd2: {  	_ = 	snop  }
0xd3: {  	[spmem:s2] =	stream.indirect.scatter.add.f32 [tilespmem:s1], [sflag:$0x5], $0x8, s24, s30, $0xb8;
	[tilespmem:$0x1C960] =	vst v63  }
0xd4: {  	_ =	swait.ge [sflag:s11], $0x400  }
0xd5: {  	[sflag:s11] =	ssyncset.done $0x0  }
0xd6: {  	[sflag:s11] =	ssyncadd.s32 $0xFFFFFC00  }
0xd7: {  	_ =	swait.ge [sflag:s11], $0x400  }
0xd8: {  	[sflag:s11] =	ssyncset.done $0x0  }
0xd9: {  	[sflag:s11] =	ssyncadd.s32 $0xFFFFFC00  }
0xda: {  	_ =	swait.ge [sflag:s11], $0x400  }
0xdb: {  	[sflag:s11] =	ssyncset.done $0x0  }
0xdc: {  	[sflag:s11] =	ssyncadd.s32 $0xFFFFFC00  }
0xdd: {  	[tilespmem:s12], [sflag:$0x4] =	stream.indirect.gather [hbm4b:s29+s30], $0x8, s7, s30, $0xb8;
	[tilespmem:$0x1C960] =	vst v63  }
0xde: {  	_ = 	snop  }
0xdf: {  	[tilespmem:s13], [sflag:$0x4] =	stream.indirect.gather [hbm4b:s29+s30], $0x8, s8, s30, $0xb8;
	[tilespmem:$0x1C960] =	vst v63  }
0xe0: {  	_ = 	snop  }
0xe1: {  	[tilespmem:s14], [sflag:$0x4] =	stream.indirect.gather [hbm4b:s29+s30], $0x8, s9, s30, $0xb8;
	[tilespmem:$0x1C960] =	vst v63  }
0xe2: {  	_ =	swait.ge [sflag:s15], $0x2000  }
0xe3: {  	[sflag:s15] =	ssyncset.done $0x0  }
0xe4: {  	[sflag:s15] =	ssyncadd.s32 $0xFFFFE000  }
0xe5: {  	_ =	swait.ge [sflag:s15], $0x2000  }
0xe6: {  	[sflag:s15] =	ssyncset.done $0x0  }
0xe7: {  	[sflag:s15] =	ssyncadd.s32 $0xFFFFE000  }
0xe8: {  	_ =	swait.ge [sflag:s15], $0x2000  }
0xe9: {  	[sflag:s15] =	ssyncset.done $0x0  }
0xea: {  	[sflag:s15] =	ssyncadd.s32 $0xFFFFE000  }
0xeb: {  	_ =	swait.ge [sflag:s15], $0x2000  }
0xec: {  	[sflag:s15] =	ssyncset.done $0x0  }
0xed: {  	[sflag:s15] =	ssyncadd.s32 $0xFFFFE000  }
0xee: {  	_ =	swait.ge [sflag:s15], $0x2000  }
0xef: {  	[sflag:s15] =	ssyncset.done $0x0  }
0xf0: {  	[sflag:s15] =	ssyncadd.s32 $0xFFFFE000  }
0xf1: {  	_ =	swait.ge [sflag:s15], $0x2000  }
0xf2: {  	s20 =	sld [smem:$0x7F7]  }
0xf3: {  	[sflag:s15] =	ssyncset.done $0x0  }
0xf4: {  	s21 =	sld [smem:$0x7F8];
	[sflag:s15] =	ssyncadd.s32 $0xFFFFE000  }
0xf5: {  	[tilespmem:s24], [sflag:$0x1] =	stream.linear.gather [hbm4b:s20+s3], $0x400, $0x38;
	[tilespmem:$0x1C960] =	vst v63  }
0xf6: {  	s4 =	sld [smem:$0x7F9]  }
0xf7: {  	[tilespmem:s25], [sflag:$0x1] =	stream.linear.gather [hbm4b:s21+s3], $0x400, $0x38;
	[tilespmem:$0x1C960] =	vst v63  }
0xf8: {  	_ = 	snop  }
0xf9: {  	[tilespmem:s26], [sflag:$0x1] =	stream.linear.gather [hbm4b:s4+s3], $0x400, $0x38;
	[tilespmem:$0x1C960] =	vst v63  }
0xfa: {  	_ =	swait.ge [sflag:s16], $0x2000  }
0xfb: {  	[sflag:s16] =	ssyncset.done $0x0  }
0xfc: {  	[sflag:s16] =	ssyncadd.s32 $0xFFFFE000  }
0xfd: {  	[spmem:s2] =	stream.indirect.scatter.add.f32 [tilespmem:s12], [sflag:$0x6], $0x8, s8, s30, $0xb8;
	[tilespmem:$0x1C960] =	vst v63  }
0xfe: {  	_ = 	snop  }
0xff: {  	[spmem:s2] =	stream.indirect.scatter.add.f32 [tilespmem:s12], [sflag:$0x6], $0x8, s9, s30, $0xb8;
	[tilespmem:$0x1C960] =	vst v63  }
0x100: {  	_ =	swait.ge [sflag:s16], $0x2000  }
0x101: {  	[sflag:s16] =	ssyncset.done $0x0  }
0x102: {  	[sflag:s16] =	ssyncadd.s32 $0xFFFFE000  }
0x103: {  	[spmem:s2] =	stream.indirect.scatter.add.f32 [tilespmem:s13], [sflag:$0x6], $0x8, s7, s30, $0xb8;
	[tilespmem:$0x1C960] =	vst v63  }
0x104: {  	_ = 	snop  }
0x105: {  	[spmem:s2] =	stream.indirect.scatter.add.f32 [tilespmem:s13], [sflag:$0x6], $0x8, s9, s30, $0xb8;
	[tilespmem:$0x1C960] =	vst v63  }
0x106: {  	_ =	swait.ge [sflag:s16], $0x2000  }
0x107: {  	[sflag:s16] =	ssyncset.done $0x0  }
0x108: {  	[sflag:s16] =	ssyncadd.s32 $0xFFFFE000  }
0x109: {  	[spmem:s2] =	stream.indirect.scatter.add.f32 [tilespmem:s14], [sflag:$0x6], $0x8, s8, s30, $0xb8;
	[tilespmem:$0x1C960] =	vst v63  }
0x10a: {  	_ = 	snop  }
0x10b: {  	[spmem:s2] =	stream.indirect.scatter.add.f32 [tilespmem:s14], [sflag:$0x6], $0x8, s7, s30, $0xb8;
	[tilespmem:$0x1C960] =	vst v63  }
0x10c: {  	_ =	swait.ge [sflag:s28], $0x400  }
0x10d: {  	[sflag:s28] =	ssyncset.done $0x0  }
0x10e: {  	[sflag:s28] =	ssyncadd.s32 $0xFFFFFC00  }
0x10f: {  	_ =	swait.ge [sflag:s28], $0x400  }
0x110: {  	[sflag:s28] =	ssyncset.done $0x0  }
0x111: {  	[sflag:s28] =	ssyncadd.s32 $0xFFFFFC00  }
0x112: {  	_ =	swait.ge [sflag:s28], $0x400  }
0x113: {  	[sflag:s28] =	ssyncset.done $0x0  }
0x114: {  	[sflag:s28] =	ssyncadd.s32 $0xFFFFFC00  }
0x115: {  	[tilespmem:s31], [sflag:$0x3] =	stream.indirect.gather [hbm4b:s29+s30], $0x8, s24, s30, $0xb8;
	[tilespmem:$0x1C960] =	vst v63  }
0x116: {  	_ = 	snop  }
0x117: {  	[tilespmem:s0], [sflag:$0x3] =	stream.indirect.gather [hbm4b:s29+s30], $0x8, s25, s30, $0xb8;
	[tilespmem:$0x1C960] =	vst v63  }
0x118: {  	_ = 	snop  }
0x119: {  	[tilespmem:s1], [sflag:$0x3] =	stream.indirect.gather [hbm4b:s29+s30], $0x8, s26, s30, $0xb8;
	[tilespmem:$0x1C960] =	vst v63  }
0x11a: {  	_ =	swait.ge [sflag:s10], $0x2000  }
0x11b: {  	[sflag:s10] =	ssyncset.done $0x0  }
0x11c: {  	[sflag:s10] =	ssyncadd.s32 $0xFFFFE000  }
0x11d: {  	[spmem:s2] =	stream.indirect.scatter.add.f32 [tilespmem:s31], [sflag:$0x5], $0x8, s25, s30, $0xb8;
	[tilespmem:$0x1C960] =	vst v63  }
0x11e: {  	_ = 	snop  }
0x11f: {  	[spmem:s2] =	stream.indirect.scatter.add.f32 [tilespmem:s31], [sflag:$0x5], $0x8, s26, s30, $0xb8;
	[tilespmem:$0x1C960] =	vst v63  }
0x120: {  	_ =	swait.ge [sflag:s10], $0x2000  }
0x121: {  	[sflag:s10] =	ssyncset.done $0x0  }
0x122: {  	[sflag:s10] =	ssyncadd.s32 $0xFFFFE000  }
0x123: {  	[spmem:s2] =	stream.indirect.scatter.add.f32 [tilespmem:s0], [sflag:$0x5], $0x8, s24, s30, $0xb8;
	[tilespmem:$0x1C960] =	vst v63  }
0x124: {  	_ = 	snop  }
0x125: {  	[spmem:s2] =	stream.indirect.scatter.add.f32 [tilespmem:s0], [sflag:$0x5], $0x8, s26, s30, $0xb8;
	[tilespmem:$0x1C960] =	vst v63  }
0x126: {  	_ =	swait.ge [sflag:s10], $0x2000  }
0x127: {  	[sflag:s10] =	ssyncset.done $0x0  }
0x128: {  	[sflag:s10] =	ssyncadd.s32 $0xFFFFE000  }
0x129: {  	[spmem:s2] =	stream.indirect.scatter.add.f32 [tilespmem:s1], [sflag:$0x5], $0x8, s25, s30, $0xb8;
	[tilespmem:$0x1C960] =	vst v63  }
0x12a: {  	_ = 	snop  }
0x12b: {  	[spmem:s2] =	stream.indirect.scatter.add.f32 [tilespmem:s1], [sflag:$0x5], $0x8, s24, s30, $0xb8;
	[tilespmem:$0x1C960] =	vst v63  }
0x12c: {  	_ =	swait.ge [sflag:s17], $0x2000  }
0x12d: {  	[sflag:s17] =	ssyncset.done $0x0  }
0x12e: {  	[sflag:s17] =	ssyncadd.s32 $0xFFFFE000  }
0x12f: {  	_ =	swait.ge [sflag:s17], $0x2000  }
0x130: {  	[sflag:s17] =	ssyncset.done $0x0  }
0x131: {  	[sflag:s17] =	ssyncadd.s32 $0xFFFFE000  }
0x132: {  	_ =	swait.ge [sflag:s17], $0x2000  }
0x133: {  	[sflag:s17] =	ssyncset.done $0x0  }
0x134: {  	[sflag:s17] =	ssyncadd.s32 $0xFFFFE000  }
0x135: {  	_ =	swait.ge [sflag:s17], $0x2000  }
0x136: {  	[sflag:s17] =	ssyncset.done $0x0  }
0x137: {  	[sflag:s17] =	ssyncadd.s32 $0xFFFFE000  }
0x138: {  	_ =	swait.ge [sflag:s17], $0x2000  }
0x139: {  	[sflag:s17] =	ssyncset.done $0x0  }
0x13a: {  	[sflag:s17] =	ssyncadd.s32 $0xFFFFE000  }
0x13b: {  	_ =	swait.ge [sflag:s17], $0x2000  }
0x13c: {  	[sflag:s17] =	ssyncset.done $0x0  }
0x13d: {  	[sflag:s17] =	ssyncadd.s32 $0xFFFFE000  }
0x13e: {  	_ =	swait.ge [sflag:s15], $0x2000  }
0x13f: {  	[sflag:s15] =	ssyncset.done $0x0  }
0x140: {  	[sflag:s15] =	ssyncadd.s32 $0xFFFFE000  }
0x141: {  	_ =	swait.ge [sflag:s15], $0x2000  }
0x142: {  	[sflag:s15] =	ssyncset.done $0x0  }
0x143: {  	[sflag:s15] =	ssyncadd.s32 $0xFFFFE000  }
0x144: {  	_ =	swait.ge [sflag:s15], $0x2000  }
0x145: {  	[sflag:s15] =	ssyncset.done $0x0  }
0x146: {  	[sflag:s15] =	ssyncadd.s32 $0xFFFFE000  }
0x147: {  	_ =	swait.ge [sflag:s15], $0x2000  }
0x148: {  	[sflag:s15] =	ssyncset.done $0x0  }
0x149: {  	[sflag:s15] =	ssyncadd.s32 $0xFFFFE000  }
0x14a: {  	_ =	swait.ge [sflag:s15], $0x2000  }
0x14b: {  	[sflag:s15] =	ssyncset.done $0x0  }
0x14c: {  	[sflag:s15] =	ssyncadd.s32 $0xFFFFE000  }
0x14d: {  	_ =	swait.ge [sflag:s15], $0x2000  }
0x14e: {  	s5 =	sld [smem:$0x7FA]  }
0x14f: {  	[sflag:s15] =	ssyncset.done $0x0  }
0x150: {  	s4 =	smov.u32 s6;
	s6 =	simm.s32 $0x1A0D0;
	[sflag:s15] =	ssyncadd.s32 $0xFFFFE000  }
0x151: {  	[tilespmem:s6], [sflag:$0x7] =	stream.linear.gather [hbm4b:s5+s3], $0x3B0, $0x38;
	[tilespmem:$0x1C960] =	vst v63  }
0x152: {  	_ =	swait.ge [sflag:s23], $0x3B0  }
0x153: {  	s20 =	sld [smem:$0x7FB]  }
0x154: {  	[sflag:s23] =	ssyncset.done $0x0  }
0x155: {  	s5 =	simm.s32 $0x1A480;
	[sflag:s23] =	ssyncadd.s32 $0xFFFFFC50  }
0x156: {  	[tilespmem:s5], [sflag:$0x7] =	stream.linear.gather [hbm4b:s20+s3], $0x3B0, $0x38;
	[tilespmem:$0x1C960] =	vst v63  }
0x157: {  	_ =	swait.ge [sflag:s23], $0x3B0  }
0x158: {  	s21 =	sld [smem:$0x7FC]  }
0x159: {  	[sflag:s23] =	ssyncset.done $0x0  }
0x15a: {  	s20 =	simm.s32 $0x1A830;
	[sflag:s23] =	ssyncadd.s32 $0xFFFFFC50  }
0x15b: {  	[tilespmem:s20], [sflag:$0x7] =	stream.linear.gather [hbm4b:s21+s3], $0x3B0, $0x38;
	[tilespmem:$0x1C960] =	vst v63  }
0x15c: {  	_ =	swait.ge [sflag:s23], $0x3B0  }
0x15d: {  	[sflag:s23] =	ssyncset.done $0x0  }
0x15e: {  	s19 =	simm.s32 $0x3B0;
	s21 =	simm.s32 $0x1ABE0;
	[sflag:s23] =	ssyncadd.s32 $0xFFFFFC50  }
0x15f: {  	[tilespmem:s21], [sflag:$0x7] =	stream.indirect.gather [hbm4b:s29+s19], $0x8, s6, s19, $0xb8;
	[tilespmem:$0x1C960] =	vst v63  }
0x160: {  	_ =	swait.ge [sflag:s23], $0x1D80  }
0x161: {  	[sflag:s23] =	ssyncset.done $0x0  }
0x162: {  	[sflag:s23] =	ssyncadd.s32 $0xFFFFE280  }
0x163: {  	[spmem:s2] =	stream.indirect.scatter.add.f32 [tilespmem:s21], [sflag:$0x7], $0x8, s5, s19, $0xb8;
	[tilespmem:$0x1C960] =	vst v63  }
0x164: {  	_ =	swait.ge [sflag:s23], $0x1D80  }
0x165: {  	[sflag:s23] =	ssyncset.done $0x0  }
0x166: {  	[sflag:s23] =	ssyncadd.s32 $0xFFFFE280  }
0x167: {  	[spmem:s2] =	stream.indirect.scatter.add.f32 [tilespmem:s21], [sflag:$0x7], $0x8, s20, s19, $0xb8;
	[tilespmem:$0x1C960] =	vst v63  }
0x168: {  	_ =	swait.ge [sflag:s23], $0x1D80  }
0x169: {  	[sflag:s23] =	ssyncset.done $0x0  }
0x16a: {  	[sflag:s23] =	ssyncadd.s32 $0xFFFFE280  }
0x16b: {  	[tilespmem:s21], [sflag:$0x7] =	stream.indirect.gather [hbm4b:s29+s19], $0x8, s5, s19, $0xb8;
	[tilespmem:$0x1C960] =	vst v63  }
0x16c: {  	_ =	swait.ge [sflag:s23], $0x1D80  }
0x16d: {  	[sflag:s23] =	ssyncset.done $0x0  }
0x16e: {  	[sflag:s23] =	ssyncadd.s32 $0xFFFFE280  }
0x16f: {  	[spmem:s2] =	stream.indirect.scatter.add.f32 [tilespmem:s21], [sflag:$0x7], $0x8, s6, s19, $0xb8;
	[tilespmem:$0x1C960] =	vst v63  }
0x170: {  	_ =	swait.ge [sflag:s23], $0x1D80  }
0x171: {  	[sflag:s23] =	ssyncset.done $0x0  }
0x172: {  	[sflag:s23] =	ssyncadd.s32 $0xFFFFE280  }
0x173: {  	[spmem:s2] =	stream.indirect.scatter.add.f32 [tilespmem:s21], [sflag:$0x7], $0x8, s20, s19, $0xb8;
	[tilespmem:$0x1C960] =	vst v63  }
0x174: {  	_ =	swait.ge [sflag:s23], $0x1D80  }
0x175: {  	[sflag:s23] =	ssyncset.done $0x0  }
0x176: {  	[sflag:s23] =	ssyncadd.s32 $0xFFFFE280  }
0x177: {  	[tilespmem:s21], [sflag:$0x7] =	stream.indirect.gather [hbm4b:s29+s19], $0x8, s20, s19, $0xb8;
	[tilespmem:$0x1C960] =	vst v63  }
0x178: {  	_ =	swait.ge [sflag:s23], $0x1D80  }
0x179: {  	[sflag:s23] =	ssyncset.done $0x0  }
0x17a: {  	[sflag:s23] =	ssyncadd.s32 $0xFFFFE280  }
0x17b: {  	[spmem:s2] =	stream.indirect.scatter.add.f32 [tilespmem:s21], [sflag:$0x7], $0x8, s5, s19, $0xb8;
	[tilespmem:$0x1C960] =	vst v63  }
0x17c: {  	_ =	swait.ge [sflag:s23], $0x1D80  }
0x17d: {  	[sflag:s23] =	ssyncset.done $0x0  }
0x17e: {  	[sflag:s23] =	ssyncadd.s32 $0xFFFFE280  }
0x17f: {  	[spmem:s2] =	stream.indirect.scatter.add.f32 [tilespmem:s21], [sflag:$0x7], $0x8, s6, s19, $0xb8;
	[tilespmem:$0x1C960] =	vst v63  }
0x180: {  	_ =	swait.ge [sflag:s23], $0x1D80  }
0x181: {  	[sflag:s23] =	ssyncset.done $0x0  }
0x182: {  	s6 =	smov.u32 s4;
	[sflag:s23] =	ssyncadd.s32 $0xFFFFE280  }
.LBB2_4:
0x183: {  	[bflag:$0x0] =	sbarrier.arrive $0xFFFF  }
0x184: {  	s22 =	sadd.s32 $0xFFFFFFFF, s22;
	s19 =	sld [smem:$0x7FD]  }
0x185: {  	p1 =	sne.s32 s22, $0x0  }
.Ltmp1:
0x186: {  	_ = 	snop;
	(pc) =	sbr.rel @!p1 .LBB2_5-.Ltmp1, $4  }
0x187: {  	[hbm:s19], [sflag:s6] =	dma.local [spmem:s18], $0x1880  }
0x188: {  	_ =	swait.ge [sflag:s23], $0x1880  }
0x189: {  	[sflag:s23] =	ssyncset.done $0x0  }
0x18a: {  	[sflag:s23] =	ssyncadd.s32 $0xFFFFE780  }
.LBB2_1:
0x18b: {  	s18 =	rddreg [dreg:$0x3]  }
0x18c: {  	s19 =	rddreg [dreg:$0x4];
	s18 =	sshrl.u32 s18, $0x3  }
0x18d: {  	[spmem:s18], [sflag:s6] =	dma.local [hbm:s19], $0x1880  }
.Ltmp2:
0x18e: {  	_ =	swait.ge [sflag:s23], $0x1880;
	(pc) =	sbr.rel @p0 .LBB2_3-.Ltmp2, $3  }
0x18f: {  	[sflag:s23] =	ssyncset.done $0x0  }
0x190: {  	[sflag:s23] =	ssyncadd.s32 $0xFFFFE780  }
0x191: {  	[bflag:$0x0] =	sbarrier.arrive $0xFFFF;
	_ =	sdelay $0x1  }
0x192: {  	s19 =	rddreg [dreg:$0x5]  }
0x193: {  	[tilespmem:s24], [sflag:$0x1] =	stream.linear.gather [hbm4b:s19+s3], $0x400, $0x38;
	[tilespmem:$0x1C960] =	vst v63  }
0x194: {  	s4 =	rddreg [dreg:$0x6]  }
0x195: {  	[tilespmem:s25], [sflag:$0x1] =	stream.linear.gather [hbm4b:s4+s3], $0x400, $0x38;
	[tilespmem:$0x1C960] =	vst v63  }
0x196: {  	s5 =	rddreg [dreg:$0x7]  }
0x197: {  	[tilespmem:s26], [sflag:$0x1] =	stream.linear.gather [hbm4b:s5+s3], $0x400, $0x38;
	[tilespmem:$0x1C960] =	vst v63  }
0x198: {  	_ =	swait.ge [sflag:s28], $0x400  }
0x199: {  	[sflag:s28] =	ssyncset.done $0x0  }
0x19a: {  	[sflag:s28] =	ssyncadd.s32 $0xFFFFFC00  }
0x19b: {  	_ =	swait.ge [sflag:s28], $0x400  }
0x19c: {  	[sflag:s28] =	ssyncset.done $0x0  }
0x19d: {  	[sflag:s28] =	ssyncadd.s32 $0xFFFFFC00  }
0x19e: {  	_ =	swait.ge [sflag:s28], $0x400  }
0x19f: {  	[sflag:s28] =	ssyncset.done $0x0  }
0x1a0: {  	[sflag:s28] =	ssyncadd.s32 $0xFFFFFC00  }
0x1a1: {  	[tilespmem:s31], [sflag:$0x3] =	stream.indirect.gather [hbm4b:s29+s30], $0x8, s24, s30, $0xb8;
	[tilespmem:$0x1C960] =	vst v63  }
0x1a2: {  	_ = 	snop  }
0x1a3: {  	[tilespmem:s0], [sflag:$0x3] =	stream.indirect.gather [hbm4b:s29+s30], $0x8, s25, s30, $0xb8;
	[tilespmem:$0x1C960] =	vst v63  }
0x1a4: {  	_ = 	snop  }
0x1a5: {  	[tilespmem:s1], [sflag:$0x3] =	stream.indirect.gather [hbm4b:s29+s30], $0x8, s26, s30, $0xb8;
	[tilespmem:$0x1C960] =	vst v63  }
0x1a6: {  	s20 =	rddreg [dreg:$0x8]  }
0x1a7: {  	[tilespmem:s7], [sflag:$0x2] =	stream.linear.gather [hbm4b:s20+s3], $0x400, $0x38;
	[tilespmem:$0x1C960] =	vst v63  }
0x1a8: {  	s21 =	rddreg [dreg:$0x9]  }
0x1a9: {  	[tilespmem:s8], [sflag:$0x2] =	stream.linear.gather [hbm4b:s21+s3], $0x400, $0x38;
	[tilespmem:$0x1C960] =	vst v63  }
0x1aa: {  	s4 =	rddreg [dreg:$0xa]  }
0x1ab: {  	[tilespmem:s9], [sflag:$0x2] =	stream.linear.gather [hbm4b:s4+s3], $0x400, $0x38;
	[tilespmem:$0x1C960] =	vst v63  }
0x1ac: {  	_ =	swait.ge [sflag:s10], $0x2000  }
0x1ad: {  	[sflag:s10] =	ssyncset.done $0x0  }
0x1ae: {  	[sflag:s10] =	ssyncadd.s32 $0xFFFFE000  }
0x1af: {  	[spmem:s2] =	stream.indirect.scatter.add.f32 [tilespmem:s31], [sflag:$0x5], $0x8, s25, s30, $0xb8;
	[tilespmem:$0x1C960] =	vst v63  }
0x1b0: {  	_ = 	snop  }
0x1b1: {  	[spmem:s2] =	stream.indirect.scatter.add.f32 [tilespmem:s31], [sflag:$0x5], $0x8, s26, s30, $0xb8;
	[tilespmem:$0x1C960] =	vst v63  }
0x1b2: {  	_ =	swait.ge [sflag:s10], $0x2000  }
0x1b3: {  	[sflag:s10] =	ssyncset.done $0x0  }
0x1b4: {  	[sflag:s10] =	ssyncadd.s32 $0xFFFFE000  }
0x1b5: {  	[spmem:s2] =	stream.indirect.scatter.add.f32 [tilespmem:s0], [sflag:$0x5], $0x8, s24, s30, $0xb8;
	[tilespmem:$0x1C960] =	vst v63  }
0x1b6: {  	_ = 	snop  }
0x1b7: {  	[spmem:s2] =	stream.indirect.scatter.add.f32 [tilespmem:s0], [sflag:$0x5], $0x8, s26, s30, $0xb8;
	[tilespmem:$0x1C960] =	vst v63  }
0x1b8: {  	_ =	swait.ge [sflag:s10], $0x2000  }
0x1b9: {  	[sflag:s10] =	ssyncset.done $0x0  }
0x1ba: {  	[sflag:s10] =	ssyncadd.s32 $0xFFFFE000  }
0x1bb: {  	[spmem:s2] =	stream.indirect.scatter.add.f32 [tilespmem:s1], [sflag:$0x5], $0x8, s25, s30, $0xb8;
	[tilespmem:$0x1C960] =	vst v63  }
0x1bc: {  	_ = 	snop  }
0x1bd: {  	[spmem:s2] =	stream.indirect.scatter.add.f32 [tilespmem:s1], [sflag:$0x5], $0x8, s24, s30, $0xb8;
	[tilespmem:$0x1C960] =	vst v63  }
0x1be: {  	_ =	swait.ge [sflag:s11], $0x400  }
0x1bf: {  	[sflag:s11] =	ssyncset.done $0x0  }
0x1c0: {  	[sflag:s11] =	ssyncadd.s32 $0xFFFFFC00  }
0x1c1: {  	_ =	swait.ge [sflag:s11], $0x400  }
0x1c2: {  	[sflag:s11] =	ssyncset.done $0x0  }
0x1c3: {  	[sflag:s11] =	ssyncadd.s32 $0xFFFFFC00  }
0x1c4: {  	_ =	swait.ge [sflag:s11], $0x400  }
0x1c5: {  	[sflag:s11] =	ssyncset.done $0x0  }
0x1c6: {  	[sflag:s11] =	ssyncadd.s32 $0xFFFFFC00  }
0x1c7: {  	[tilespmem:s12], [sflag:$0x4] =	stream.indirect.gather [hbm4b:s29+s30], $0x8, s7, s30, $0xb8;
	[tilespmem:$0x1C960] =	vst v63  }
0x1c8: {  	_ = 	snop  }
0x1c9: {  	[tilespmem:s13], [sflag:$0x4] =	stream.indirect.gather [hbm4b:s29+s30], $0x8, s8, s30, $0xb8;
	[tilespmem:$0x1C960] =	vst v63  }
0x1ca: {  	_ = 	snop  }
0x1cb: {  	[tilespmem:s14], [sflag:$0x4] =	stream.indirect.gather [hbm4b:s29+s30], $0x8, s9, s30, $0xb8;
	[tilespmem:$0x1C960] =	vst v63  }
0x1cc: {  	_ =	swait.ge [sflag:s15], $0x2000  }
0x1cd: {  	[sflag:s15] =	ssyncset.done $0x0  }
0x1ce: {  	[sflag:s15] =	ssyncadd.s32 $0xFFFFE000  }
0x1cf: {  	_ =	swait.ge [sflag:s15], $0x2000  }
0x1d0: {  	[sflag:s15] =	ssyncset.done $0x0  }
0x1d1: {  	[sflag:s15] =	ssyncadd.s32 $0xFFFFE000  }
0x1d2: {  	_ =	swait.ge [sflag:s15], $0x2000  }
0x1d3: {  	[sflag:s15] =	ssyncset.done $0x0  }
0x1d4: {  	[sflag:s15] =	ssyncadd.s32 $0xFFFFE000  }
0x1d5: {  	_ =	swait.ge [sflag:s15], $0x2000  }
0x1d6: {  	[sflag:s15] =	ssyncset.done $0x0  }
0x1d7: {  	[sflag:s15] =	ssyncadd.s32 $0xFFFFE000  }
0x1d8: {  	_ =	swait.ge [sflag:s15], $0x2000  }
0x1d9: {  	[sflag:s15] =	ssyncset.done $0x0  }
0x1da: {  	[sflag:s15] =	ssyncadd.s32 $0xFFFFE000  }
0x1db: {  	_ =	swait.ge [sflag:s15], $0x2000  }
0x1dc: {  	[sflag:s15] =	ssyncset.done $0x0  }
0x1dd: {  	s5 =	rddreg [dreg:$0xb];
	[sflag:s15] =	ssyncadd.s32 $0xFFFFE000  }
0x1de: {  	[tilespmem:s24], [sflag:$0x1] =	stream.linear.gather [hbm4b:s5+s3], $0x400, $0x38;
	[tilespmem:$0x1C960] =	vst v63  }
0x1df: {  	s20 =	rddreg [dreg:$0xc]  }
0x1e0: {  	[tilespmem:s25], [sflag:$0x1] =	stream.linear.gather [hbm4b:s20+s3], $0x400, $0x38;
	[tilespmem:$0x1C960] =	vst v63  }
0x1e1: {  	s21 =	rddreg [dreg:$0xd]  }
0x1e2: {  	[tilespmem:s26], [sflag:$0x1] =	stream.linear.gather [hbm4b:s21+s3], $0x400, $0x38;
	[tilespmem:$0x1C960] =	vst v63  }
0x1e3: {  	_ =	swait.ge [sflag:s16], $0x2000  }
0x1e4: {  	[sflag:s16] =	ssyncset.done $0x0  }
0x1e5: {  	[sflag:s16] =	ssyncadd.s32 $0xFFFFE000  }
0x1e6: {  	[spmem:s2] =	stream.indirect.scatter.add.f32 [tilespmem:s12], [sflag:$0x6], $0x8, s8, s30, $0xb8;
	[tilespmem:$0x1C960] =	vst v63  }
0x1e7: {  	_ = 	snop  }
0x1e8: {  	[spmem:s2] =	stream.indirect.scatter.add.f32 [tilespmem:s12], [sflag:$0x6], $0x8, s9, s30, $0xb8;
	[tilespmem:$0x1C960] =	vst v63  }
0x1e9: {  	_ =	swait.ge [sflag:s16], $0x2000  }
0x1ea: {  	[sflag:s16] =	ssyncset.done $0x0  }
0x1eb: {  	[sflag:s16] =	ssyncadd.s32 $0xFFFFE000  }
0x1ec: {  	[spmem:s2] =	stream.indirect.scatter.add.f32 [tilespmem:s13], [sflag:$0x6], $0x8, s7, s30, $0xb8;
	[tilespmem:$0x1C960] =	vst v63  }
0x1ed: {  	_ = 	snop  }
0x1ee: {  	[spmem:s2] =	stream.indirect.scatter.add.f32 [tilespmem:s13], [sflag:$0x6], $0x8, s9, s30, $0xb8;
	[tilespmem:$0x1C960] =	vst v63  }
0x1ef: {  	_ =	swait.ge [sflag:s16], $0x2000  }
0x1f0: {  	[sflag:s16] =	ssyncset.done $0x0  }
0x1f1: {  	[sflag:s16] =	ssyncadd.s32 $0xFFFFE000  }
0x1f2: {  	[spmem:s2] =	stream.indirect.scatter.add.f32 [tilespmem:s14], [sflag:$0x6], $0x8, s8, s30, $0xb8;
	[tilespmem:$0x1C960] =	vst v63  }
0x1f3: {  	_ = 	snop  }
0x1f4: {  	[spmem:s2] =	stream.indirect.scatter.add.f32 [tilespmem:s14], [sflag:$0x6], $0x8, s7, s30, $0xb8;
	[tilespmem:$0x1C960] =	vst v63  }
0x1f5: {  	_ =	swait.ge [sflag:s28], $0x400  }
0x1f6: {  	[sflag:s28] =	ssyncset.done $0x0  }
0x1f7: {  	[sflag:s28] =	ssyncadd.s32 $0xFFFFFC00  }
0x1f8: {  	_ =	swait.ge [sflag:s28], $0x400  }
0x1f9: {  	[sflag:s28] =	ssyncset.done $0x0  }
0x1fa: {  	[sflag:s28] =	ssyncadd.s32 $0xFFFFFC00  }
0x1fb: {  	_ =	swait.ge [sflag:s28], $0x400  }
0x1fc: {  	[sflag:s28] =	ssyncset.done $0x0  }
0x1fd: {  	[sflag:s28] =	ssyncadd.s32 $0xFFFFFC00  }
0x1fe: {  	[tilespmem:s31], [sflag:$0x3] =	stream.indirect.gather [hbm4b:s29+s30], $0x8, s24, s30, $0xb8;
	[tilespmem:$0x1C960] =	vst v63  }
0x1ff: {  	_ = 	snop  }
0x200: {  	[tilespmem:s0], [sflag:$0x3] =	stream.indirect.gather [hbm4b:s29+s30], $0x8, s25, s30, $0xb8;
	[tilespmem:$0x1C960] =	vst v63  }
0x201: {  	_ = 	snop  }
0x202: {  	[tilespmem:s1], [sflag:$0x3] =	stream.indirect.gather [hbm4b:s29+s30], $0x8, s26, s30, $0xb8;
	[tilespmem:$0x1C960] =	vst v63  }
0x203: {  	_ =	swait.ge [sflag:s17], $0x2000  }
0x204: {  	[sflag:s17] =	ssyncset.done $0x0  }
0x205: {  	[sflag:s17] =	ssyncadd.s32 $0xFFFFE000  }
0x206: {  	_ =	swait.ge [sflag:s17], $0x2000  }
0x207: {  	[sflag:s17] =	ssyncset.done $0x0  }
0x208: {  	[sflag:s17] =	ssyncadd.s32 $0xFFFFE000  }
0x209: {  	_ =	swait.ge [sflag:s17], $0x2000  }
0x20a: {  	[sflag:s17] =	ssyncset.done $0x0  }
0x20b: {  	[sflag:s17] =	ssyncadd.s32 $0xFFFFE000  }
0x20c: {  	_ =	swait.ge [sflag:s17], $0x2000  }
0x20d: {  	[sflag:s17] =	ssyncset.done $0x0  }
0x20e: {  	[sflag:s17] =	ssyncadd.s32 $0xFFFFE000  }
0x20f: {  	_ =	swait.ge [sflag:s17], $0x2000  }
0x210: {  	[sflag:s17] =	ssyncset.done $0x0  }
0x211: {  	[sflag:s17] =	ssyncadd.s32 $0xFFFFE000  }
0x212: {  	_ =	swait.ge [sflag:s17], $0x2000  }
0x213: {  	[sflag:s17] =	ssyncset.done $0x0  }
0x214: {  	s4 =	rddreg [dreg:$0xe];
	[sflag:s17] =	ssyncadd.s32 $0xFFFFE000  }
0x215: {  	[tilespmem:s7], [sflag:$0x2] =	stream.linear.gather [hbm4b:s4+s3], $0x400, $0x38;
	[tilespmem:$0x1C960] =	vst v63  }
0x216: {  	s5 =	rddreg [dreg:$0xf]  }
0x217: {  	[tilespmem:s8], [sflag:$0x2] =	stream.linear.gather [hbm4b:s5+s3], $0x400, $0x38;
	[tilespmem:$0x1C960] =	vst v63  }
0x218: {  	s20 =	rddreg [dreg:$0x10]  }
0x219: {  	[tilespmem:s9], [sflag:$0x2] =	stream.linear.gather [hbm4b:s20+s3], $0x400, $0x38;
	[tilespmem:$0x1C960] =	vst v63  }
0x21a: {  	_ =	swait.ge [sflag:s10], $0x2000  }
0x21b: {  	[sflag:s10] =	ssyncset.done $0x0  }
0x21c: {  	[sflag:s10] =	ssyncadd.s32 $0xFFFFE000  }
0x21d: {  	[spmem:s2] =	stream.indirect.scatter.add.f32 [tilespmem:s31], [sflag:$0x5], $0x8, s25, s30, $0xb8;
	[tilespmem:$0x1C960] =	vst v63  }
0x21e: {  	_ = 	snop  }
0x21f: {  	[spmem:s2] =	stream.indirect.scatter.add.f32 [tilespmem:s31], [sflag:$0x5], $0x8, s26, s30, $0xb8;
	[tilespmem:$0x1C960] =	vst v63  }
0x220: {  	_ =	swait.ge [sflag:s10], $0x2000  }
0x221: {  	[sflag:s10] =	ssyncset.done $0x0  }
0x222: {  	[sflag:s10] =	ssyncadd.s32 $0xFFFFE000  }
0x223: {  	[spmem:s2] =	stream.indirect.scatter.add.f32 [tilespmem:s0], [sflag:$0x5], $0x8, s24, s30, $0xb8;
	[tilespmem:$0x1C960] =	vst v63  }
0x224: {  	_ = 	snop  }
0x225: {  	[spmem:s2] =	stream.indirect.scatter.add.f32 [tilespmem:s0], [sflag:$0x5], $0x8, s26, s30, $0xb8;
	[tilespmem:$0x1C960] =	vst v63  }
0x226: {  	_ =	swait.ge [sflag:s10], $0x2000  }
0x227: {  	[sflag:s10] =	ssyncset.done $0x0  }
0x228: {  	[sflag:s10] =	ssyncadd.s32 $0xFFFFE000  }
0x229: {  	[spmem:s2] =	stream.indirect.scatter.add.f32 [tilespmem:s1], [sflag:$0x5], $0x8, s25, s30, $0xb8;
	[tilespmem:$0x1C960] =	vst v63  }
0x22a: {  	_ = 	snop  }
0x22b: {  	[spmem:s2] =	stream.indirect.scatter.add.f32 [tilespmem:s1], [sflag:$0x5], $0x8, s24, s30, $0xb8;
	[tilespmem:$0x1C960] =	vst v63  }
0x22c: {  	_ =	swait.ge [sflag:s11], $0x400  }
0x22d: {  	[sflag:s11] =	ssyncset.done $0x0  }
0x22e: {  	[sflag:s11] =	ssyncadd.s32 $0xFFFFFC00  }
0x22f: {  	_ =	swait.ge [sflag:s11], $0x400  }
0x230: {  	[sflag:s11] =	ssyncset.done $0x0  }
0x231: {  	[sflag:s11] =	ssyncadd.s32 $0xFFFFFC00  }
0x232: {  	_ =	swait.ge [sflag:s11], $0x400  }
0x233: {  	[sflag:s11] =	ssyncset.done $0x0  }
0x234: {  	[sflag:s11] =	ssyncadd.s32 $0xFFFFFC00  }
0x235: {  	[tilespmem:s12], [sflag:$0x4] =	stream.indirect.gather [hbm4b:s29+s30], $0x8, s7, s30, $0xb8;
	[tilespmem:$0x1C960] =	vst v63  }
0x236: {  	_ = 	snop  }
0x237: {  	[tilespmem:s13], [sflag:$0x4] =	stream.indirect.gather [hbm4b:s29+s30], $0x8, s8, s30, $0xb8;
	[tilespmem:$0x1C960] =	vst v63  }
0x238: {  	_ = 	snop  }
0x239: {  	[tilespmem:s14], [sflag:$0x4] =	stream.indirect.gather [hbm4b:s29+s30], $0x8, s9, s30, $0xb8;
	[tilespmem:$0x1C960] =	vst v63  }
0x23a: {  	_ =	swait.ge [sflag:s15], $0x2000  }
0x23b: {  	[sflag:s15] =	ssyncset.done $0x0  }
0x23c: {  	[sflag:s15] =	ssyncadd.s32 $0xFFFFE000  }
0x23d: {  	_ =	swait.ge [sflag:s15], $0x2000  }
0x23e: {  	[sflag:s15] =	ssyncset.done $0x0  }
0x23f: {  	[sflag:s15] =	ssyncadd.s32 $0xFFFFE000  }
0x240: {  	_ =	swait.ge [sflag:s15], $0x2000  }
0x241: {  	[sflag:s15] =	ssyncset.done $0x0  }
0x242: {  	[sflag:s15] =	ssyncadd.s32 $0xFFFFE000  }
0x243: {  	_ =	swait.ge [sflag:s15], $0x2000  }
0x244: {  	[sflag:s15] =	ssyncset.done $0x0  }
0x245: {  	[sflag:s15] =	ssyncadd.s32 $0xFFFFE000  }
0x246: {  	_ =	swait.ge [sflag:s15], $0x2000  }
0x247: {  	[sflag:s15] =	ssyncset.done $0x0  }
0x248: {  	[sflag:s15] =	ssyncadd.s32 $0xFFFFE000  }
0x249: {  	_ =	swait.ge [sflag:s15], $0x2000  }
0x24a: {  	[sflag:s15] =	ssyncset.done $0x0  }
0x24b: {  	s21 =	rddreg [dreg:$0x11];
	[sflag:s15] =	ssyncadd.s32 $0xFFFFE000  }
0x24c: {  	[tilespmem:s24], [sflag:$0x1] =	stream.linear.gather [hbm4b:s21+s3], $0x400, $0x38;
	[tilespmem:$0x1C960] =	vst v63  }
0x24d: {  	s4 =	rddreg [dreg:$0x12]  }
0x24e: {  	[tilespmem:s25], [sflag:$0x1] =	stream.linear.gather [hbm4b:s4+s3], $0x400, $0x38;
	[tilespmem:$0x1C960] =	vst v63  }
0x24f: {  	s5 =	rddreg [dreg:$0x13]  }
0x250: {  	[tilespmem:s26], [sflag:$0x1] =	stream.linear.gather [hbm4b:s5+s3], $0x400, $0x38;
	[tilespmem:$0x1C960] =	vst v63  }
0x251: {  	_ =	swait.ge [sflag:s16], $0x2000  }
0x252: {  	[sflag:s16] =	ssyncset.done $0x0  }
0x253: {  	[sflag:s16] =	ssyncadd.s32 $0xFFFFE000  }
0x254: {  	[spmem:s2] =	stream.indirect.scatter.add.f32 [tilespmem:s12], [sflag:$0x6], $0x8, s8, s30, $0xb8;
	[tilespmem:$0x1C960] =	vst v63  }
0x255: {  	_ = 	snop  }
0x256: {  	[spmem:s2] =	stream.indirect.scatter.add.f32 [tilespmem:s12], [sflag:$0x6], $0x8, s9, s30, $0xb8;
	[tilespmem:$0x1C960] =	vst v63  }
0x257: {  	_ =	swait.ge [sflag:s16], $0x2000  }
0x258: {  	[sflag:s16] =	ssyncset.done $0x0  }
0x259: {  	[sflag:s16] =	ssyncadd.s32 $0xFFFFE000  }
0x25a: {  	[spmem:s2] =	stream.indirect.scatter.add.f32 [tilespmem:s13], [sflag:$0x6], $0x8, s7, s30, $0xb8;
	[tilespmem:$0x1C960] =	vst v63  }
0x25b: {  	_ = 	snop  }
0x25c: {  	[spmem:s2] =	stream.indirect.scatter.add.f32 [tilespmem:s13], [sflag:$0x6], $0x8, s9, s30, $0xb8;
	[tilespmem:$0x1C960] =	vst v63  }
0x25d: {  	_ =	swait.ge [sflag:s16], $0x2000  }
0x25e: {  	[sflag:s16] =	ssyncset.done $0x0  }
0x25f: {  	[sflag:s16] =	ssyncadd.s32 $0xFFFFE000  }
0x260: {  	[spmem:s2] =	stream.indirect.scatter.add.f32 [tilespmem:s14], [sflag:$0x6], $0x8, s8, s30, $0xb8;
	[tilespmem:$0x1C960] =	vst v63  }
0x261: {  	_ = 	snop  }
0x262: {  	[spmem:s2] =	stream.indirect.scatter.add.f32 [tilespmem:s14], [sflag:$0x6], $0x8, s7, s30, $0xb8;
	[tilespmem:$0x1C960] =	vst v63  }
0x263: {  	_ =	swait.ge [sflag:s28], $0x400  }
0x264: {  	[sflag:s28] =	ssyncset.done $0x0  }
0x265: {  	[sflag:s28] =	ssyncadd.s32 $0xFFFFFC00  }
0x266: {  	_ =	swait.ge [sflag:s28], $0x400  }
0x267: {  	[sflag:s28] =	ssyncset.done $0x0  }
0x268: {  	[sflag:s28] =	ssyncadd.s32 $0xFFFFFC00  }
0x269: {  	_ =	swait.ge [sflag:s28], $0x400  }
0x26a: {  	[sflag:s28] =	ssyncset.done $0x0  }
0x26b: {  	[sflag:s28] =	ssyncadd.s32 $0xFFFFFC00  }
0x26c: {  	[tilespmem:s31], [sflag:$0x3] =	stream.indirect.gather [hbm4b:s29+s30], $0x8, s24, s30, $0xb8;
	[tilespmem:$0x1C960] =	vst v63  }
0x26d: {  	_ = 	snop  }
0x26e: {  	[tilespmem:s0], [sflag:$0x3] =	stream.indirect.gather [hbm4b:s29+s30], $0x8, s25, s30, $0xb8;
	[tilespmem:$0x1C960] =	vst v63  }
0x26f: {  	_ = 	snop  }
0x270: {  	[tilespmem:s1], [sflag:$0x3] =	stream.indirect.gather [hbm4b:s29+s30], $0x8, s26, s30, $0xb8;
	[tilespmem:$0x1C960] =	vst v63  }
0x271: {  	_ =	swait.ge [sflag:s17], $0x2000  }
0x272: {  	[sflag:s17] =	ssyncset.done $0x0  }
0x273: {  	[sflag:s17] =	ssyncadd.s32 $0xFFFFE000  }
0x274: {  	_ =	swait.ge [sflag:s17], $0x2000  }
0x275: {  	[sflag:s17] =	ssyncset.done $0x0  }
0x276: {  	[sflag:s17] =	ssyncadd.s32 $0xFFFFE000  }
0x277: {  	_ =	swait.ge [sflag:s17], $0x2000  }
0x278: {  	[sflag:s17] =	ssyncset.done $0x0  }
0x279: {  	[sflag:s17] =	ssyncadd.s32 $0xFFFFE000  }
0x27a: {  	_ =	swait.ge [sflag:s17], $0x2000  }
0x27b: {  	[sflag:s17] =	ssyncset.done $0x0  }
0x27c: {  	[sflag:s17] =	ssyncadd.s32 $0xFFFFE000  }
0x27d: {  	_ =	swait.ge [sflag:s17], $0x2000  }
0x27e: {  	[sflag:s17] =	ssyncset.done $0x0  }
0x27f: {  	[sflag:s17] =	ssyncadd.s32 $0xFFFFE000  }
0x280: {  	_ =	swait.ge [sflag:s17], $0x2000  }
0x281: {  	[sflag:s17] =	ssyncset.done $0x0  }
0x282: {  	s20 =	rddreg [dreg:$0x14];
	[sflag:s17] =	ssyncadd.s32 $0xFFFFE000  }
0x283: {  	[tilespmem:s7], [sflag:$0x2] =	stream.linear.gather [hbm4b:s20+s3], $0x400, $0x38;
	[tilespmem:$0x1C960] =	vst v63  }
0x284: {  	s21 =	rddreg [dreg:$0x15]  }
0x285: {  	[tilespmem:s8], [sflag:$0x2] =	stream.linear.gather [hbm4b:s21+s3], $0x400, $0x38;
	[tilespmem:$0x1C960] =	vst v63  }
0x286: {  	s4 =	rddreg [dreg:$0x16]  }
0x287: {  	[tilespmem:s9], [sflag:$0x2] =	stream.linear.gather [hbm4b:s4+s3], $0x400, $0x38;
	[tilespmem:$0x1C960] =	vst v63  }
0x288: {  	_ =	swait.ge [sflag:s10], $0x2000  }
0x289: {  	[sflag:s10] =	ssyncset.done $0x0  }
0x28a: {  	[sflag:s10] =	ssyncadd.s32 $0xFFFFE000  }
0x28b: {  	[spmem:s2] =	stream.indirect.scatter.add.f32 [tilespmem:s31], [sflag:$0x5], $0x8, s25, s30, $0xb8;
	[tilespmem:$0x1C960] =	vst v63  }
0x28c: {  	_ = 	snop  }
0x28d: {  	[spmem:s2] =	stream.indirect.scatter.add.f32 [tilespmem:s31], [sflag:$0x5], $0x8, s26, s30, $0xb8;
	[tilespmem:$0x1C960] =	vst v63  }
0x28e: {  	_ =	swait.ge [sflag:s10], $0x2000  }
0x28f: {  	[sflag:s10] =	ssyncset.done $0x0  }
0x290: {  	[sflag:s10] =	ssyncadd.s32 $0xFFFFE000  }
0x291: {  	[spmem:s2] =	stream.indirect.scatter.add.f32 [tilespmem:s0], [sflag:$0x5], $0x8, s24, s30, $0xb8;
	[tilespmem:$0x1C960] =	vst v63  }
0x292: {  	_ = 	snop  }
0x293: {  	[spmem:s2] =	stream.indirect.scatter.add.f32 [tilespmem:s0], [sflag:$0x5], $0x8, s26, s30, $0xb8;
	[tilespmem:$0x1C960] =	vst v63  }
0x294: {  	_ =	swait.ge [sflag:s10], $0x2000  }
0x295: {  	[sflag:s10] =	ssyncset.done $0x0  }
0x296: {  	[sflag:s10] =	ssyncadd.s32 $0xFFFFE000  }
0x297: {  	[spmem:s2] =	stream.indirect.scatter.add.f32 [tilespmem:s1], [sflag:$0x5], $0x8, s25, s30, $0xb8;
	[tilespmem:$0x1C960] =	vst v63  }
0x298: {  	_ = 	snop  }
0x299: {  	[spmem:s2] =	stream.indirect.scatter.add.f32 [tilespmem:s1], [sflag:$0x5], $0x8, s24, s30, $0xb8;
	[tilespmem:$0x1C960] =	vst v63  }
0x29a: {  	_ =	swait.ge [sflag:s11], $0x400  }
0x29b: {  	[sflag:s11] =	ssyncset.done $0x0  }
0x29c: {  	[sflag:s11] =	ssyncadd.s32 $0xFFFFFC00  }
0x29d: {  	_ =	swait.ge [sflag:s11], $0x400  }
0x29e: {  	[sflag:s11] =	ssyncset.done $0x0  }
0x29f: {  	[sflag:s11] =	ssyncadd.s32 $0xFFFFFC00  }
0x2a0: {  	_ =	swait.ge [sflag:s11], $0x400  }
0x2a1: {  	[sflag:s11] =	ssyncset.done $0x0  }
0x2a2: {  	[sflag:s11] =	ssyncadd.s32 $0xFFFFFC00  }
0x2a3: {  	[tilespmem:s12], [sflag:$0x4] =	stream.indirect.gather [hbm4b:s29+s30], $0x8, s7, s30, $0xb8;
	[tilespmem:$0x1C960] =	vst v63  }
0x2a4: {  	_ = 	snop  }
0x2a5: {  	[tilespmem:s13], [sflag:$0x4] =	stream.indirect.gather [hbm4b:s29+s30], $0x8, s8, s30, $0xb8;
	[tilespmem:$0x1C960] =	vst v63  }
0x2a6: {  	_ = 	snop  }
0x2a7: {  	[tilespmem:s14], [sflag:$0x4] =	stream.indirect.gather [hbm4b:s29+s30], $0x8, s9, s30, $0xb8;
	[tilespmem:$0x1C960] =	vst v63  }
0x2a8: {  	_ =	swait.ge [sflag:s16], $0x2000  }
0x2a9: {  	[sflag:s16] =	ssyncset.done $0x0  }
0x2aa: {  	[sflag:s16] =	ssyncadd.s32 $0xFFFFE000  }
0x2ab: {  	[spmem:s2] =	stream.indirect.scatter.add.f32 [tilespmem:s12], [sflag:$0x6], $0x8, s8, s30, $0xb8;
	[tilespmem:$0x1C960] =	vst v63  }
0x2ac: {  	_ = 	snop  }
0x2ad: {  	[spmem:s2] =	stream.indirect.scatter.add.f32 [tilespmem:s12], [sflag:$0x6], $0x8, s9, s30, $0xb8;
	[tilespmem:$0x1C960] =	vst v63  }
0x2ae: {  	_ =	swait.ge [sflag:s16], $0x2000  }
0x2af: {  	[sflag:s16] =	ssyncset.done $0x0  }
0x2b0: {  	[sflag:s16] =	ssyncadd.s32 $0xFFFFE000  }
0x2b1: {  	[spmem:s2] =	stream.indirect.scatter.add.f32 [tilespmem:s13], [sflag:$0x6], $0x8, s7, s30, $0xb8;
	[tilespmem:$0x1C960] =	vst v63  }
0x2b2: {  	_ = 	snop  }
0x2b3: {  	[spmem:s2] =	stream.indirect.scatter.add.f32 [tilespmem:s13], [sflag:$0x6], $0x8, s9, s30, $0xb8;
	[tilespmem:$0x1C960] =	vst v63  }
0x2b4: {  	_ =	swait.ge [sflag:s16], $0x2000  }
0x2b5: {  	[sflag:s16] =	ssyncset.done $0x0  }
0x2b6: {  	[sflag:s16] =	ssyncadd.s32 $0xFFFFE000  }
0x2b7: {  	[spmem:s2] =	stream.indirect.scatter.add.f32 [tilespmem:s14], [sflag:$0x6], $0x8, s8, s30, $0xb8;
	[tilespmem:$0x1C960] =	vst v63  }
0x2b8: {  	_ = 	snop  }
0x2b9: {  	[spmem:s2] =	stream.indirect.scatter.add.f32 [tilespmem:s14], [sflag:$0x6], $0x8, s7, s30, $0xb8;
	[tilespmem:$0x1C960] =	vst v63  }
0x2ba: {  	_ =	swait.ge [sflag:s15], $0x2000  }
0x2bb: {  	[sflag:s15] =	ssyncset.done $0x0  }
0x2bc: {  	[sflag:s15] =	ssyncadd.s32 $0xFFFFE000  }
0x2bd: {  	_ =	swait.ge [sflag:s15], $0x2000  }
0x2be: {  	[sflag:s15] =	ssyncset.done $0x0  }
0x2bf: {  	[sflag:s15] =	ssyncadd.s32 $0xFFFFE000  }
0x2c0: {  	_ =	swait.ge [sflag:s15], $0x2000  }
0x2c1: {  	[sflag:s15] =	ssyncset.done $0x0  }
0x2c2: {  	[sflag:s15] =	ssyncadd.s32 $0xFFFFE000  }
0x2c3: {  	_ =	swait.ge [sflag:s15], $0x2000  }
0x2c4: {  	[sflag:s15] =	ssyncset.done $0x0  }
0x2c5: {  	[sflag:s15] =	ssyncadd.s32 $0xFFFFE000  }
0x2c6: {  	_ =	swait.ge [sflag:s15], $0x2000  }
0x2c7: {  	[sflag:s15] =	ssyncset.done $0x0  }
0x2c8: {  	[sflag:s15] =	ssyncadd.s32 $0xFFFFE000  }
0x2c9: {  	_ =	swait.ge [sflag:s15], $0x2000  }
0x2ca: {  	[sflag:s15] =	ssyncset.done $0x0  }
0x2cb: {  	[sflag:s15] =	ssyncadd.s32 $0xFFFFE000  }
0x2cc: {  	_ =	swait.ge [sflag:s17], $0x2000  }
0x2cd: {  	[sflag:s17] =	ssyncset.done $0x0  }
0x2ce: {  	[sflag:s17] =	ssyncadd.s32 $0xFFFFE000  }
0x2cf: {  	_ =	swait.ge [sflag:s17], $0x2000  }
0x2d0: {  	[sflag:s17] =	ssyncset.done $0x0  }
0x2d1: {  	[sflag:s17] =	ssyncadd.s32 $0xFFFFE000  }
0x2d2: {  	_ =	swait.ge [sflag:s17], $0x2000  }
0x2d3: {  	[sflag:s17] =	ssyncset.done $0x0  }
0x2d4: {  	[sflag:s17] =	ssyncadd.s32 $0xFFFFE000  }
0x2d5: {  	_ =	swait.ge [sflag:s17], $0x2000  }
0x2d6: {  	[sflag:s17] =	ssyncset.done $0x0  }
0x2d7: {  	[sflag:s17] =	ssyncadd.s32 $0xFFFFE000  }
0x2d8: {  	_ =	swait.ge [sflag:s17], $0x2000  }
0x2d9: {  	[sflag:s17] =	ssyncset.done $0x0  }
0x2da: {  	[sflag:s17] =	ssyncadd.s32 $0xFFFFE000  }
0x2db: {  	_ =	swait.ge [sflag:s17], $0x2000  }
0x2dc: {  	[sflag:s17] =	ssyncset.done $0x0  }
0x2dd: {  	s4 =	simm.s32 $0x19C00;
	s5 =	rddreg [dreg:$0x17];
	[sflag:s17] =	ssyncadd.s32 $0xFFFFE000  }
0x2de: {  	[tilespmem:s4], [sflag:$0x7] =	stream.linear.gather [hbm4b:s5+s3], $0x70, $0x38;
	[tilespmem:$0x1C960] =	vst v63  }
0x2df: {  	_ =	swait.ge [sflag:s23], $0x70  }
0x2e0: {  	[sflag:s23] =	ssyncset.done $0x0  }
0x2e1: {  	s5 =	simm.s32 $0x19C70;
	s20 =	rddreg [dreg:$0x18];
	[sflag:s23] =	ssyncadd.s32 $0xFFFFFF90  }
0x2e2: {  	[tilespmem:s5], [sflag:$0x7] =	stream.linear.gather [hbm4b:s20+s3], $0x70, $0x38;
	[tilespmem:$0x1C960] =	vst v63  }
0x2e3: {  	_ =	swait.ge [sflag:s23], $0x70  }
0x2e4: {  	[sflag:s23] =	ssyncset.done $0x0  }
0x2e5: {  	s20 =	simm.s32 $0x19CE0;
	s21 =	rddreg [dreg:$0x19];
	[sflag:s23] =	ssyncadd.s32 $0xFFFFFF90  }
0x2e6: {  	[tilespmem:s20], [sflag:$0x7] =	stream.linear.gather [hbm4b:s21+s3], $0x70, $0x38;
	[tilespmem:$0x1C960] =	vst v63  }
0x2e7: {  	_ =	swait.ge [sflag:s23], $0x70  }
0x2e8: {  	[sflag:s23] =	ssyncset.done $0x0  }
0x2e9: {  	s19 =	simm.s32 $0x70;
	s21 =	simm.s32 $0x19D50;
	[sflag:s23] =	ssyncadd.s32 $0xFFFFFF90  }
0x2ea: {  	[tilespmem:s21], [sflag:$0x7] =	stream.indirect.gather [hbm4b:s29+s19], $0x8, s4, s19, $0xb8;
	[tilespmem:$0x1C960] =	vst v63  }
0x2eb: {  	_ =	swait.ge [sflag:s23], $0x380  }
0x2ec: {  	[sflag:s23] =	ssyncset.done $0x0  }
0x2ed: {  	[sflag:s23] =	ssyncadd.s32 $0xFFFFFC80  }
0x2ee: {  	[spmem:s2] =	stream.indirect.scatter.add.f32 [tilespmem:s21], [sflag:$0x7], $0x8, s5, s19, $0xb8;
	[tilespmem:$0x1C960] =	vst v63  }
0x2ef: {  	_ =	swait.ge [sflag:s23], $0x380  }
0x2f0: {  	[sflag:s23] =	ssyncset.done $0x0  }
0x2f1: {  	[sflag:s23] =	ssyncadd.s32 $0xFFFFFC80  }
0x2f2: {  	[spmem:s2] =	stream.indirect.scatter.add.f32 [tilespmem:s21], [sflag:$0x7], $0x8, s20, s19, $0xb8;
	[tilespmem:$0x1C960] =	vst v63  }
0x2f3: {  	_ =	swait.ge [sflag:s23], $0x380  }
0x2f4: {  	[sflag:s23] =	ssyncset.done $0x0  }
0x2f5: {  	[sflag:s23] =	ssyncadd.s32 $0xFFFFFC80  }
0x2f6: {  	[tilespmem:s21], [sflag:$0x7] =	stream.indirect.gather [hbm4b:s29+s19], $0x8, s5, s19, $0xb8;
	[tilespmem:$0x1C960] =	vst v63  }
0x2f7: {  	_ =	swait.ge [sflag:s23], $0x380  }
0x2f8: {  	[sflag:s23] =	ssyncset.done $0x0  }
0x2f9: {  	[sflag:s23] =	ssyncadd.s32 $0xFFFFFC80  }
0x2fa: {  	[spmem:s2] =	stream.indirect.scatter.add.f32 [tilespmem:s21], [sflag:$0x7], $0x8, s4, s19, $0xb8;
	[tilespmem:$0x1C960] =	vst v63  }
0x2fb: {  	_ =	swait.ge [sflag:s23], $0x380  }
0x2fc: {  	[sflag:s23] =	ssyncset.done $0x0  }
0x2fd: {  	[sflag:s23] =	ssyncadd.s32 $0xFFFFFC80  }
0x2fe: {  	[spmem:s2] =	stream.indirect.scatter.add.f32 [tilespmem:s21], [sflag:$0x7], $0x8, s20, s19, $0xb8;
	[tilespmem:$0x1C960] =	vst v63  }
0x2ff: {  	_ =	swait.ge [sflag:s23], $0x380  }
0x300: {  	[sflag:s23] =	ssyncset.done $0x0  }
0x301: {  	[sflag:s23] =	ssyncadd.s32 $0xFFFFFC80  }
0x302: {  	[tilespmem:s21], [sflag:$0x7] =	stream.indirect.gather [hbm4b:s29+s19], $0x8, s20, s19, $0xb8;
	[tilespmem:$0x1C960] =	vst v63  }
0x303: {  	_ =	swait.ge [sflag:s23], $0x380  }
0x304: {  	[sflag:s23] =	ssyncset.done $0x0  }
0x305: {  	[sflag:s23] =	ssyncadd.s32 $0xFFFFFC80  }
0x306: {  	[spmem:s2] =	stream.indirect.scatter.add.f32 [tilespmem:s21], [sflag:$0x7], $0x8, s5, s19, $0xb8;
	[tilespmem:$0x1C960] =	vst v63  }
0x307: {  	_ =	swait.ge [sflag:s23], $0x380  }
0x308: {  	[sflag:s23] =	ssyncset.done $0x0  }
.Ltmp3:
0x309: {  	[sflag:s23] =	ssyncadd.s32 $0xFFFFFC80;
	(pc) =	sbr.rel .LBB2_4-.Ltmp3, $4  }
0x30a: {  	[spmem:s2] =	stream.indirect.scatter.add.f32 [tilespmem:s21], [sflag:$0x7], $0x8, s4, s19, $0xb8;
	[tilespmem:$0x1C960] =	vst v63  }
0x30b: {  	_ =	swait.ge [sflag:s23], $0x380  }
0x30c: {  	[sflag:s23] =	ssyncset.done $0x0  }
0x30d: {  	[sflag:s23] =	ssyncadd.s32 $0xFFFFFC80  }
.LBB2_5:
0x30e: {  	_ =	sfence.sel $0x180000  }
0x30f: {  	[bflag:$0x0] =	sbarrier.arrive $0xFFFF  }
0x310: {  	_ =	strace $0x90000047  }
0x311: {  	s0 =	stileid.u32;
	[bflag:$0x2] =	sbarrier.arrive $0xFFFF  }
0x312: {  	p0 =	sne.s32 s0, $0x0;
	s0 =	rddreg [dreg:$0x2]  }
0x313: {  	s0 =	sadd.s32 @!p0 $0x100000, s0  }
0x314: {  	[sflag:s0] =	ssyncadd.tile.s32 @!p0 $0x1;
	_ =	shalt  }
.Lfunc_end2:
_tile_overlayer_lowered:
.L_overlay_start_2:
0x315: {  	(tag) =	ssettag $0x2  }
0x316: {  	s0 =	rddreg [dreg:$0x0];
	s2 =	stileid.u32  }
0x317: {  	s1 =	rddreg [dreg:$0x1];
	p0 =	sne.s32 s2, $0x0  }
0x318: {  	s3 =	rddreg [dreg:$0x2];
	[bflag:$0x3] =	sbarrier.arrive $0xFFFF;
	s2 =	simm.s32 @!p0 $0x1C07  }
0x319: {  	[timem:s3], [sflag:s2] =	dma.local @!p0 [hbm:s0], s1  }
0x31a: {  	s0 =	simm.s32 @!p0 $0x7  }
0x31b: {  	_ =	swait.ge @!p0 [sflag:s0], s1  }
0x31c: {  	s1 =	ssub.s32 @!p0 $0x0, s1;
	[sflag:s0] =	ssyncset.done @!p0 $0x0  }
0x31d: {  	[sflag:s0] =	ssyncadd.s32 @!p0 s1  }
0x31e: {  	[bflag:$0x3] =	sbarrier.arrive $0xFFFF  }
0x31f: {  	_ =	shalt  }

</sc_bundles>
